<compile_context>
chip_gen: v7x
topology: tpu7x:2x2x1
jax: 0.10.2.dev20260603
libtpu: 0.0.44.dev20260713+nightly
codegen_flags: <defaults>
</compile_context>

<pallas_src>
import functools

import jax
import jax.numpy as jnp
from jax import lax
from jax.experimental import pallas as pl
from jax.experimental.pallas import tpu as pltpu, tpu_sc as plsc

_N = 10000
_NP = 10240
_E = 320000
_B = 4096
_NC = 2
_NS = 16
_NW = _NC * _NS

_HIGH = jax.lax.Precision.HIGHEST


def _dot(a, b):
    return jnp.dot(a, b, precision=_HIGH, preferred_element_type=jnp.float32)


def _make_segsum(W, CH=80, NB=4):
    EPW = _E // _NW
    NCH = EPW // CH
    RPT = _NP // _NS
    mesh = plsc.VectorSubcoreMesh(core_axis_name="c", subcore_axis_name="s")

    NG = NCH // NB
    TAIL = NCH - NG * NB

    @functools.partial(
        pl.kernel,
        out_type=jax.ShapeDtypeStruct((_NC, _NP, W), jnp.float32),
        mesh=mesh,
        scratch_types=[
            [pltpu.VMEM((CH,), jnp.int32)] * NB,
            [pltpu.VMEM((CH,), jnp.int32)] * NB,
            [pltpu.VMEM((CH, W), jnp.float32)] * NB,
            pltpu.VMEM_SHARED((_NP, W), jnp.float32),
            [pltpu.SemaphoreType.DMA] * NB,
            [pltpu.SemaphoreType.DMA] * NB,
            [pltpu.SemaphoreType.DMA] * NB,
            [pltpu.SemaphoreType.DMA] * NB,
        ],
    )
    def seg(h_hbm, src_hbm, dst_hbm, zeros_hbm, out_hbm,
            sb, db, rb, accum, isem, jsem, gsem, ssem):
        cid = lax.axis_index("c")
        sid = lax.axis_index("s")
        wid = sid * _NC + cid
        base = wid * EPW
        pltpu.sync_copy(zeros_hbm, accum.at[pl.ds(sid * RPT, RPT)])
        plsc.subcore_barrier()

        def group(g, carry):
            c0 = base + g * (NB * CH)
            idescs, jdescs, gdescs = [], [], []
            for b in range(NB):
                @pl.when(g > 0)
                def _drain():
                    pltpu.make_async_copy(rb[b], accum.at[db[b]],
                                          ssem[b]).wait()

                off = pl.multiple_of(c0 + b * CH, 8)
                idescs.append(pltpu.async_copy(
                    src_hbm.at[pl.ds(off, CH)], sb[b], isem[b]))
                jdescs.append(pltpu.async_copy(
                    dst_hbm.at[pl.ds(off, CH)], db[b], jsem[b]))
            for b in range(NB):
                idescs[b].wait()
                gdescs.append(pltpu.async_copy(h_hbm.at[sb[b]], rb[b],
                                               gsem[b]))
            for b in range(NB):
                gdescs[b].wait()
                jdescs[b].wait()
                pltpu.async_copy(rb[b], accum.at[db[b]], ssem[b], add=True)
            return carry

        lax.fori_loop(0, NG, group, 0)
        for b in range(NB):
            pltpu.make_async_copy(rb[b], accum.at[db[b]], ssem[b]).wait()
        for t in range(TAIL):
            off = pl.multiple_of(base + (NG * NB + t) * CH, 8)
            pltpu.sync_copy(src_hbm.at[pl.ds(off, CH)], sb[t])
            pltpu.sync_copy(dst_hbm.at[pl.ds(off, CH)], db[t])
            pltpu.async_copy(h_hbm.at[sb[t]], rb[t], gsem[t]).wait()
            pltpu.sync_copy(rb[t], accum.at[db[t]], add=True)
        plsc.subcore_barrier()
        pltpu.sync_copy(accum.at[pl.ds(sid * RPT, RPT)],
                        out_hbm.at[cid, pl.ds(sid * RPT, RPT)])

    return seg


def _make_pair_gather(W):
    BPW = _B // _NW
    mesh = plsc.VectorSubcoreMesh(core_axis_name="c", subcore_axis_name="s")

    @functools.partial(
        pl.kernel,
        out_type=(jax.ShapeDtypeStruct((_B, W), jnp.float32),
                  jax.ShapeDtypeStruct((_B, W), jnp.float32)),
        mesh=mesh,
        scratch_types=[
            pltpu.VMEM((BPW,), jnp.int32),
            pltpu.VMEM((BPW, W), jnp.float32),
            pltpu.SemaphoreType.DMA,
        ],
    )
    def gat(tab_hbm, bid_hbm, aid_hbm, outb_hbm, outa_hbm, idx, rows, sem):
        cid = lax.axis_index("c")
        sid = lax.axis_index("s")
        base = (sid * _NC + cid) * BPW
        pltpu.sync_copy(bid_hbm.at[pl.ds(base, BPW)], idx)
        pltpu.async_copy(tab_hbm.at[idx], rows, sem).wait()
        pltpu.sync_copy(rows, outb_hbm.at[pl.ds(base, BPW)])
        pltpu.sync_copy(aid_hbm.at[pl.ds(base, BPW)], idx)
        pltpu.async_copy(tab_hbm.at[idx], rows, sem).wait()
        pltpu.sync_copy(rows, outa_hbm.at[pl.ds(base, BPW)])

    return gat


def _tc1(part1, x, w1l, b1, w1r, w2l):
    RB = 1000

    def body(p_ref, x_ref, wl_ref, b_ref, wr_ref, w2_ref, z1_ref, h2_ref):
        agg = p_ref[0] + p_ref[1]
        z1 = jnp.maximum(
            _dot(agg, wl_ref[...]) + b_ref[...] + _dot(x_ref[...], wr_ref[...]),
            0.0)
        z1_ref[...] = z1
        h2_ref[...] = _dot(z1, w2_ref[...])

    return pl.pallas_call(
        body,
        grid=(_N // RB,),
        in_specs=[
            pl.BlockSpec((2, RB, 128), lambda i: (0, i, 0)),
            pl.BlockSpec((RB, 128), lambda i: (i, 0)),
            pl.BlockSpec((128, 256), lambda i: (0, 0)),
            pl.BlockSpec((1, 256), lambda i: (0, 0)),
            pl.BlockSpec((128, 256), lambda i: (0, 0)),
            pl.BlockSpec((256, 128), lambda i: (0, 0)),
        ],
        out_specs=[pl.BlockSpec((RB, 256), lambda i: (i, 0)),
                   pl.BlockSpec((RB, 128), lambda i: (i, 0))],
        out_shape=[jax.ShapeDtypeStruct((_N, 256), jnp.float32),
                   jax.ShapeDtypeStruct((_N, 128), jnp.float32)],
    )(part1, x, w1l, b1, w1r, w2l)


def _tc2(part2, z1, w2r, b2):
    RB = 1000

    def body(p_ref, z1_ref, wr_ref, b_ref, z2_ref):
        z2_ref[...] = jnp.maximum(
            p_ref[0] + p_ref[1] + b_ref[...] + _dot(z1_ref[...], wr_ref[...]),
            0.0)

    return pl.pallas_call(
        body,
        grid=(_N // RB,),
        in_specs=[
            pl.BlockSpec((2, RB, 128), lambda i: (0, i, 0)),
            pl.BlockSpec((RB, 256), lambda i: (i, 0)),
            pl.BlockSpec((256, 128), lambda i: (0, 0)),
            pl.BlockSpec((1, 128), lambda i: (0, 0)),
        ],
        out_specs=pl.BlockSpec((RB, 128), lambda i: (i, 0)),
        out_shape=jax.ShapeDtypeStruct((_N, 128), jnp.float32),
    )(part2, z1, w2r, b2)


def _tc3(part3, z2, w3l_p, w3r_p, b3_p):
    NPG = 10016
    RB = 2504

    def body(p_ref, z2_ref, wl_ref, wr_ref, b_ref, tab_ref):
        i = pl.program_id(0)
        row = i * RB + lax.broadcasted_iota(jnp.int32, (RB, 1), 0)
        agg = p_ref[0] + p_ref[1]
        val = jnp.tanh(
            _dot(agg, wl_ref[...]) + b_ref[...]
            + _dot(z2_ref[...], wr_ref[...]))
        tab_ref[...] = jnp.where(row < _N, val, 0.0)

    return pl.pallas_call(
        body,
        grid=(NPG // RB,),
        in_specs=[
            pl.BlockSpec((2, RB, 128), lambda i: (0, i, 0)),
            pl.BlockSpec((RB, 128), lambda i: (i, 0)),
            pl.BlockSpec((128, 128), lambda i: (0, 0)),
            pl.BlockSpec((128, 128), lambda i: (0, 0)),
            pl.BlockSpec((1, 128), lambda i: (0, 0)),
        ],
        out_specs=pl.BlockSpec((RB, 128), lambda i: (i, 0)),
        out_shape=jax.ShapeDtypeStruct((NPG, 128), jnp.float32),
    )(part3, z2, w3l_p, w3r_p, b3_p)


def _tc_vae(act_vec, zb, za, eps_a, eps_g, ws):
    def body(act_ref, zb_ref, za_ref, ea_ref, eg_ref,
             a_w1, a_b1, a_w2, a_b2, amu_w, amu_b, alv_w, alv_b,
             go_w1a, go_w1b, go_b1, go_w2, go_b2,
             gmu_w, gmu_b, glv_w, glv_b,
             d_w1a, d_w1b, d_b1, d_w2, d_b2, d_w3, d_b3, d_w4, d_b4,
             recon_ref, akl_ref, gkl_ref):
        act = act_ref[...]
        h = _dot(jnp.maximum(_dot(act, a_w1[...]) + a_b1[...], 0.0),
                 a_w2[...]) + a_b2[...]
        hr = jnp.maximum(h, 0.0)
        a_mu = _dot(hr, amu_w[...]) + amu_b[...]
        a_lv = _dot(hr, alv_w[...]) + alv_b[...]
        act_z = ea_ref[...] * jnp.exp(0.5 * a_lv) + a_mu

        gv1 = jnp.maximum(
            _dot(act_z, go_w1a[...]) + _dot(zb_ref[...][:, :64], go_w1b[...])
            + go_b1[...], 0.0)
        gv = _dot(gv1, go_w2[...]) + go_b2[...]
        gvr = jnp.maximum(gv, 0.0)
        g_mu = _dot(gvr, gmu_w[...]) + gmu_b[...]
        g_lv = _dot(gvr, glv_w[...]) + glv_b[...]
        graph_z = eg_ref[...] * jnp.exp(0.5 * g_lv) + g_mu

        t1 = jnp.maximum(
            _dot(act_z, d_w1a[...]) + _dot(graph_z, d_w1b[...]) + d_b1[...],
            0.0)
        t2 = _dot(t1, d_w2[...]) + d_b2[...]
        t3 = jnp.maximum(t2, 0.0)
        t4 = jnp.maximum(_dot(t3, d_w3[...]) + d_b3[...], 0.0)
        dec = _dot(t4, d_w4[...]) + d_b4[...]

        diff = dec - za_ref[...][:, :64]
        recon_ref[...] = (jnp.sum(diff * diff)
                          * (1.0 / diff.size)).reshape(1, 1)
        akl_ref[...] = (-0.5 * jnp.sum(1.0 + a_lv - a_mu * a_mu
                                       - jnp.exp(a_lv))).reshape(1, 1)
        gkl_ref[...] = (-0.5 * jnp.sum(1.0 + g_lv - g_mu * g_mu
                                       - jnp.exp(g_lv))).reshape(1, 1)

    outs = pl.pallas_call(
        body,
        out_shape=[jax.ShapeDtypeStruct((1, 1), jnp.float32)] * 3,
    )(act_vec, zb, za, eps_a, eps_g, *ws)
    return outs


_segsum128 = _make_segsum(128)
_pair_gather = _make_pair_gather(128)


def kernel(act_vec, x, params, before_id, after_id, edge_index):
    p = params
    src = edge_index[0]
    dst = edge_index[1]
    zeros128 = jnp.zeros((_NP // _NS, 128), jnp.float32)

    def b(v):
        return v.reshape(1, -1)

    def pad64(w):
        return jnp.pad(w, [(0, 0)] * (w.ndim - 1) + [(0, 64)])

    part1 = _segsum128(x, src, dst, zeros128)
    z1, h2 = _tc1(part1, x, p['g1_wl'], b(p['g1_bl']), p['g1_wr'], p['g2_wl'])
    part2 = _segsum128(h2, src, dst, zeros128)
    z2 = _tc2(part2, z1, p['g2_wr'], b(p['g2_bl']))
    part3 = _segsum128(z2, src, dst, zeros128)
    tab = _tc3(part3, z2, pad64(p['g3_wl']), pad64(p['g3_wr']),
               pad64(b(p['g3_bl'])))

    zb, za = _pair_gather(tab, before_id, after_id)

    eps_a = jax.random.normal(jax.random.key(42), (_B, 32), jnp.float32)
    eps_g = jax.random.normal(jax.random.key(43), (_B, 64), jnp.float32)
    ws = [
        p['a_w1'], b(p['a_b1']), p['a_w2'], b(p['a_b2']),
        p['amu_w'], b(p['amu_b']), p['alv_w'], b(p['alv_b']),
        p['go_w1'][:32], p['go_w1'][32:], b(p['go_b1']),
        p['go_w2'], b(p['go_b2']),
        p['gmu_w'], b(p['gmu_b']), p['glv_w'], b(p['glv_b']),
        p['d_w1'][:32], p['d_w1'][32:], b(p['d_b1']),
        p['d_w2'], b(p['d_b2']), p['d_w3'], b(p['d_b3']),
        p['d_w4'], b(p['d_b4']),
    ]
    recon, akl, gkl = _tc_vae(act_vec, zb, za, eps_a, eps_g, ws)
    return (recon[0, 0], akl[0, 0], gkl[0, 0])

# --- scband reference (transcript-rebuilt; emitter-appended) ---
"""Pipeline reference for scband-hvae-89258010345711 (READ-ONLY COPY).

The authoritative reference and input builder live on the scoring server;
editing this copy changes nothing except your own understanding.
"""

import jax, jax.numpy as jnp
import numpy as np

N = 10000
E = 320000
D = 128
B = 4096
NA = 128
AL = 32
OL = 64


def _lin(x, W, b):
    return x @ W + b


def _sage(x, src, dst, Wl, bl, Wr):
    # PyG SAGEConv with aggr='sum': out = lin_l(sum_{j in N(i)} x_j) + lin_r(x_i)
    msg = x[src]
    aggr = jax.ops.segment_sum(msg, dst, num_segments=x.shape[0])
    return aggr @ Wl + bl + x @ Wr


def _make_params(key):
    ks = iter(jax.random.split(key, 64))

    def W(i, o):
        return jax.random.normal(next(ks), (i, o), jnp.float32) * (1.0 / np.sqrt(i))

    def bvec(o):
        return jnp.zeros((o,), jnp.float32)

    p = {}
    p['a_w1'], p['a_b1'] = W(NA, AL * 4), bvec(AL * 4)
    p['a_w2'], p['a_b2'] = W(AL * 4, AL * 2), bvec(AL * 2)
    p['amu_w'], p['amu_b'] = W(AL * 2, AL), bvec(AL)
    p['alv_w'], p['alv_b'] = W(AL * 2, AL), bvec(AL)
    p['g1_wl'], p['g1_bl'], p['g1_wr'] = W(D, OL * 4), bvec(OL * 4), W(D, OL * 4)
    p['g2_wl'], p['g2_bl'], p['g2_wr'] = W(OL * 4, OL * 2), bvec(OL * 2), W(OL * 4, OL * 2)
    p['g3_wl'], p['g3_bl'], p['g3_wr'] = W(OL * 2, OL), bvec(OL), W(OL * 2, OL)
    p['go_w1'], p['go_b1'] = W(OL + AL, OL * 4), bvec(OL * 4)
    p['go_w2'], p['go_b2'] = W(OL * 4, OL * 2), bvec(OL * 2)
    p['gmu_w'], p['gmu_b'] = W(OL * 2, OL), bvec(OL)
    p['glv_w'], p['glv_b'] = W(OL * 2, OL), bvec(OL)
    p['d_w1'], p['d_b1'] = W(OL + AL, OL * 2), bvec(OL * 2)
    p['d_w2'], p['d_b2'] = W(OL * 2, OL * 4), bvec(OL * 4)
    p['d_w3'], p['d_b3'] = W(OL * 4, OL * 2), bvec(OL * 2)
    p['d_w4'], p['d_b4'] = W(OL * 2, OL), bvec(OL)
    return p


def setup_inputs(seed: int = 0):
    key = jax.random.key(seed)
    k1, k2, k3, k4, k5, kp = jax.random.split(key, 6)
    x = jax.random.normal(k1, (N, D), jnp.float32)
    edge_index = jax.random.randint(k2, (2, E), 0, N)
    act_vec = jax.random.normal(k3, (B, NA), jnp.float32)
    before_id = jax.random.randint(k4, (B,), 0, N + 1)
    after_id = jax.random.randint(k5, (B,), 0, N + 1)
    params = _make_params(kp)
    return {'act_vec': act_vec, 'x': x, 'params': params,
            'before_id': before_id, 'after_id': after_id, 'edge_index': edge_index}


def reference(act_vec, x, params, before_id, after_id, edge_index):
    p = params
    src, dst = edge_index[0], edge_index[1]
    # _graph_embed
    z = jax.nn.relu(_sage(x, src, dst, p['g1_wl'], p['g1_bl'], p['g1_wr']))
    z = jax.nn.relu(_sage(z, src, dst, p['g2_wl'], p['g2_bl'], p['g2_wr']))
    z = jnp.tanh(_sage(z, src, dst, p['g3_wl'], p['g3_bl'], p['g3_wr']))
    z_nodes = jnp.concatenate([z, jnp.zeros((1, z.shape[1]), z.dtype)], axis=0)
    z_before = z_nodes[before_id]
    z_after = z_nodes[after_id]
    # encode_action (training path, fixed eps for determinism)
    h = _lin(jax.nn.relu(_lin(act_vec, p['a_w1'], p['a_b1'])), p['a_w2'], p['a_b2'])
    a_mu = _lin(jax.nn.relu(h), p['amu_w'], p['amu_b'])
    a_logvar = _lin(jax.nn.relu(h), p['alv_w'], p['alv_b'])
    eps_a = jax.random.normal(jax.random.key(42), a_mu.shape, jnp.float32)
    act_z = eps_a * jnp.exp(0.5 * a_logvar) + a_mu
    # encode_graph_obs
    gv = jnp.concatenate([act_z, z_before], axis=1)
    gv = _lin(jax.nn.relu(_lin(gv, p['go_w1'], p['go_b1'])), p['go_w2'], p['go_b2'])
    g_mu = _lin(jax.nn.relu(gv), p['gmu_w'], p['gmu_b'])
    g_logvar = _lin(jax.nn.relu(gv), p['glv_w'], p['glv_b'])
    eps_g = jax.random.normal(jax.random.key(43), g_mu.shape, jnp.float32)
    graph_z = eps_g * jnp.exp(0.5 * g_logvar) + g_mu
    # decoder: two_layer(96,128,256) -> ReLU -> two_layer(256,128,64)
    d = jnp.concatenate([act_z, graph_z], axis=1)
    d = _lin(jax.nn.relu(_lin(d, p['d_w1'], p['d_b1'])), p['d_w2'], p['d_b2'])
    d = jax.nn.relu(d)
    decoded = _lin(jax.nn.relu(_lin(d, p['d_w3'], p['d_b3'])), p['d_w4'], p['d_b4'])
    recon_loss = jnp.mean((decoded - z_after) ** 2)
    a_kl = -0.5 * jnp.sum(1 + a_logvar - a_mu ** 2 - jnp.exp(a_logvar))
    g_kl = -0.5 * jnp.sum(1 + g_logvar - g_mu ** 2 - jnp.exp(g_logvar))
    return (recon_loss, a_kl, g_kl)

if __name__ == "__main__":
    import jax
    _d = setup_inputs()
    print(jax.jit(kernel)(*tuple(_d.values())))

</pallas_src>

<mosaic_0001>
#map = affine_map<(d0, d1) -> (0, 0)>
#map1 = affine_map<(d0, d1) -> (0)>
#map2 = affine_map<(d0, d1) -> (0, 0, 0)>
module attributes {stable_mosaic.version = 14 : i64} {
  func.func @seg(%arg0: i32, %arg1: i32, %arg2: memref<10000x128xf32, #tpu.memory_space<hbm>>, %arg3: memref<320000xi32, #tpu.memory_space<hbm>>, %arg4: memref<320000xi32, #tpu.memory_space<hbm>>, %arg5: memref<640x128xf32, #tpu.memory_space<hbm>>, %arg6: memref<2x10240x128xf32, #tpu.memory_space<hbm>>, %arg7: memref<80xi32, #tpu.memory_space<vmem>>, %arg8: memref<80xi32, #tpu.memory_space<vmem>>, %arg9: memref<80xi32, #tpu.memory_space<vmem>>, %arg10: memref<80xi32, #tpu.memory_space<vmem>>, %arg11: memref<80xi32, #tpu.memory_space<vmem>>, %arg12: memref<80xi32, #tpu.memory_space<vmem>>, %arg13: memref<80xi32, #tpu.memory_space<vmem>>, %arg14: memref<80xi32, #tpu.memory_space<vmem>>, %arg15: memref<80x128xf32, #tpu.memory_space<vmem>>, %arg16: memref<80x128xf32, #tpu.memory_space<vmem>>, %arg17: memref<80x128xf32, #tpu.memory_space<vmem>>, %arg18: memref<80x128xf32, #tpu.memory_space<vmem>>, %arg19: memref<10240x128xf32, #tpu.memory_space<vmem_shared>>, %arg20: memref<!tpu.dma_semaphore, #tpu.memory_space<semaphore_mem>>, %arg21: memref<!tpu.dma_semaphore, #tpu.memory_space<semaphore_mem>>, %arg22: memref<!tpu.dma_semaphore, #tpu.memory_space<semaphore_mem>>, %arg23: memref<!tpu.dma_semaphore, #tpu.memory_space<semaphore_mem>>, %arg24: memref<!tpu.dma_semaphore, #tpu.memory_space<semaphore_mem>>, %arg25: memref<!tpu.dma_semaphore, #tpu.memory_space<semaphore_mem>>, %arg26: memref<!tpu.dma_semaphore, #tpu.memory_space<semaphore_mem>>, %arg27: memref<!tpu.dma_semaphore, #tpu.memory_space<semaphore_mem>>, %arg28: memref<!tpu.dma_semaphore, #tpu.memory_space<semaphore_mem>>, %arg29: memref<!tpu.dma_semaphore, #tpu.memory_space<semaphore_mem>>, %arg30: memref<!tpu.dma_semaphore, #tpu.memory_space<semaphore_mem>>, %arg31: memref<!tpu.dma_semaphore, #tpu.memory_space<semaphore_mem>>, %arg32: memref<!tpu.dma_semaphore, #tpu.memory_space<semaphore_mem>>, %arg33: memref<!tpu.dma_semaphore, #tpu.memory_space<semaphore_mem>>, %arg34: memref<!tpu.dma_semaphore, #tpu.memory_space<semaphore_mem>>, %arg35: memref<!tpu.dma_semaphore, #tpu.memory_space<semaphore_mem>>) attributes {dimension_semantics = [#tpu.dimension_semantics<core_parallel>, #tpu.dimension_semantics<subcore_parallel>], iteration_bounds = array<i64: 2, 16>, scalar_prefetch = 0 : i64, scratch_operands = 29 : i64, tpu.core_type = #tpu.core_type<sc_vector_subcore>, window_params = [{transform_indices = #map}, {transform_indices = #map1}, {transform_indices = #map1}, {transform_indices = #map}, {transform_indices = #map2}]} {
    %mul3A = arith.constant 2 : i32
    %mul3A_0 = arith.muli %arg1, %mul3A : i32
    %add3A = arith.addi %mul3A_0, %arg0 : i32
    %mul3A_1 = arith.constant 10000 : i32
    %mul3A_2 = arith.muli %add3A, %mul3A_1 : i32
    %mul3A_3 = arith.constant 640 : i32
    %mul3A_4 = arith.muli %arg1, %mul3A_3 : i32
    "tpu.region"() ({
      %run_scoped3A = tpu.sem_alloc : memref<!tpu.dma_semaphore, #tpu.memory_space<semaphore_mem>>
      %dma_start3A_33 = arith.constant 0 : i32
      %dma_start3A_34 = tpu.memref_slice %arg19[%mul3A_4, %dma_start3A_33] : memref<10240x128xf32, #tpu.memory_space<vmem_shared>> -> memref<640x128xf32, #tpu.memory_space<vmem_shared>>
      tpu.enqueue_dma source(%arg5 : memref<640x128xf32, #tpu.memory_space<hbm>>) target(%dma_start3A_34 : memref<640x128xf32, #tpu.memory_space<vmem_shared>>) target_semaphore(%run_scoped3A : memref<!tpu.dma_semaphore, #tpu.memory_space<semaphore_mem>>)
      %dma_wait3A_35 = arith.constant 0 : i32
      %dma_wait3A_36 = tpu.memref_slice %arg19[%mul3A_4, %dma_wait3A_35] : memref<10240x128xf32, #tpu.memory_space<vmem_shared>> -> memref<640x128xf32, #tpu.memory_space<vmem_shared>>
      tpu.wait_dma2 semaphore(%run_scoped3A : memref<!tpu.dma_semaphore, #tpu.memory_space<semaphore_mem>>) src(%arg5 : memref<640x128xf32, #tpu.memory_space<hbm>>) dst(%dma_wait3A_36 : memref<640x128xf32, #tpu.memory_space<vmem_shared>>)
      tpu.yield
    }) : () -> ()
    %barrier3A = arith.constant 0 : index
    tpu.barrier barrier_id(%barrier3A)
    %scan3A = arith.constant 0 : i32
    %scan3A_5 = arith.constant 0 : i32
    %scan3A_6 = arith.constant 31 : i32
    %scan3A_7 = arith.addi %scan3A_5, %scan3A_6 : i32
    %scan3A_8 = arith.constant 1 : i32
    scf.for %scan3A_33 = %scan3A_5 to %scan3A_7 step %scan3A_8  : i32 {
      %mul3A_34 = arith.constant 320 : i32
      %mul3A_35 = arith.muli %scan3A_33, %mul3A_34 : i32
      %add3A_36 = arith.addi %mul3A_2, %mul3A_35 : i32
      %gt3A = arith.constant 0 : i32
      %gt3A_37 = arith.cmpi sgt, %scan3A_33, %gt3A : i32
      %convert_element_type3A = arith.extui %gt3A_37 : i1 to i32
      %cond3A = arith.constant 0 : i32
      %cond3A_38 = arith.cmpi ne, %convert_element_type3A, %cond3A : i32
      scf.if %cond3A_38 {
        %dma_wait3A_134 = arith.constant 0 : i32
        %dma_wait3A_135 = arith.constant 0 : i32
        %dma_wait3A_136 = tpu.memref_slice %arg19[%dma_wait3A_134, %dma_wait3A_135] : memref<10240x128xf32, #tpu.memory_space<vmem_shared>> -> memref<10240x128xf32, #tpu.memory_space<vmem_shared>>
        tpu.wait_indirect_dma semaphore(%arg32 : memref<!tpu.dma_semaphore, #tpu.memory_space<semaphore_mem>>) src(%arg15 : memref<80x128xf32, #tpu.memory_space<vmem>>) dst(%dma_wait3A_136 : memref<10240x128xf32, #tpu.memory_space<vmem_shared>>)
      } else {
      }
      %add3A_39 = arith.constant 0 : i32
      %add3A_40 = arith.addi %add3A_36, %add3A_39 : i32
      %multiple_of3A_41 = tpu.assume_multiple %add3A_40, 8 : i32
      %dma_start3A_42 = tpu.memref_slice %arg3[%multiple_of3A_41] : memref<320000xi32, #tpu.memory_space<hbm>> -> memref<80xi32, #tpu.memory_space<hbm>>
      %dma_start3A_43 = tpu.memref_slice %arg3[%multiple_of3A_41] : memref<320000xi32, #tpu.memory_space<hbm>> -> memref<80xi32, #tpu.memory_space<hbm>>
      tpu.enqueue_dma source(%dma_start3A_43 : memref<80xi32, #tpu.memory_space<hbm>>) target(%arg7 : memref<80xi32, #tpu.memory_space<vmem>>) target_semaphore(%arg20 : memref<!tpu.dma_semaphore, #tpu.memory_space<semaphore_mem>>)
      %dma_start3A_44 = tpu.memref_slice %arg4[%multiple_of3A_41] : memref<320000xi32, #tpu.memory_space<hbm>> -> memref<80xi32, #tpu.memory_space<hbm>>
      %dma_start3A_45 = tpu.memref_slice %arg4[%multiple_of3A_41] : memref<320000xi32, #tpu.memory_space<hbm>> -> memref<80xi32, #tpu.memory_space<hbm>>
      tpu.enqueue_dma source(%dma_start3A_45 : memref<80xi32, #tpu.memory_space<hbm>>) target(%arg11 : memref<80xi32, #tpu.memory_space<vmem>>) target_semaphore(%arg24 : memref<!tpu.dma_semaphore, #tpu.memory_space<semaphore_mem>>)
      %gt3A_46 = arith.constant 0 : i32
      %gt3A_47 = arith.cmpi sgt, %scan3A_33, %gt3A_46 : i32
      %convert_element_type3A_48 = arith.extui %gt3A_47 : i1 to i32
      %cond3A_49 = arith.constant 0 : i32
      %cond3A_50 = arith.cmpi ne, %convert_element_type3A_48, %cond3A_49 : i32
      scf.if %cond3A_50 {
        %dma_wait3A_134 = arith.constant 0 : i32
        %dma_wait3A_135 = arith.constant 0 : i32
        %dma_wait3A_136 = tpu.memref_slice %arg19[%dma_wait3A_134, %dma_wait3A_135] : memref<10240x128xf32, #tpu.memory_space<vmem_shared>> -> memref<10240x128xf32, #tpu.memory_space<vmem_shared>>
        tpu.wait_indirect_dma semaphore(%arg33 : memref<!tpu.dma_semaphore, #tpu.memory_space<semaphore_mem>>) src(%arg16 : memref<80x128xf32, #tpu.memory_space<vmem>>) dst(%dma_wait3A_136 : memref<10240x128xf32, #tpu.memory_space<vmem_shared>>)
      } else {
      }
      %add3A_51 = arith.constant 80 : i32
      %add3A_52 = arith.addi %add3A_36, %add3A_51 : i32
      %multiple_of3A_53 = tpu.assume_multiple %add3A_52, 8 : i32
      %dma_start3A_54 = tpu.memref_slice %arg3[%multiple_of3A_53] : memref<320000xi32, #tpu.memory_space<hbm>> -> memref<80xi32, #tpu.memory_space<hbm>>
      %dma_start3A_55 = tpu.memref_slice %arg3[%multiple_of3A_53] : memref<320000xi32, #tpu.memory_space<hbm>> -> memref<80xi32, #tpu.memory_space<hbm>>
      tpu.enqueue_dma source(%dma_start3A_55 : memref<80xi32, #tpu.memory_space<hbm>>) target(%arg8 : memref<80xi32, #tpu.memory_space<vmem>>) target_semaphore(%arg21 : memref<!tpu.dma_semaphore, #tpu.memory_space<semaphore_mem>>)
      %dma_start3A_56 = tpu.memref_slice %arg4[%multiple_of3A_53] : memref<320000xi32, #tpu.memory_space<hbm>> -> memref<80xi32, #tpu.memory_space<hbm>>
      %dma_start3A_57 = tpu.memref_slice %arg4[%multiple_of3A_53] : memref<320000xi32, #tpu.memory_space<hbm>> -> memref<80xi32, #tpu.memory_space<hbm>>
      tpu.enqueue_dma source(%dma_start3A_57 : memref<80xi32, #tpu.memory_space<hbm>>) target(%arg12 : memref<80xi32, #tpu.memory_space<vmem>>) target_semaphore(%arg25 : memref<!tpu.dma_semaphore, #tpu.memory_space<semaphore_mem>>)
      %gt3A_58 = arith.constant 0 : i32
      %gt3A_59 = arith.cmpi sgt, %scan3A_33, %gt3A_58 : i32
      %convert_element_type3A_60 = arith.extui %gt3A_59 : i1 to i32
      %cond3A_61 = arith.constant 0 : i32
      %cond3A_62 = arith.cmpi ne, %convert_element_type3A_60, %cond3A_61 : i32
      scf.if %cond3A_62 {
        %dma_wait3A_134 = arith.constant 0 : i32
        %dma_wait3A_135 = arith.constant 0 : i32
        %dma_wait3A_136 = tpu.memref_slice %arg19[%dma_wait3A_134, %dma_wait3A_135] : memref<10240x128xf32, #tpu.memory_space<vmem_shared>> -> memref<10240x128xf32, #tpu.memory_space<vmem_shared>>
        tpu.wait_indirect_dma semaphore(%arg34 : memref<!tpu.dma_semaphore, #tpu.memory_space<semaphore_mem>>) src(%arg17 : memref<80x128xf32, #tpu.memory_space<vmem>>) dst(%dma_wait3A_136 : memref<10240x128xf32, #tpu.memory_space<vmem_shared>>)
      } else {
      }
      %add3A_63 = arith.constant 160 : i32
      %add3A_64 = arith.addi %add3A_36, %add3A_63 : i32
      %multiple_of3A_65 = tpu.assume_multiple %add3A_64, 8 : i32
      %dma_start3A_66 = tpu.memref_slice %arg3[%multiple_of3A_65] : memref<320000xi32, #tpu.memory_space<hbm>> -> memref<80xi32, #tpu.memory_space<hbm>>
      %dma_start3A_67 = tpu.memref_slice %arg3[%multiple_of3A_65] : memref<320000xi32, #tpu.memory_space<hbm>> -> memref<80xi32, #tpu.memory_space<hbm>>
      tpu.enqueue_dma source(%dma_start3A_67 : memref<80xi32, #tpu.memory_space<hbm>>) target(%arg9 : memref<80xi32, #tpu.memory_space<vmem>>) target_semaphore(%arg22 : memref<!tpu.dma_semaphore, #tpu.memory_space<semaphore_mem>>)
      %dma_start3A_68 = tpu.memref_slice %arg4[%multiple_of3A_65] : memref<320000xi32, #tpu.memory_space<hbm>> -> memref<80xi32, #tpu.memory_space<hbm>>
      %dma_start3A_69 = tpu.memref_slice %arg4[%multiple_of3A_65] : memref<320000xi32, #tpu.memory_space<hbm>> -> memref<80xi32, #tpu.memory_space<hbm>>
      tpu.enqueue_dma source(%dma_start3A_69 : memref<80xi32, #tpu.memory_space<hbm>>) target(%arg13 : memref<80xi32, #tpu.memory_space<vmem>>) target_semaphore(%arg26 : memref<!tpu.dma_semaphore, #tpu.memory_space<semaphore_mem>>)
      %gt3A_70 = arith.constant 0 : i32
      %gt3A_71 = arith.cmpi sgt, %scan3A_33, %gt3A_70 : i32
      %convert_element_type3A_72 = arith.extui %gt3A_71 : i1 to i32
      %cond3A_73 = arith.constant 0 : i32
      %cond3A_74 = arith.cmpi ne, %convert_element_type3A_72, %cond3A_73 : i32
      scf.if %cond3A_74 {
        %dma_wait3A_134 = arith.constant 0 : i32
        %dma_wait3A_135 = arith.constant 0 : i32
        %dma_wait3A_136 = tpu.memref_slice %arg19[%dma_wait3A_134, %dma_wait3A_135] : memref<10240x128xf32, #tpu.memory_space<vmem_shared>> -> memref<10240x128xf32, #tpu.memory_space<vmem_shared>>
        tpu.wait_indirect_dma semaphore(%arg35 : memref<!tpu.dma_semaphore, #tpu.memory_space<semaphore_mem>>) src(%arg18 : memref<80x128xf32, #tpu.memory_space<vmem>>) dst(%dma_wait3A_136 : memref<10240x128xf32, #tpu.memory_space<vmem_shared>>)
      } else {
      }
      %add3A_75 = arith.constant 240 : i32
      %add3A_76 = arith.addi %add3A_36, %add3A_75 : i32
      %multiple_of3A_77 = tpu.assume_multiple %add3A_76, 8 : i32
      %dma_start3A_78 = tpu.memref_slice %arg3[%multiple_of3A_77] : memref<320000xi32, #tpu.memory_space<hbm>> -> memref<80xi32, #tpu.memory_space<hbm>>
      %dma_start3A_79 = tpu.memref_slice %arg3[%multiple_of3A_77] : memref<320000xi32, #tpu.memory_space<hbm>> -> memref<80xi32, #tpu.memory_space<hbm>>
      tpu.enqueue_dma source(%dma_start3A_79 : memref<80xi32, #tpu.memory_space<hbm>>) target(%arg10 : memref<80xi32, #tpu.memory_space<vmem>>) target_semaphore(%arg23 : memref<!tpu.dma_semaphore, #tpu.memory_space<semaphore_mem>>)
      %dma_start3A_80 = tpu.memref_slice %arg4[%multiple_of3A_77] : memref<320000xi32, #tpu.memory_space<hbm>> -> memref<80xi32, #tpu.memory_space<hbm>>
      %dma_start3A_81 = tpu.memref_slice %arg4[%multiple_of3A_77] : memref<320000xi32, #tpu.memory_space<hbm>> -> memref<80xi32, #tpu.memory_space<hbm>>
      tpu.enqueue_dma source(%dma_start3A_81 : memref<80xi32, #tpu.memory_space<hbm>>) target(%arg14 : memref<80xi32, #tpu.memory_space<vmem>>) target_semaphore(%arg27 : memref<!tpu.dma_semaphore, #tpu.memory_space<semaphore_mem>>)
      %dma_wait3A_82 = tpu.memref_slice %arg3[%multiple_of3A_41] : memref<320000xi32, #tpu.memory_space<hbm>> -> memref<80xi32, #tpu.memory_space<hbm>>
      %dma_wait3A_83 = tpu.memref_slice %arg3[%multiple_of3A_41] : memref<320000xi32, #tpu.memory_space<hbm>> -> memref<80xi32, #tpu.memory_space<hbm>>
      tpu.wait_dma2 semaphore(%arg20 : memref<!tpu.dma_semaphore, #tpu.memory_space<semaphore_mem>>) src(%dma_wait3A_83 : memref<80xi32, #tpu.memory_space<hbm>>) dst(%arg7 : memref<80xi32, #tpu.memory_space<vmem>>)
      %dma_start3A_84 = arith.constant 0 : i32
      %dma_start3A_85 = arith.constant 0 : i32
      %dma_start3A_86 = tpu.memref_slice %arg2[%dma_start3A_84, %dma_start3A_85] : memref<10000x128xf32, #tpu.memory_space<hbm>> -> memref<10000x128xf32, #tpu.memory_space<hbm>>
      tpu.enqueue_indirect_dma source(%dma_start3A_86 : memref<10000x128xf32, #tpu.memory_space<hbm>>) target(%arg15 : memref<80x128xf32, #tpu.memory_space<vmem>>) offsets(%arg7 : memref<80xi32, #tpu.memory_space<vmem>>) semaphore(%arg28 : memref<!tpu.dma_semaphore, #tpu.memory_space<semaphore_mem>>)
      %dma_wait3A_87 = tpu.memref_slice %arg3[%multiple_of3A_53] : memref<320000xi32, #tpu.memory_space<hbm>> -> memref<80xi32, #tpu.memory_space<hbm>>
      %dma_wait3A_88 = tpu.memref_slice %arg3[%multiple_of3A_53] : memref<320000xi32, #tpu.memory_space<hbm>> -> memref<80xi32, #tpu.memory_space<hbm>>
      tpu.wait_dma2 semaphore(%arg21 : memref<!tpu.dma_semaphore, #tpu.memory_space<semaphore_mem>>) src(%dma_wait3A_88 : memref<80xi32, #tpu.memory_space<hbm>>) dst(%arg8 : memref<80xi32, #tpu.memory_space<vmem>>)
      %dma_start3A_89 = arith.constant 0 : i32
      %dma_start3A_90 = arith.constant 0 : i32
      %dma_start3A_91 = tpu.memref_slice %arg2[%dma_start3A_89, %dma_start3A_90] : memref<10000x128xf32, #tpu.memory_space<hbm>> -> memref<10000x128xf32, #tpu.memory_space<hbm>>
      tpu.enqueue_indirect_dma source(%dma_start3A_91 : memref<10000x128xf32, #tpu.memory_space<hbm>>) target(%arg16 : memref<80x128xf32, #tpu.memory_space<vmem>>) offsets(%arg8 : memref<80xi32, #tpu.memory_space<vmem>>) semaphore(%arg29 : memref<!tpu.dma_semaphore, #tpu.memory_space<semaphore_mem>>)
      %dma_wait3A_92 = tpu.memref_slice %arg3[%multiple_of3A_65] : memref<320000xi32, #tpu.memory_space<hbm>> -> memref<80xi32, #tpu.memory_space<hbm>>
      %dma_wait3A_93 = tpu.memref_slice %arg3[%multiple_of3A_65] : memref<320000xi32, #tpu.memory_space<hbm>> -> memref<80xi32, #tpu.memory_space<hbm>>
      tpu.wait_dma2 semaphore(%arg22 : memref<!tpu.dma_semaphore, #tpu.memory_space<semaphore_mem>>) src(%dma_wait3A_93 : memref<80xi32, #tpu.memory_space<hbm>>) dst(%arg9 : memref<80xi32, #tpu.memory_space<vmem>>)
      %dma_start3A_94 = arith.constant 0 : i32
      %dma_start3A_95 = arith.constant 0 : i32
      %dma_start3A_96 = tpu.memref_slice %arg2[%dma_start3A_94, %dma_start3A_95] : memref<10000x128xf32, #tpu.memory_space<hbm>> -> memref<10000x128xf32, #tpu.memory_space<hbm>>
      tpu.enqueue_indirect_dma source(%dma_start3A_96 : memref<10000x128xf32, #tpu.memory_space<hbm>>) target(%arg17 : memref<80x128xf32, #tpu.memory_space<vmem>>) offsets(%arg9 : memref<80xi32, #tpu.memory_space<vmem>>) semaphore(%arg30 : memref<!tpu.dma_semaphore, #tpu.memory_space<semaphore_mem>>)
      %dma_wait3A_97 = tpu.memref_slice %arg3[%multiple_of3A_77] : memref<320000xi32, #tpu.memory_space<hbm>> -> memref<80xi32, #tpu.memory_space<hbm>>
      %dma_wait3A_98 = tpu.memref_slice %arg3[%multiple_of3A_77] : memref<320000xi32, #tpu.memory_space<hbm>> -> memref<80xi32, #tpu.memory_space<hbm>>
      tpu.wait_dma2 semaphore(%arg23 : memref<!tpu.dma_semaphore, #tpu.memory_space<semaphore_mem>>) src(%dma_wait3A_98 : memref<80xi32, #tpu.memory_space<hbm>>) dst(%arg10 : memref<80xi32, #tpu.memory_space<vmem>>)
      %dma_start3A_99 = arith.constant 0 : i32
      %dma_start3A_100 = arith.constant 0 : i32
      %dma_start3A_101 = tpu.memref_slice %arg2[%dma_start3A_99, %dma_start3A_100] : memref<10000x128xf32, #tpu.memory_space<hbm>> -> memref<10000x128xf32, #tpu.memory_space<hbm>>
      tpu.enqueue_indirect_dma source(%dma_start3A_101 : memref<10000x128xf32, #tpu.memory_space<hbm>>) target(%arg18 : memref<80x128xf32, #tpu.memory_space<vmem>>) offsets(%arg10 : memref<80xi32, #tpu.memory_space<vmem>>) semaphore(%arg31 : memref<!tpu.dma_semaphore, #tpu.memory_space<semaphore_mem>>)
      %dma_wait3A_102 = arith.constant 0 : i32
      %dma_wait3A_103 = arith.constant 0 : i32
      %dma_wait3A_104 = tpu.memref_slice %arg2[%dma_wait3A_102, %dma_wait3A_103] : memref<10000x128xf32, #tpu.memory_space<hbm>> -> memref<10000x128xf32, #tpu.memory_space<hbm>>
      tpu.wait_indirect_dma semaphore(%arg28 : memref<!tpu.dma_semaphore, #tpu.memory_space<semaphore_mem>>) src(%dma_wait3A_104 : memref<10000x128xf32, #tpu.memory_space<hbm>>) dst(%arg15 : memref<80x128xf32, #tpu.memory_space<vmem>>)
      %dma_wait3A_105 = tpu.memref_slice %arg4[%multiple_of3A_41] : memref<320000xi32, #tpu.memory_space<hbm>> -> memref<80xi32, #tpu.memory_space<hbm>>
      %dma_wait3A_106 = tpu.memref_slice %arg4[%multiple_of3A_41] : memref<320000xi32, #tpu.memory_space<hbm>> -> memref<80xi32, #tpu.memory_space<hbm>>
      tpu.wait_dma2 semaphore(%arg24 : memref<!tpu.dma_semaphore, #tpu.memory_space<semaphore_mem>>) src(%dma_wait3A_106 : memref<80xi32, #tpu.memory_space<hbm>>) dst(%arg11 : memref<80xi32, #tpu.memory_space<vmem>>)
      %dma_start3A_107 = arith.constant 0 : i32
      %dma_start3A_108 = arith.constant 0 : i32
      %dma_start3A_109 = tpu.memref_slice %arg19[%dma_start3A_107, %dma_start3A_108] : memref<10240x128xf32, #tpu.memory_space<vmem_shared>> -> memref<10240x128xf32, #tpu.memory_space<vmem_shared>>
      tpu.enqueue_indirect_dma source(%arg15 : memref<80x128xf32, #tpu.memory_space<vmem>>) target(%dma_start3A_109 : memref<10240x128xf32, #tpu.memory_space<vmem_shared>>) offsets(%arg11 : memref<80xi32, #tpu.memory_space<vmem>>) semaphore(%arg32 : memref<!tpu.dma_semaphore, #tpu.memory_space<semaphore_mem>>) {add = true}
      %dma_wait3A_110 = arith.constant 0 : i32
      %dma_wait3A_111 = arith.constant 0 : i32
      %dma_wait3A_112 = tpu.memref_slice %arg2[%dma_wait3A_110, %dma_wait3A_111] : memref<10000x128xf32, #tpu.memory_space<hbm>> -> memref<10000x128xf32, #tpu.memory_space<hbm>>
      tpu.wait_indirect_dma semaphore(%arg29 : memref<!tpu.dma_semaphore, #tpu.memory_space<semaphore_mem>>) src(%dma_wait3A_112 : memref<10000x128xf32, #tpu.memory_space<hbm>>) dst(%arg16 : memref<80x128xf32, #tpu.memory_space<vmem>>)
      %dma_wait3A_113 = tpu.memref_slice %arg4[%multiple_of3A_53] : memref<320000xi32, #tpu.memory_space<hbm>> -> memref<80xi32, #tpu.memory_space<hbm>>
      %dma_wait3A_114 = tpu.memref_slice %arg4[%multiple_of3A_53] : memref<320000xi32, #tpu.memory_space<hbm>> -> memref<80xi32, #tpu.memory_space<hbm>>
      tpu.wait_dma2 semaphore(%arg25 : memref<!tpu.dma_semaphore, #tpu.memory_space<semaphore_mem>>) src(%dma_wait3A_114 : memref<80xi32, #tpu.memory_space<hbm>>) dst(%arg12 : memref<80xi32, #tpu.memory_space<vmem>>)
      %dma_start3A_115 = arith.constant 0 : i32
      %dma_start3A_116 = arith.constant 0 : i32
      %dma_start3A_117 = tpu.memref_slice %arg19[%dma_start3A_115, %dma_start3A_116] : memref<10240x128xf32, #tpu.memory_space<vmem_shared>> -> memref<10240x128xf32, #tpu.memory_space<vmem_shared>>
      tpu.enqueue_indirect_dma source(%arg16 : memref<80x128xf32, #tpu.memory_space<vmem>>) target(%dma_start3A_117 : memref<10240x128xf32, #tpu.memory_space<vmem_shared>>) offsets(%arg12 : memref<80xi32, #tpu.memory_space<vmem>>) semaphore(%arg33 : memref<!tpu.dma_semaphore, #tpu.memory_space<semaphore_mem>>) {add = true}
      %dma_wait3A_118 = arith.constant 0 : i32
      %dma_wait3A_119 = arith.constant 0 : i32
      %dma_wait3A_120 = tpu.memref_slice %arg2[%dma_wait3A_118, %dma_wait3A_119] : memref<10000x128xf32, #tpu.memory_space<hbm>> -> memref<10000x128xf32, #tpu.memory_space<hbm>>
      tpu.wait_indirect_dma semaphore(%arg30 : memref<!tpu.dma_semaphore, #tpu.memory_space<semaphore_mem>>) src(%dma_wait3A_120 : memref<10000x128xf32, #tpu.memory_space<hbm>>) dst(%arg17 : memref<80x128xf32, #tpu.memory_space<vmem>>)
      %dma_wait3A_121 = tpu.memref_slice %arg4[%multiple_of3A_65] : memref<320000xi32, #tpu.memory_space<hbm>> -> memref<80xi32, #tpu.memory_space<hbm>>
      %dma_wait3A_122 = tpu.memref_slice %arg4[%multiple_of3A_65] : memref<320000xi32, #tpu.memory_space<hbm>> -> memref<80xi32, #tpu.memory_space<hbm>>
      tpu.wait_dma2 semaphore(%arg26 : memref<!tpu.dma_semaphore, #tpu.memory_space<semaphore_mem>>) src(%dma_wait3A_122 : memref<80xi32, #tpu.memory_space<hbm>>) dst(%arg13 : memref<80xi32, #tpu.memory_space<vmem>>)
      %dma_start3A_123 = arith.constant 0 : i32
      %dma_start3A_124 = arith.constant 0 : i32
      %dma_start3A_125 = tpu.memref_slice %arg19[%dma_start3A_123, %dma_start3A_124] : memref<10240x128xf32, #tpu.memory_space<vmem_shared>> -> memref<10240x128xf32, #tpu.memory_space<vmem_shared>>
      tpu.enqueue_indirect_dma source(%arg17 : memref<80x128xf32, #tpu.memory_space<vmem>>) target(%dma_start3A_125 : memref<10240x128xf32, #tpu.memory_space<vmem_shared>>) offsets(%arg13 : memref<80xi32, #tpu.memory_space<vmem>>) semaphore(%arg34 : memref<!tpu.dma_semaphore, #tpu.memory_space<semaphore_mem>>) {add = true}
      %dma_wait3A_126 = arith.constant 0 : i32
      %dma_wait3A_127 = arith.constant 0 : i32
      %dma_wait3A_128 = tpu.memref_slice %arg2[%dma_wait3A_126, %dma_wait3A_127] : memref<10000x128xf32, #tpu.memory_space<hbm>> -> memref<10000x128xf32, #tpu.memory_space<hbm>>
      tpu.wait_indirect_dma semaphore(%arg31 : memref<!tpu.dma_semaphore, #tpu.memory_space<semaphore_mem>>) src(%dma_wait3A_128 : memref<10000x128xf32, #tpu.memory_space<hbm>>) dst(%arg18 : memref<80x128xf32, #tpu.memory_space<vmem>>)
      %dma_wait3A_129 = tpu.memref_slice %arg4[%multiple_of3A_77] : memref<320000xi32, #tpu.memory_space<hbm>> -> memref<80xi32, #tpu.memory_space<hbm>>
      %dma_wait3A_130 = tpu.memref_slice %arg4[%multiple_of3A_77] : memref<320000xi32, #tpu.memory_space<hbm>> -> memref<80xi32, #tpu.memory_space<hbm>>
      tpu.wait_dma2 semaphore(%arg27 : memref<!tpu.dma_semaphore, #tpu.memory_space<semaphore_mem>>) src(%dma_wait3A_130 : memref<80xi32, #tpu.memory_space<hbm>>) dst(%arg14 : memref<80xi32, #tpu.memory_space<vmem>>)
      %dma_start3A_131 = arith.constant 0 : i32
      %dma_start3A_132 = arith.constant 0 : i32
      %dma_start3A_133 = tpu.memref_slice %arg19[%dma_start3A_131, %dma_start3A_132] : memref<10240x128xf32, #tpu.memory_space<vmem_shared>> -> memref<10240x128xf32, #tpu.memory_space<vmem_shared>>
      tpu.enqueue_indirect_dma source(%arg18 : memref<80x128xf32, #tpu.memory_space<vmem>>) target(%dma_start3A_133 : memref<10240x128xf32, #tpu.memory_space<vmem_shared>>) offsets(%arg14 : memref<80xi32, #tpu.memory_space<vmem>>) semaphore(%arg35 : memref<!tpu.dma_semaphore, #tpu.memory_space<semaphore_mem>>) {add = true}
    }
    %scan3A_9 = arith.constant 31 : i32
    %dma_wait3A = arith.constant 0 : i32
    %dma_wait3A_10 = arith.constant 0 : i32
    %dma_wait3A_11 = tpu.memref_slice %arg19[%dma_wait3A, %dma_wait3A_10] : memref<10240x128xf32, #tpu.memory_space<vmem_shared>> -> memref<10240x128xf32, #tpu.memory_space<vmem_shared>>
    tpu.wait_indirect_dma semaphore(%arg32 : memref<!tpu.dma_semaphore, #tpu.memory_space<semaphore_mem>>) src(%arg15 : memref<80x128xf32, #tpu.memory_space<vmem>>) dst(%dma_wait3A_11 : memref<10240x128xf32, #tpu.memory_space<vmem_shared>>)
    %dma_wait3A_12 = arith.constant 0 : i32
    %dma_wait3A_13 = arith.constant 0 : i32
    %dma_wait3A_14 = tpu.memref_slice %arg19[%dma_wait3A_12, %dma_wait3A_13] : memref<10240x128xf32, #tpu.memory_space<vmem_shared>> -> memref<10240x128xf32, #tpu.memory_space<vmem_shared>>
    tpu.wait_indirect_dma semaphore(%arg33 : memref<!tpu.dma_semaphore, #tpu.memory_space<semaphore_mem>>) src(%arg16 : memref<80x128xf32, #tpu.memory_space<vmem>>) dst(%dma_wait3A_14 : memref<10240x128xf32, #tpu.memory_space<vmem_shared>>)
    %dma_wait3A_15 = arith.constant 0 : i32
    %dma_wait3A_16 = arith.constant 0 : i32
    %dma_wait3A_17 = tpu.memref_slice %arg19[%dma_wait3A_15, %dma_wait3A_16] : memref<10240x128xf32, #tpu.memory_space<vmem_shared>> -> memref<10240x128xf32, #tpu.memory_space<vmem_shared>>
    tpu.wait_indirect_dma semaphore(%arg34 : memref<!tpu.dma_semaphore, #tpu.memory_space<semaphore_mem>>) src(%arg17 : memref<80x128xf32, #tpu.memory_space<vmem>>) dst(%dma_wait3A_17 : memref<10240x128xf32, #tpu.memory_space<vmem_shared>>)
    %dma_wait3A_18 = arith.constant 0 : i32
    %dma_wait3A_19 = arith.constant 0 : i32
    %dma_wait3A_20 = tpu.memref_slice %arg19[%dma_wait3A_18, %dma_wait3A_19] : memref<10240x128xf32, #tpu.memory_space<vmem_shared>> -> memref<10240x128xf32, #tpu.memory_space<vmem_shared>>
    tpu.wait_indirect_dma semaphore(%arg35 : memref<!tpu.dma_semaphore, #tpu.memory_space<semaphore_mem>>) src(%arg18 : memref<80x128xf32, #tpu.memory_space<vmem>>) dst(%dma_wait3A_20 : memref<10240x128xf32, #tpu.memory_space<vmem_shared>>)
    %add3A_21 = arith.constant 9920 : i32
    %add3A_22 = arith.addi %mul3A_2, %add3A_21 : i32
    %multiple_of3A = tpu.assume_multiple %add3A_22, 8 : i32
    "tpu.region"() ({
      %run_scoped3A = tpu.sem_alloc : memref<!tpu.dma_semaphore, #tpu.memory_space<semaphore_mem>>
      %dma_start3A_33 = tpu.memref_slice %arg3[%multiple_of3A] : memref<320000xi32, #tpu.memory_space<hbm>> -> memref<80xi32, #tpu.memory_space<hbm>>
      %dma_start3A_34 = tpu.memref_slice %arg3[%multiple_of3A] : memref<320000xi32, #tpu.memory_space<hbm>> -> memref<80xi32, #tpu.memory_space<hbm>>
      tpu.enqueue_dma source(%dma_start3A_34 : memref<80xi32, #tpu.memory_space<hbm>>) target(%arg7 : memref<80xi32, #tpu.memory_space<vmem>>) target_semaphore(%run_scoped3A : memref<!tpu.dma_semaphore, #tpu.memory_space<semaphore_mem>>)
      %dma_wait3A_35 = tpu.memref_slice %arg3[%multiple_of3A] : memref<320000xi32, #tpu.memory_space<hbm>> -> memref<80xi32, #tpu.memory_space<hbm>>
      %dma_wait3A_36 = tpu.memref_slice %arg3[%multiple_of3A] : memref<320000xi32, #tpu.memory_space<hbm>> -> memref<80xi32, #tpu.memory_space<hbm>>
      tpu.wait_dma2 semaphore(%run_scoped3A : memref<!tpu.dma_semaphore, #tpu.memory_space<semaphore_mem>>) src(%dma_wait3A_36 : memref<80xi32, #tpu.memory_space<hbm>>) dst(%arg7 : memref<80xi32, #tpu.memory_space<vmem>>)
      tpu.yield
    }) : () -> ()
    "tpu.region"() ({
      %run_scoped3A = tpu.sem_alloc : memref<!tpu.dma_semaphore, #tpu.memory_space<semaphore_mem>>
      %dma_start3A_33 = tpu.memref_slice %arg4[%multiple_of3A] : memref<320000xi32, #tpu.memory_space<hbm>> -> memref<80xi32, #tpu.memory_space<hbm>>
      %dma_start3A_34 = tpu.memref_slice %arg4[%multiple_of3A] : memref<320000xi32, #tpu.memory_space<hbm>> -> memref<80xi32, #tpu.memory_space<hbm>>
      tpu.enqueue_dma source(%dma_start3A_34 : memref<80xi32, #tpu.memory_space<hbm>>) target(%arg11 : memref<80xi32, #tpu.memory_space<vmem>>) target_semaphore(%run_scoped3A : memref<!tpu.dma_semaphore, #tpu.memory_space<semaphore_mem>>)
      %dma_wait3A_35 = tpu.memref_slice %arg4[%multiple_of3A] : memref<320000xi32, #tpu.memory_space<hbm>> -> memref<80xi32, #tpu.memory_space<hbm>>
      %dma_wait3A_36 = tpu.memref_slice %arg4[%multiple_of3A] : memref<320000xi32, #tpu.memory_space<hbm>> -> memref<80xi32, #tpu.memory_space<hbm>>
      tpu.wait_dma2 semaphore(%run_scoped3A : memref<!tpu.dma_semaphore, #tpu.memory_space<semaphore_mem>>) src(%dma_wait3A_36 : memref<80xi32, #tpu.memory_space<hbm>>) dst(%arg11 : memref<80xi32, #tpu.memory_space<vmem>>)
      tpu.yield
    }) : () -> ()
    %dma_start3A = arith.constant 0 : i32
    %dma_start3A_23 = arith.constant 0 : i32
    %dma_start3A_24 = tpu.memref_slice %arg2[%dma_start3A, %dma_start3A_23] : memref<10000x128xf32, #tpu.memory_space<hbm>> -> memref<10000x128xf32, #tpu.memory_space<hbm>>
    tpu.enqueue_indirect_dma source(%dma_start3A_24 : memref<10000x128xf32, #tpu.memory_space<hbm>>) target(%arg15 : memref<80x128xf32, #tpu.memory_space<vmem>>) offsets(%arg7 : memref<80xi32, #tpu.memory_space<vmem>>) semaphore(%arg28 : memref<!tpu.dma_semaphore, #tpu.memory_space<semaphore_mem>>)
    %dma_wait3A_25 = arith.constant 0 : i32
    %dma_wait3A_26 = arith.constant 0 : i32
    %dma_wait3A_27 = tpu.memref_slice %arg2[%dma_wait3A_25, %dma_wait3A_26] : memref<10000x128xf32, #tpu.memory_space<hbm>> -> memref<10000x128xf32, #tpu.memory_space<hbm>>
    tpu.wait_indirect_dma semaphore(%arg28 : memref<!tpu.dma_semaphore, #tpu.memory_space<semaphore_mem>>) src(%dma_wait3A_27 : memref<10000x128xf32, #tpu.memory_space<hbm>>) dst(%arg15 : memref<80x128xf32, #tpu.memory_space<vmem>>)
    "tpu.region"() ({
      %run_scoped3A = tpu.sem_alloc : memref<!tpu.dma_semaphore, #tpu.memory_space<semaphore_mem>>
      %dma_start3A_33 = arith.constant 0 : i32
      %dma_start3A_34 = arith.constant 0 : i32
      %dma_start3A_35 = tpu.memref_slice %arg19[%dma_start3A_33, %dma_start3A_34] : memref<10240x128xf32, #tpu.memory_space<vmem_shared>> -> memref<10240x128xf32, #tpu.memory_space<vmem_shared>>
      tpu.enqueue_indirect_dma source(%arg15 : memref<80x128xf32, #tpu.memory_space<vmem>>) target(%dma_start3A_35 : memref<10240x128xf32, #tpu.memory_space<vmem_shared>>) offsets(%arg11 : memref<80xi32, #tpu.memory_space<vmem>>) semaphore(%run_scoped3A : memref<!tpu.dma_semaphore, #tpu.memory_space<semaphore_mem>>) {add = true}
      %dma_wait3A_36 = arith.constant 0 : i32
      %dma_wait3A_37 = arith.constant 0 : i32
      %dma_wait3A_38 = tpu.memref_slice %arg19[%dma_wait3A_36, %dma_wait3A_37] : memref<10240x128xf32, #tpu.memory_space<vmem_shared>> -> memref<10240x128xf32, #tpu.memory_space<vmem_shared>>
      tpu.wait_indirect_dma semaphore(%run_scoped3A : memref<!tpu.dma_semaphore, #tpu.memory_space<semaphore_mem>>) src(%arg15 : memref<80x128xf32, #tpu.memory_space<vmem>>) dst(%dma_wait3A_38 : memref<10240x128xf32, #tpu.memory_space<vmem_shared>>)
      tpu.yield
    }) : () -> ()
    %barrier3A_28 = arith.constant 0 : index
    tpu.barrier barrier_id(%barrier3A_28)
    %mul3A_29 = arith.constant 640 : i32
    %mul3A_30 = arith.muli %arg1, %mul3A_29 : i32
    %mul3A_31 = arith.constant 640 : i32
    %mul3A_32 = arith.muli %arg1, %mul3A_31 : i32
    "tpu.region"() ({
      %run_scoped3A = tpu.sem_alloc : memref<!tpu.dma_semaphore, #tpu.memory_space<semaphore_mem>>
      %dma_start3A_33 = arith.constant 0 : i32
      %dma_start3A_34 = tpu.memref_slice %arg6[%arg0, %mul3A_32, %dma_start3A_33] : memref<2x10240x128xf32, #tpu.memory_space<hbm>> -> memref<1x640x128xf32, #tpu.memory_space<hbm>>
      %dma_start3A_35 = tpu.memref_squeeze %dma_start3A_34 : memref<1x640x128xf32, #tpu.memory_space<hbm>> -> memref<640x128xf32, #tpu.memory_space<hbm>>
      %dma_start3A_36 = arith.constant 0 : i32
      %dma_start3A_37 = tpu.memref_slice %arg19[%mul3A_30, %dma_start3A_36] : memref<10240x128xf32, #tpu.memory_space<vmem_shared>> -> memref<640x128xf32, #tpu.memory_space<vmem_shared>>
      tpu.enqueue_dma source(%dma_start3A_37 : memref<640x128xf32, #tpu.memory_space<vmem_shared>>) target(%dma_start3A_35 : memref<640x128xf32, #tpu.memory_space<hbm>>) target_semaphore(%run_scoped3A : memref<!tpu.dma_semaphore, #tpu.memory_space<semaphore_mem>>)
      %dma_wait3A_38 = arith.constant 0 : i32
      %dma_wait3A_39 = tpu.memref_slice %arg6[%arg0, %mul3A_32, %dma_wait3A_38] : memref<2x10240x128xf32, #tpu.memory_space<hbm>> -> memref<1x640x128xf32, #tpu.memory_space<hbm>>
      %dma_wait3A_40 = tpu.memref_squeeze %dma_wait3A_39 : memref<1x640x128xf32, #tpu.memory_space<hbm>> -> memref<640x128xf32, #tpu.memory_space<hbm>>
      %dma_wait3A_41 = arith.constant 0 : i32
      %dma_wait3A_42 = tpu.memref_slice %arg19[%mul3A_30, %dma_wait3A_41] : memref<10240x128xf32, #tpu.memory_space<vmem_shared>> -> memref<640x128xf32, #tpu.memory_space<vmem_shared>>
      tpu.wait_dma2 semaphore(%run_scoped3A : memref<!tpu.dma_semaphore, #tpu.memory_space<semaphore_mem>>) src(%dma_wait3A_42 : memref<640x128xf32, #tpu.memory_space<vmem_shared>>) dst(%dma_wait3A_40 : memref<640x128xf32, #tpu.memory_space<hbm>>)
      tpu.yield
    }) : () -> ()
    return
  }
}

#map = affine_map<(d0, d1) -> (0, 0)>
#map1 = affine_map<(d0, d1) -> (0)>
#map2 = affine_map<(d0, d1) -> (0, 0, 0)>
module attributes {stable_mosaic.version = 14 : i64} {
  func.func @seg(%arg0: i32, %arg1: i32, %arg2: memref<10000x128xf32, #tpu.memory_space<hbm>>, %arg3: memref<320000xi32, #tpu.memory_space<hbm>>, %arg4: memref<320000xi32, #tpu.memory_space<hbm>>, %arg5: memref<640x128xf32, #tpu.memory_space<hbm>>, %arg6: memref<2x10240x128xf32, #tpu.memory_space<hbm>>, %arg7: memref<80xi32, #tpu.memory_space<vmem>>, %arg8: memref<80xi32, #tpu.memory_space<vmem>>, %arg9: memref<80xi32, #tpu.memory_space<vmem>>, %arg10: memref<80xi32, #tpu.memory_space<vmem>>, %arg11: memref<80xi32, #tpu.memory_space<vmem>>, %arg12: memref<80xi32, #tpu.memory_space<vmem>>, %arg13: memref<80xi32, #tpu.memory_space<vmem>>, %arg14: memref<80xi32, #tpu.memory_space<vmem>>, %arg15: memref<80x128xf32, #tpu.memory_space<vmem>>, %arg16: memref<80x128xf32, #tpu.memory_space<vmem>>, %arg17: memref<80x128xf32, #tpu.memory_space<vmem>>, %arg18: memref<80x128xf32, #tpu.memory_space<vmem>>, %arg19: memref<10240x128xf32, #tpu.memory_space<vmem_shared>>, %arg20: memref<!tpu.dma_semaphore, #tpu.memory_space<semaphore_mem>>, %arg21: memref<!tpu.dma_semaphore, #tpu.memory_space<semaphore_mem>>, %arg22: memref<!tpu.dma_semaphore, #tpu.memory_space<semaphore_mem>>, %arg23: memref<!tpu.dma_semaphore, #tpu.memory_space<semaphore_mem>>, %arg24: memref<!tpu.dma_semaphore, #tpu.memory_space<semaphore_mem>>, %arg25: memref<!tpu.dma_semaphore, #tpu.memory_space<semaphore_mem>>, %arg26: memref<!tpu.dma_semaphore, #tpu.memory_space<semaphore_mem>>, %arg27: memref<!tpu.dma_semaphore, #tpu.memory_space<semaphore_mem>>, %arg28: memref<!tpu.dma_semaphore, #tpu.memory_space<semaphore_mem>>, %arg29: memref<!tpu.dma_semaphore, #tpu.memory_space<semaphore_mem>>, %arg30: memref<!tpu.dma_semaphore, #tpu.memory_space<semaphore_mem>>, %arg31: memref<!tpu.dma_semaphore, #tpu.memory_space<semaphore_mem>>, %arg32: memref<!tpu.dma_semaphore, #tpu.memory_space<semaphore_mem>>, %arg33: memref<!tpu.dma_semaphore, #tpu.memory_space<semaphore_mem>>, %arg34: memref<!tpu.dma_semaphore, #tpu.memory_space<semaphore_mem>>, %arg35: memref<!tpu.dma_semaphore, #tpu.memory_space<semaphore_mem>>) attributes {dimension_semantics = [#tpu.dimension_semantics<core_parallel>, #tpu.dimension_semantics<subcore_parallel>], iteration_bounds = array<i64: 2, 16>, scalar_prefetch = 0 : i64, scratch_operands = 29 : i64, tpu.core_type = #tpu.core_type<sc_vector_subcore>, window_params = [{transform_indices = #map}, {transform_indices = #map1}, {transform_indices = #map1}, {transform_indices = #map}, {transform_indices = #map2}]} {
    %mul3A = arith.constant 2 : i32
    %mul3A_0 = arith.muli %arg1, %mul3A : i32
    %add3A = arith.addi %mul3A_0, %arg0 : i32
    %mul3A_1 = arith.constant 10000 : i32
    %mul3A_2 = arith.muli %add3A, %mul3A_1 : i32
    %mul3A_3 = arith.constant 640 : i32
    %mul3A_4 = arith.muli %arg1, %mul3A_3 : i32
    "tpu.region"() ({
      %run_scoped3A = tpu.sem_alloc : memref<!tpu.dma_semaphore, #tpu.memory_space<semaphore_mem>>
      %dma_start3A_33 = arith.constant 0 : i32
      %dma_start3A_34 = tpu.memref_slice %arg19[%mul3A_4, %dma_start3A_33] : memref<10240x128xf32, #tpu.memory_space<vmem_shared>> -> memref<640x128xf32, #tpu.memory_space<vmem_shared>>
      tpu.enqueue_dma source(%arg5 : memref<640x128xf32, #tpu.memory_space<hbm>>) target(%dma_start3A_34 : memref<640x128xf32, #tpu.memory_space<vmem_shared>>) target_semaphore(%run_scoped3A : memref<!tpu.dma_semaphore, #tpu.memory_space<semaphore_mem>>)
      %dma_wait3A_35 = arith.constant 0 : i32
      %dma_wait3A_36 = tpu.memref_slice %arg19[%mul3A_4, %dma_wait3A_35] : memref<10240x128xf32, #tpu.memory_space<vmem_shared>> -> memref<640x128xf32, #tpu.memory_space<vmem_shared>>
      tpu.wait_dma2 semaphore(%run_scoped3A : memref<!tpu.dma_semaphore, #tpu.memory_space<semaphore_mem>>) src(%arg5 : memref<640x128xf32, #tpu.memory_space<hbm>>) dst(%dma_wait3A_36 : memref<640x128xf32, #tpu.memory_space<vmem_shared>>)
      tpu.yield
    }) : () -> ()
    %barrier3A = arith.constant 0 : index
    tpu.barrier barrier_id(%barrier3A)
    %scan3A = arith.constant 0 : i32
    %scan3A_5 = arith.constant 0 : i32
    %scan3A_6 = arith.constant 31 : i32
    %scan3A_7 = arith.addi %scan3A_5, %scan3A_6 : i32
    %scan3A_8 = arith.constant 1 : i32
    scf.for %scan3A_33 = %scan3A_5 to %scan3A_7 step %scan3A_8  : i32 {
      %mul3A_34 = arith.constant 320 : i32
      %mul3A_35 = arith.muli %scan3A_33, %mul3A_34 : i32
      %add3A_36 = arith.addi %mul3A_2, %mul3A_35 : i32
      %gt3A = arith.constant 0 : i32
      %gt3A_37 = arith.cmpi sgt, %scan3A_33, %gt3A : i32
      %convert_element_type3A = arith.extui %gt3A_37 : i1 to i32
      %cond3A = arith.constant 0 : i32
      %cond3A_38 = arith.cmpi ne, %convert_element_type3A, %cond3A : i32
      scf.if %cond3A_38 {
        %dma_wait3A_134 = arith.constant 0 : i32
        %dma_wait3A_135 = arith.constant 0 : i32
        %dma_wait3A_136 = tpu.memref_slice %arg19[%dma_wait3A_134, %dma_wait3A_135] : memref<10240x128xf32, #tpu.memory_space<vmem_shared>> -> memref<10240x128xf32, #tpu.memory_space<vmem_shared>>
        tpu.wait_indirect_dma semaphore(%arg32 : memref<!tpu.dma_semaphore, #tpu.memory_space<semaphore_mem>>) src(%arg15 : memref<80x128xf32, #tpu.memory_space<vmem>>) dst(%dma_wait3A_136 : memref<10240x128xf32, #tpu.memory_space<vmem_shared>>)
      } else {
      }
      %add3A_39 = arith.constant 0 : i32
      %add3A_40 = arith.addi %add3A_36, %add3A_39 : i32
      %multiple_of3A_41 = tpu.assume_multiple %add3A_40, 8 : i32
      %dma_start3A_42 = tpu.memref_slice %arg3[%multiple_of3A_41] : memref<320000xi32, #tpu.memory_space<hbm>> -> memref<80xi32, #tpu.memory_space<hbm>>
      %dma_start3A_43 = tpu.memref_slice %arg3[%multiple_of3A_41] : memref<320000xi32, #tpu.memory_space<hbm>> -> memref<80xi32, #tpu.memory_space<hbm>>
      tpu.enqueue_dma source(%dma_start3A_43 : memref<80xi32, #tpu.memory_space<hbm>>) target(%arg7 : memref<80xi32, #tpu.memory_space<vmem>>) target_semaphore(%arg20 : memref<!tpu.dma_semaphore, #tpu.memory_space<semaphore_mem>>)
      %dma_start3A_44 = tpu.memref_slice %arg4[%multiple_of3A_41] : memref<320000xi32, #tpu.memory_space<hbm>> -> memref<80xi32, #tpu.memory_space<hbm>>
      %dma_start3A_45 = tpu.memref_slice %arg4[%multiple_of3A_41] : memref<320000xi32, #tpu.memory_space<hbm>> -> memref<80xi32, #tpu.memory_space<hbm>>
      tpu.enqueue_dma source(%dma_start3A_45 : memref<80xi32, #tpu.memory_space<hbm>>) target(%arg11 : memref<80xi32, #tpu.memory_space<vmem>>) target_semaphore(%arg24 : memref<!tpu.dma_semaphore, #tpu.memory_space<semaphore_mem>>)
      %gt3A_46 = arith.constant 0 : i32
      %gt3A_47 = arith.cmpi sgt, %scan3A_33, %gt3A_46 : i32
      %convert_element_type3A_48 = arith.extui %gt3A_47 : i1 to i32
      %cond3A_49 = arith.constant 0 : i32
      %cond3A_50 = arith.cmpi ne, %convert_element_type3A_48, %cond3A_49 : i32
      scf.if %cond3A_50 {
        %dma_wait3A_134 = arith.constant 0 : i32
        %dma_wait3A_135 = arith.constant 0 : i32
        %dma_wait3A_136 = tpu.memref_slice %arg19[%dma_wait3A_134, %dma_wait3A_135] : memref<10240x128xf32, #tpu.memory_space<vmem_shared>> -> memref<10240x128xf32, #tpu.memory_space<vmem_shared>>
        tpu.wait_indirect_dma semaphore(%arg33 : memref<!tpu.dma_semaphore, #tpu.memory_space<semaphore_mem>>) src(%arg16 : memref<80x128xf32, #tpu.memory_space<vmem>>) dst(%dma_wait3A_136 : memref<10240x128xf32, #tpu.memory_space<vmem_shared>>)
      } else {
      }
      %add3A_51 = arith.constant 80 : i32
      %add3A_52 = arith.addi %add3A_36, %add3A_51 : i32
      %multiple_of3A_53 = tpu.assume_multiple %add3A_52, 8 : i32
      %dma_start3A_54 = tpu.memref_slice %arg3[%multiple_of3A_53] : memref<320000xi32, #tpu.memory_space<hbm>> -> memref<80xi32, #tpu.memory_space<hbm>>
      %dma_start3A_55 = tpu.memref_slice %arg3[%multiple_of3A_53] : memref<320000xi32, #tpu.memory_space<hbm>> -> memref<80xi32, #tpu.memory_space<hbm>>
      tpu.enqueue_dma source(%dma_start3A_55 : memref<80xi32, #tpu.memory_space<hbm>>) target(%arg8 : memref<80xi32, #tpu.memory_space<vmem>>) target_semaphore(%arg21 : memref<!tpu.dma_semaphore, #tpu.memory_space<semaphore_mem>>)
      %dma_start3A_56 = tpu.memref_slice %arg4[%multiple_of3A_53] : memref<320000xi32, #tpu.memory_space<hbm>> -> memref<80xi32, #tpu.memory_space<hbm>>
      %dma_start3A_57 = tpu.memref_slice %arg4[%multiple_of3A_53] : memref<320000xi32, #tpu.memory_space<hbm>> -> memref<80xi32, #tpu.memory_space<hbm>>
      tpu.enqueue_dma source(%dma_start3A_57 : memref<80xi32, #tpu.memory_space<hbm>>) target(%arg12 : memref<80xi32, #tpu.memory_space<vmem>>) target_semaphore(%arg25 : memref<!tpu.dma_semaphore, #tpu.memory_space<semaphore_mem>>)
      %gt3A_58 = arith.constant 0 : i32
      %gt3A_59 = arith.cmpi sgt, %scan3A_33, %gt3A_58 : i32
      %convert_element_type3A_60 = arith.extui %gt3A_59 : i1 to i32
      %cond3A_61 = arith.constant 0 : i32
      %cond3A_62 = arith.cmpi ne, %convert_element_type3A_60, %cond3A_61 : i32
      scf.if %cond3A_62 {
        %dma_wait3A_134 = arith.constant 0 : i32
        %dma_wait3A_135 = arith.constant 0 : i32
        %dma_wait3A_136 = tpu.memref_slice %arg19[%dma_wait3A_134, %dma_wait3A_135] : memref<10240x128xf32, #tpu.memory_space<vmem_shared>> -> memref<10240x128xf32, #tpu.memory_space<vmem_shared>>
        tpu.wait_indirect_dma semaphore(%arg34 : memref<!tpu.dma_semaphore, #tpu.memory_space<semaphore_mem>>) src(%arg17 : memref<80x128xf32, #tpu.memory_space<vmem>>) dst(%dma_wait3A_136 : memref<10240x128xf32, #tpu.memory_space<vmem_shared>>)
      } else {
      }
      %add3A_63 = arith.constant 160 : i32
      %add3A_64 = arith.addi %add3A_36, %add3A_63 : i32
      %multiple_of3A_65 = tpu.assume_multiple %add3A_64, 8 : i32
      %dma_start3A_66 = tpu.memref_slice %arg3[%multiple_of3A_65] : memref<320000xi32, #tpu.memory_space<hbm>> -> memref<80xi32, #tpu.memory_space<hbm>>
      %dma_start3A_67 = tpu.memref_slice %arg3[%multiple_of3A_65] : memref<320000xi32, #tpu.memory_space<hbm>> -> memref<80xi32, #tpu.memory_space<hbm>>
      tpu.enqueue_dma source(%dma_start3A_67 : memref<80xi32, #tpu.memory_space<hbm>>) target(%arg9 : memref<80xi32, #tpu.memory_space<vmem>>) target_semaphore(%arg22 : memref<!tpu.dma_semaphore, #tpu.memory_space<semaphore_mem>>)
      %dma_start3A_68 = tpu.memref_slice %arg4[%multiple_of3A_65] : memref<320000xi32, #tpu.memory_space<hbm>> -> memref<80xi32, #tpu.memory_space<hbm>>
      %dma_start3A_69 = tpu.memref_slice %arg4[%multiple_of3A_65] : memref<320000xi32, #tpu.memory_space<hbm>> -> memref<80xi32, #tpu.memory_space<hbm>>
      tpu.enqueue_dma source(%dma_start3A_69 : memref<80xi32, #tpu.memory_space<hbm>>) target(%arg13 : memref<80xi32, #tpu.memory_space<vmem>>) target_semaphore(%arg26 : memref<!tpu.dma_semaphore, #tpu.memory_space<semaphore_mem>>)
      %gt3A_70 = arith.constant 0 : i32
      %gt3A_71 = arith.cmpi sgt, %scan3A_33, %gt3A_70 : i32
      %convert_element_type3A_72 = arith.extui %gt3A_71 : i1 to i32
      %cond3A_73 = arith.constant 0 : i32
      %cond3A_74 = arith.cmpi ne, %convert_element_type3A_72, %cond3A_73 : i32
      scf.if %cond3A_74 {
        %dma_wait3A_134 = arith.constant 0 : i32
        %dma_wait3A_135 = arith.constant 0 : i32
        %dma_wait3A_136 = tpu.memref_slice %arg19[%dma_wait3A_134, %dma_wait3A_135] : memref<10240x128xf32, #tpu.memory_space<vmem_shared>> -> memref<10240x128xf32, #tpu.memory_space<vmem_shared>>
        tpu.wait_indirect_dma semaphore(%arg35 : memref<!tpu.dma_semaphore, #tpu.memory_space<semaphore_mem>>) src(%arg18 : memref<80x128xf32, #tpu.memory_space<vmem>>) dst(%dma_wait3A_136 : memref<10240x128xf32, #tpu.memory_space<vmem_shared>>)
      } else {
      }
      %add3A_75 = arith.constant 240 : i32
      %add3A_76 = arith.addi %add3A_36, %add3A_75 : i32
      %multiple_of3A_77 = tpu.assume_multiple %add3A_76, 8 : i32
      %dma_start3A_78 = tpu.memref_slice %arg3[%multiple_of3A_77] : memref<320000xi32, #tpu.memory_space<hbm>> -> memref<80xi32, #tpu.memory_space<hbm>>
      %dma_start3A_79 = tpu.memref_slice %arg3[%multiple_of3A_77] : memref<320000xi32, #tpu.memory_space<hbm>> -> memref<80xi32, #tpu.memory_space<hbm>>
      tpu.enqueue_dma source(%dma_start3A_79 : memref<80xi32, #tpu.memory_space<hbm>>) target(%arg10 : memref<80xi32, #tpu.memory_space<vmem>>) target_semaphore(%arg23 : memref<!tpu.dma_semaphore, #tpu.memory_space<semaphore_mem>>)
      %dma_start3A_80 = tpu.memref_slice %arg4[%multiple_of3A_77] : memref<320000xi32, #tpu.memory_space<hbm>> -> memref<80xi32, #tpu.memory_space<hbm>>
      %dma_start3A_81 = tpu.memref_slice %arg4[%multiple_of3A_77] : memref<320000xi32, #tpu.memory_space<hbm>> -> memref<80xi32, #tpu.memory_space<hbm>>
      tpu.enqueue_dma source(%dma_start3A_81 : memref<80xi32, #tpu.memory_space<hbm>>) target(%arg14 : memref<80xi32, #tpu.memory_space<vmem>>) target_semaphore(%arg27 : memref<!tpu.dma_semaphore, #tpu.memory_space<semaphore_mem>>)
      %dma_wait3A_82 = tpu.memref_slice %arg3[%multiple_of3A_41] : memref<320000xi32, #tpu.memory_space<hbm>> -> memref<80xi32, #tpu.memory_space<hbm>>
      %dma_wait3A_83 = tpu.memref_slice %arg3[%multiple_of3A_41] : memref<320000xi32, #tpu.memory_space<hbm>> -> memref<80xi32, #tpu.memory_space<hbm>>
      tpu.wait_dma2 semaphore(%arg20 : memref<!tpu.dma_semaphore, #tpu.memory_space<semaphore_mem>>) src(%dma_wait3A_83 : memref<80xi32, #tpu.memory_space<hbm>>) dst(%arg7 : memref<80xi32, #tpu.memory_space<vmem>>)
      %dma_start3A_84 = arith.constant 0 : i32
      %dma_start3A_85 = arith.constant 0 : i32
      %dma_start3A_86 = tpu.memref_slice %arg2[%dma_start3A_84, %dma_start3A_85] : memref<10000x128xf32, #tpu.memory_space<hbm>> -> memref<10000x128xf32, #tpu.memory_space<hbm>>
      tpu.enqueue_indirect_dma source(%dma_start3A_86 : memref<10000x128xf32, #tpu.memory_space<hbm>>) target(%arg15 : memref<80x128xf32, #tpu.memory_space<vmem>>) offsets(%arg7 : memref<80xi32, #tpu.memory_space<vmem>>) semaphore(%arg28 : memref<!tpu.dma_semaphore, #tpu.memory_space<semaphore_mem>>)
      %dma_wait3A_87 = tpu.memref_slice %arg3[%multiple_of3A_53] : memref<320000xi32, #tpu.memory_space<hbm>> -> memref<80xi32, #tpu.memory_space<hbm>>
      %dma_wait3A_88 = tpu.memref_slice %arg3[%multiple_of3A_53] : memref<320000xi32, #tpu.memory_space<hbm>> -> memref<80xi32, #tpu.memory_space<hbm>>
      tpu.wait_dma2 semaphore(%arg21 : memref<!tpu.dma_semaphore, #tpu.memory_space<semaphore_mem>>) src(%dma_wait3A_88 : memref<80xi32, #tpu.memory_space<hbm>>) dst(%arg8 : memref<80xi32, #tpu.memory_space<vmem>>)
      %dma_start3A_89 = arith.constant 0 : i32
      %dma_start3A_90 = arith.constant 0 : i32
      %dma_start3A_91 = tpu.memref_slice %arg2[%dma_start3A_89, %dma_start3A_90] : memref<10000x128xf32, #tpu.memory_space<hbm>> -> memref<10000x128xf32, #tpu.memory_space<hbm>>
      tpu.enqueue_indirect_dma source(%dma_start3A_91 : memref<10000x128xf32, #tpu.memory_space<hbm>>) target(%arg16 : memref<80x128xf32, #tpu.memory_space<vmem>>) offsets(%arg8 : memref<80xi32, #tpu.memory_space<vmem>>) semaphore(%arg29 : memref<!tpu.dma_semaphore, #tpu.memory_space<semaphore_mem>>)
      %dma_wait3A_92 = tpu.memref_slice %arg3[%multiple_of3A_65] : memref<320000xi32, #tpu.memory_space<hbm>> -> memref<80xi32, #tpu.memory_space<hbm>>
      %dma_wait3A_93 = tpu.memref_slice %arg3[%multiple_of3A_65] : memref<320000xi32, #tpu.memory_space<hbm>> -> memref<80xi32, #tpu.memory_space<hbm>>
      tpu.wait_dma2 semaphore(%arg22 : memref<!tpu.dma_semaphore, #tpu.memory_space<semaphore_mem>>) src(%dma_wait3A_93 : memref<80xi32, #tpu.memory_space<hbm>>) dst(%arg9 : memref<80xi32, #tpu.memory_space<vmem>>)
      %dma_start3A_94 = arith.constant 0 : i32
      %dma_start3A_95 = arith.constant 0 : i32
      %dma_start3A_96 = tpu.memref_slice %arg2[%dma_start3A_94, %dma_start3A_95] : memref<10000x128xf32, #tpu.memory_space<hbm>> -> memref<10000x128xf32, #tpu.memory_space<hbm>>
      tpu.enqueue_indirect_dma source(%dma_start3A_96 : memref<10000x128xf32, #tpu.memory_space<hbm>>) target(%arg17 : memref<80x128xf32, #tpu.memory_space<vmem>>) offsets(%arg9 : memref<80xi32, #tpu.memory_space<vmem>>) semaphore(%arg30 : memref<!tpu.dma_semaphore, #tpu.memory_space<semaphore_mem>>)
      %dma_wait3A_97 = tpu.memref_slice %arg3[%multiple_of3A_77] : memref<320000xi32, #tpu.memory_space<hbm>> -> memref<80xi32, #tpu.memory_space<hbm>>
      %dma_wait3A_98 = tpu.memref_slice %arg3[%multiple_of3A_77] : memref<320000xi32, #tpu.memory_space<hbm>> -> memref<80xi32, #tpu.memory_space<hbm>>
      tpu.wait_dma2 semaphore(%arg23 : memref<!tpu.dma_semaphore, #tpu.memory_space<semaphore_mem>>) src(%dma_wait3A_98 : memref<80xi32, #tpu.memory_space<hbm>>) dst(%arg10 : memref<80xi32, #tpu.memory_space<vmem>>)
      %dma_start3A_99 = arith.constant 0 : i32
      %dma_start3A_100 = arith.constant 0 : i32
      %dma_start3A_101 = tpu.memref_slice %arg2[%dma_start3A_99, %dma_start3A_100] : memref<10000x128xf32, #tpu.memory_space<hbm>> -> memref<10000x128xf32, #tpu.memory_space<hbm>>
      tpu.enqueue_indirect_dma source(%dma_start3A_101 : memref<10000x128xf32, #tpu.memory_space<hbm>>) target(%arg18 : memref<80x128xf32, #tpu.memory_space<vmem>>) offsets(%arg10 : memref<80xi32, #tpu.memory_space<vmem>>) semaphore(%arg31 : memref<!tpu.dma_semaphore, #tpu.memory_space<semaphore_mem>>)
      %dma_wait3A_102 = arith.constant 0 : i32
      %dma_wait3A_103 = arith.constant 0 : i32
      %dma_wait3A_104 = tpu.memref_slice %arg2[%dma_wait3A_102, %dma_wait3A_103] : memref<10000x128xf32, #tpu.memory_space<hbm>> -> memref<10000x128xf32, #tpu.memory_space<hbm>>
      tpu.wait_indirect_dma semaphore(%arg28 : memref<!tpu.dma_semaphore, #tpu.memory_space<semaphore_mem>>) src(%dma_wait3A_104 : memref<10000x128xf32, #tpu.memory_space<hbm>>) dst(%arg15 : memref<80x128xf32, #tpu.memory_space<vmem>>)
      %dma_wait3A_105 = tpu.memref_slice %arg4[%multiple_of3A_41] : memref<320000xi32, #tpu.memory_space<hbm>> -> memref<80xi32, #tpu.memory_space<hbm>>
      %dma_wait3A_106 = tpu.memref_slice %arg4[%multiple_of3A_41] : memref<320000xi32, #tpu.memory_space<hbm>> -> memref<80xi32, #tpu.memory_space<hbm>>
      tpu.wait_dma2 semaphore(%arg24 : memref<!tpu.dma_semaphore, #tpu.memory_space<semaphore_mem>>) src(%dma_wait3A_106 : memref<80xi32, #tpu.memory_space<hbm>>) dst(%arg11 : memref<80xi32, #tpu.memory_space<vmem>>)
      %dma_start3A_107 = arith.constant 0 : i32
      %dma_start3A_108 = arith.constant 0 : i32
      %dma_start3A_109 = tpu.memref_slice %arg19[%dma_start3A_107, %dma_start3A_108] : memref<10240x128xf32, #tpu.memory_space<vmem_shared>> -> memref<10240x128xf32, #tpu.memory_space<vmem_shared>>
      tpu.enqueue_indirect_dma source(%arg15 : memref<80x128xf32, #tpu.memory_space<vmem>>) target(%dma_start3A_109 : memref<10240x128xf32, #tpu.memory_space<vmem_shared>>) offsets(%arg11 : memref<80xi32, #tpu.memory_space<vmem>>) semaphore(%arg32 : memref<!tpu.dma_semaphore, #tpu.memory_space<semaphore_mem>>) {add = true}
      %dma_wait3A_110 = arith.constant 0 : i32
      %dma_wait3A_111 = arith.constant 0 : i32
      %dma_wait3A_112 = tpu.memref_slice %arg2[%dma_wait3A_110, %dma_wait3A_111] : memref<10000x128xf32, #tpu.memory_space<hbm>> -> memref<10000x128xf32, #tpu.memory_space<hbm>>
      tpu.wait_indirect_dma semaphore(%arg29 : memref<!tpu.dma_semaphore, #tpu.memory_space<semaphore_mem>>) src(%dma_wait3A_112 : memref<10000x128xf32, #tpu.memory_space<hbm>>) dst(%arg16 : memref<80x128xf32, #tpu.memory_space<vmem>>)
      %dma_wait3A_113 = tpu.memref_slice %arg4[%multiple_of3A_53] : memref<320000xi32, #tpu.memory_space<hbm>> -> memref<80xi32, #tpu.memory_space<hbm>>
      %dma_wait3A_114 = tpu.memref_slice %arg4[%multiple_of3A_53] : memref<320000xi32, #tpu.memory_space<hbm>> -> memref<80xi32, #tpu.memory_space<hbm>>
      tpu.wait_dma2 semaphore(%arg25 : memref<!tpu.dma_semaphore, #tpu.memory_space<semaphore_mem>>) src(%dma_wait3A_114 : memref<80xi32, #tpu.memory_space<hbm>>) dst(%arg12 : memref<80xi32, #tpu.memory_space<vmem>>)
      %dma_start3A_115 = arith.constant 0 : i32
      %dma_start3A_116 = arith.constant 0 : i32
      %dma_start3A_117 = tpu.memref_slice %arg19[%dma_start3A_115, %dma_start3A_116] : memref<10240x128xf32, #tpu.memory_space<vmem_shared>> -> memref<10240x128xf32, #tpu.memory_space<vmem_shared>>
      tpu.enqueue_indirect_dma source(%arg16 : memref<80x128xf32, #tpu.memory_space<vmem>>) target(%dma_start3A_117 : memref<10240x128xf32, #tpu.memory_space<vmem_shared>>) offsets(%arg12 : memref<80xi32, #tpu.memory_space<vmem>>) semaphore(%arg33 : memref<!tpu.dma_semaphore, #tpu.memory_space<semaphore_mem>>) {add = true}
      %dma_wait3A_118 = arith.constant 0 : i32
      %dma_wait3A_119 = arith.constant 0 : i32
      %dma_wait3A_120 = tpu.memref_slice %arg2[%dma_wait3A_118, %dma_wait3A_119] : memref<10000x128xf32, #tpu.memory_space<hbm>> -> memref<10000x128xf32, #tpu.memory_space<hbm>>
      tpu.wait_indirect_dma semaphore(%arg30 : memref<!tpu.dma_semaphore, #tpu.memory_space<semaphore_mem>>) src(%dma_wait3A_120 : memref<10000x128xf32, #tpu.memory_space<hbm>>) dst(%arg17 : memref<80x128xf32, #tpu.memory_space<vmem>>)
      %dma_wait3A_121 = tpu.memref_slice %arg4[%multiple_of3A_65] : memref<320000xi32, #tpu.memory_space<hbm>> -> memref<80xi32, #tpu.memory_space<hbm>>
      %dma_wait3A_122 = tpu.memref_slice %arg4[%multiple_of3A_65] : memref<320000xi32, #tpu.memory_space<hbm>> -> memref<80xi32, #tpu.memory_space<hbm>>
      tpu.wait_dma2 semaphore(%arg26 : memref<!tpu.dma_semaphore, #tpu.memory_space<semaphore_mem>>) src(%dma_wait3A_122 : memref<80xi32, #tpu.memory_space<hbm>>) dst(%arg13 : memref<80xi32, #tpu.memory_space<vmem>>)
      %dma_start3A_123 = arith.constant 0 : i32
      %dma_start3A_124 = arith.constant 0 : i32
      %dma_start3A_125 = tpu.memref_slice %arg19[%dma_start3A_123, %dma_start3A_124] : memref<10240x128xf32, #tpu.memory_space<vmem_shared>> -> memref<10240x128xf32, #tpu.memory_space<vmem_shared>>
      tpu.enqueue_indirect_dma source(%arg17 : memref<80x128xf32, #tpu.memory_space<vmem>>) target(%dma_start3A_125 : memref<10240x128xf32, #tpu.memory_space<vmem_shared>>) offsets(%arg13 : memref<80xi32, #tpu.memory_space<vmem>>) semaphore(%arg34 : memref<!tpu.dma_semaphore, #tpu.memory_space<semaphore_mem>>) {add = true}
      %dma_wait3A_126 = arith.constant 0 : i32
      %dma_wait3A_127 = arith.constant 0 : i32
      %dma_wait3A_128 = tpu.memref_slice %arg2[%dma_wait3A_126, %dma_wait3A_127] : memref<10000x128xf32, #tpu.memory_space<hbm>> -> memref<10000x128xf32, #tpu.memory_space<hbm>>
      tpu.wait_indirect_dma semaphore(%arg31 : memref<!tpu.dma_semaphore, #tpu.memory_space<semaphore_mem>>) src(%dma_wait3A_128 : memref<10000x128xf32, #tpu.memory_space<hbm>>) dst(%arg18 : memref<80x128xf32, #tpu.memory_space<vmem>>)
      %dma_wait3A_129 = tpu.memref_slice %arg4[%multiple_of3A_77] : memref<320000xi32, #tpu.memory_space<hbm>> -> memref<80xi32, #tpu.memory_space<hbm>>
      %dma_wait3A_130 = tpu.memref_slice %arg4[%multiple_of3A_77] : memref<320000xi32, #tpu.memory_space<hbm>> -> memref<80xi32, #tpu.memory_space<hbm>>
      tpu.wait_dma2 semaphore(%arg27 : memref<!tpu.dma_semaphore, #tpu.memory_space<semaphore_mem>>) src(%dma_wait3A_130 : memref<80xi32, #tpu.memory_space<hbm>>) dst(%arg14 : memref<80xi32, #tpu.memory_space<vmem>>)
      %dma_start3A_131 = arith.constant 0 : i32
      %dma_start3A_132 = arith.constant 0 : i32
      %dma_start3A_133 = tpu.memref_slice %arg19[%dma_start3A_131, %dma_start3A_132] : memref<10240x128xf32, #tpu.memory_space<vmem_shared>> -> memref<10240x128xf32, #tpu.memory_space<vmem_shared>>
      tpu.enqueue_indirect_dma source(%arg18 : memref<80x128xf32, #tpu.memory_space<vmem>>) target(%dma_start3A_133 : memref<10240x128xf32, #tpu.memory_space<vmem_shared>>) offsets(%arg14 : memref<80xi32, #tpu.memory_space<vmem>>) semaphore(%arg35 : memref<!tpu.dma_semaphore, #tpu.memory_space<semaphore_mem>>) {add = true}
    }
    %scan3A_9 = arith.constant 31 : i32
    %dma_wait3A = arith.constant 0 : i32
    %dma_wait3A_10 = arith.constant 0 : i32
    %dma_wait3A_11 = tpu.memref_slice %arg19[%dma_wait3A, %dma_wait3A_10] : memref<10240x128xf32, #tpu.memory_space<vmem_shared>> -> memref<10240x128xf32, #tpu.memory_space<vmem_shared>>
    tpu.wait_indirect_dma semaphore(%arg32 : memref<!tpu.dma_semaphore, #tpu.memory_space<semaphore_mem>>) src(%arg15 : memref<80x128xf32, #tpu.memory_space<vmem>>) dst(%dma_wait3A_11 : memref<10240x128xf32, #tpu.memory_space<vmem_shared>>)
    %dma_wait3A_12 = arith.constant 0 : i32
    %dma_wait3A_13 = arith.constant 0 : i32
    %dma_wait3A_14 = tpu.memref_slice %arg19[%dma_wait3A_12, %dma_wait3A_13] : memref<10240x128xf32, #tpu.memory_space<vmem_shared>> -> memref<10240x128xf32, #tpu.memory_space<vmem_shared>>
    tpu.wait_indirect_dma semaphore(%arg33 : memref<!tpu.dma_semaphore, #tpu.memory_space<semaphore_mem>>) src(%arg16 : memref<80x128xf32, #tpu.memory_space<vmem>>) dst(%dma_wait3A_14 : memref<10240x128xf32, #tpu.memory_space<vmem_shared>>)
    %dma_wait3A_15 = arith.constant 0 : i32
    %dma_wait3A_16 = arith.constant 0 : i32
    %dma_wait3A_17 = tpu.memref_slice %arg19[%dma_wait3A_15, %dma_wait3A_16] : memref<10240x128xf32, #tpu.memory_space<vmem_shared>> -> memref<10240x128xf32, #tpu.memory_space<vmem_shared>>
    tpu.wait_indirect_dma semaphore(%arg34 : memref<!tpu.dma_semaphore, #tpu.memory_space<semaphore_mem>>) src(%arg17 : memref<80x128xf32, #tpu.memory_space<vmem>>) dst(%dma_wait3A_17 : memref<10240x128xf32, #tpu.memory_space<vmem_shared>>)
    %dma_wait3A_18 = arith.constant 0 : i32
    %dma_wait3A_19 = arith.constant 0 : i32
    %dma_wait3A_20 = tpu.memref_slice %arg19[%dma_wait3A_18, %dma_wait3A_19] : memref<10240x128xf32, #tpu.memory_space<vmem_shared>> -> memref<10240x128xf32, #tpu.memory_space<vmem_shared>>
    tpu.wait_indirect_dma semaphore(%arg35 : memref<!tpu.dma_semaphore, #tpu.memory_space<semaphore_mem>>) src(%arg18 : memref<80x128xf32, #tpu.memory_space<vmem>>) dst(%dma_wait3A_20 : memref<10240x128xf32, #tpu.memory_space<vmem_shared>>)
    %add3A_21 = arith.constant 9920 : i32
    %add3A_22 = arith.addi %mul3A_2, %add3A_21 : i32
    %multiple_of3A = tpu.assume_multiple %add3A_22, 8 : i32
    "tpu.region"() ({
      %run_scoped3A = tpu.sem_alloc : memref<!tpu.dma_semaphore, #tpu.memory_space<semaphore_mem>>
      %dma_start3A_33 = tpu.memref_slice %arg3[%multiple_of3A] : memref<320000xi32, #tpu.memory_space<hbm>> -> memref<80xi32, #tpu.memory_space<hbm>>
      %dma_start3A_34 = tpu.memref_slice %arg3[%multiple_of3A] : memref<320000xi32, #tpu.memory_space<hbm>> -> memref<80xi32, #tpu.memory_space<hbm>>
      tpu.enqueue_dma source(%dma_start3A_34 : memref<80xi32, #tpu.memory_space<hbm>>) target(%arg7 : memref<80xi32, #tpu.memory_space<vmem>>) target_semaphore(%run_scoped3A : memref<!tpu.dma_semaphore, #tpu.memory_space<semaphore_mem>>)
      %dma_wait3A_35 = tpu.memref_slice %arg3[%multiple_of3A] : memref<320000xi32, #tpu.memory_space<hbm>> -> memref<80xi32, #tpu.memory_space<hbm>>
      %dma_wait3A_36 = tpu.memref_slice %arg3[%multiple_of3A] : memref<320000xi32, #tpu.memory_space<hbm>> -> memref<80xi32, #tpu.memory_space<hbm>>
      tpu.wait_dma2 semaphore(%run_scoped3A : memref<!tpu.dma_semaphore, #tpu.memory_space<semaphore_mem>>) src(%dma_wait3A_36 : memref<80xi32, #tpu.memory_space<hbm>>) dst(%arg7 : memref<80xi32, #tpu.memory_space<vmem>>)
      tpu.yield
    }) : () -> ()
    "tpu.region"() ({
      %run_scoped3A = tpu.sem_alloc : memref<!tpu.dma_semaphore, #tpu.memory_space<semaphore_mem>>
      %dma_start3A_33 = tpu.memref_slice %arg4[%multiple_of3A] : memref<320000xi32, #tpu.memory_space<hbm>> -> memref<80xi32, #tpu.memory_space<hbm>>
      %dma_start3A_34 = tpu.memref_slice %arg4[%multiple_of3A] : memref<320000xi32, #tpu.memory_space<hbm>> -> memref<80xi32, #tpu.memory_space<hbm>>
      tpu.enqueue_dma source(%dma_start3A_34 : memref<80xi32, #tpu.memory_space<hbm>>) target(%arg11 : memref<80xi32, #tpu.memory_space<vmem>>) target_semaphore(%run_scoped3A : memref<!tpu.dma_semaphore, #tpu.memory_space<semaphore_mem>>)
      %dma_wait3A_35 = tpu.memref_slice %arg4[%multiple_of3A] : memref<320000xi32, #tpu.memory_space<hbm>> -> memref<80xi32, #tpu.memory_space<hbm>>
      %dma_wait3A_36 = tpu.memref_slice %arg4[%multiple_of3A] : memref<320000xi32, #tpu.memory_space<hbm>> -> memref<80xi32, #tpu.memory_space<hbm>>
      tpu.wait_dma2 semaphore(%run_scoped3A : memref<!tpu.dma_semaphore, #tpu.memory_space<semaphore_mem>>) src(%dma_wait3A_36 : memref<80xi32, #tpu.memory_space<hbm>>) dst(%arg11 : memref<80xi32, #tpu.memory_space<vmem>>)
      tpu.yield
    }) : () -> ()
    %dma_start3A = arith.constant 0 : i32
    %dma_start3A_23 = arith.constant 0 : i32
    %dma_start3A_24 = tpu.memref_slice %arg2[%dma_start3A, %dma_start3A_23] : memref<10000x128xf32, #tpu.memory_space<hbm>> -> memref<10000x128xf32, #tpu.memory_space<hbm>>
    tpu.enqueue_indirect_dma source(%dma_start3A_24 : memref<10000x128xf32, #tpu.memory_space<hbm>>) target(%arg15 : memref<80x128xf32, #tpu.memory_space<vmem>>) offsets(%arg7 : memref<80xi32, #tpu.memory_space<vmem>>) semaphore(%arg28 : memref<!tpu.dma_semaphore, #tpu.memory_space<semaphore_mem>>)
    %dma_wait3A_25 = arith.constant 0 : i32
    %dma_wait3A_26 = arith.constant 0 : i32
    %dma_wait3A_27 = tpu.memref_slice %arg2[%dma_wait3A_25, %dma_wait3A_26] : memref<10000x128xf32, #tpu.memory_space<hbm>> -> memref<10000x128xf32, #tpu.memory_space<hbm>>
    tpu.wait_indirect_dma semaphore(%arg28 : memref<!tpu.dma_semaphore, #tpu.memory_space<semaphore_mem>>) src(%dma_wait3A_27 : memref<10000x128xf32, #tpu.memory_space<hbm>>) dst(%arg15 : memref<80x128xf32, #tpu.memory_space<vmem>>)
    "tpu.region"() ({
      %run_scoped3A = tpu.sem_alloc : memref<!tpu.dma_semaphore, #tpu.memory_space<semaphore_mem>>
      %dma_start3A_33 = arith.constant 0 : i32
      %dma_start3A_34 = arith.constant 0 : i32
      %dma_start3A_35 = tpu.memref_slice %arg19[%dma_start3A_33, %dma_start3A_34] : memref<10240x128xf32, #tpu.memory_space<vmem_shared>> -> memref<10240x128xf32, #tpu.memory_space<vmem_shared>>
      tpu.enqueue_indirect_dma source(%arg15 : memref<80x128xf32, #tpu.memory_space<vmem>>) target(%dma_start3A_35 : memref<10240x128xf32, #tpu.memory_space<vmem_shared>>) offsets(%arg11 : memref<80xi32, #tpu.memory_space<vmem>>) semaphore(%run_scoped3A : memref<!tpu.dma_semaphore, #tpu.memory_space<semaphore_mem>>) {add = true}
      %dma_wait3A_36 = arith.constant 0 : i32
      %dma_wait3A_37 = arith.constant 0 : i32
      %dma_wait3A_38 = tpu.memref_slice %arg19[%dma_wait3A_36, %dma_wait3A_37] : memref<10240x128xf32, #tpu.memory_space<vmem_shared>> -> memref<10240x128xf32, #tpu.memory_space<vmem_shared>>
      tpu.wait_indirect_dma semaphore(%run_scoped3A : memref<!tpu.dma_semaphore, #tpu.memory_space<semaphore_mem>>) src(%arg15 : memref<80x128xf32, #tpu.memory_space<vmem>>) dst(%dma_wait3A_38 : memref<10240x128xf32, #tpu.memory_space<vmem_shared>>)
      tpu.yield
    }) : () -> ()
    %barrier3A_28 = arith.constant 0 : index
    tpu.barrier barrier_id(%barrier3A_28)
    %mul3A_29 = arith.constant 640 : i32
    %mul3A_30 = arith.muli %arg1, %mul3A_29 : i32
    %mul3A_31 = arith.constant 640 : i32
    %mul3A_32 = arith.muli %arg1, %mul3A_31 : i32
    "tpu.region"() ({
      %run_scoped3A = tpu.sem_alloc : memref<!tpu.dma_semaphore, #tpu.memory_space<semaphore_mem>>
      %dma_start3A_33 = arith.constant 0 : i32
      %dma_start3A_34 = tpu.memref_slice %arg6[%arg0, %mul3A_32, %dma_start3A_33] : memref<2x10240x128xf32, #tpu.memory_space<hbm>> -> memref<1x640x128xf32, #tpu.memory_space<hbm>>
      %dma_start3A_35 = tpu.memref_squeeze %dma_start3A_34 : memref<1x640x128xf32, #tpu.memory_space<hbm>> -> memref<640x128xf32, #tpu.memory_space<hbm>>
      %dma_start3A_36 = arith.constant 0 : i32
      %dma_start3A_37 = tpu.memref_slice %arg19[%mul3A_30, %dma_start3A_36] : memref<10240x128xf32, #tpu.memory_space<vmem_shared>> -> memref<640x128xf32, #tpu.memory_space<vmem_shared>>
      tpu.enqueue_dma source(%dma_start3A_37 : memref<640x128xf32, #tpu.memory_space<vmem_shared>>) target(%dma_start3A_35 : memref<640x128xf32, #tpu.memory_space<hbm>>) target_semaphore(%run_scoped3A : memref<!tpu.dma_semaphore, #tpu.memory_space<semaphore_mem>>)
      %dma_wait3A_38 = arith.constant 0 : i32
      %dma_wait3A_39 = tpu.memref_slice %arg6[%arg0, %mul3A_32, %dma_wait3A_38] : memref<2x10240x128xf32, #tpu.memory_space<hbm>> -> memref<1x640x128xf32, #tpu.memory_space<hbm>>
      %dma_wait3A_40 = tpu.memref_squeeze %dma_wait3A_39 : memref<1x640x128xf32, #tpu.memory_space<hbm>> -> memref<640x128xf32, #tpu.memory_space<hbm>>
      %dma_wait3A_41 = arith.constant 0 : i32
      %dma_wait3A_42 = tpu.memref_slice %arg19[%mul3A_30, %dma_wait3A_41] : memref<10240x128xf32, #tpu.memory_space<vmem_shared>> -> memref<640x128xf32, #tpu.memory_space<vmem_shared>>
      tpu.wait_dma2 semaphore(%run_scoped3A : memref<!tpu.dma_semaphore, #tpu.memory_space<semaphore_mem>>) src(%dma_wait3A_42 : memref<640x128xf32, #tpu.memory_space<vmem_shared>>) dst(%dma_wait3A_40 : memref<640x128xf32, #tpu.memory_space<hbm>>)
      tpu.yield
    }) : () -> ()
    return
  }
}

#map = affine_map<(d0, d1) -> (0, 0)>
#map1 = affine_map<(d0, d1) -> (0)>
module attributes {stable_mosaic.version = 14 : i64} {
  func.func @gat(%arg0: i32, %arg1: i32, %arg2: memref<10016x128xf32, #tpu.memory_space<hbm>>, %arg3: memref<4096xi32, #tpu.memory_space<hbm>>, %arg4: memref<4096xi32, #tpu.memory_space<hbm>>, %arg5: memref<4096x128xf32, #tpu.memory_space<hbm>>, %arg6: memref<4096x128xf32, #tpu.memory_space<hbm>>, %arg7: memref<128xi32, #tpu.memory_space<vmem>>, %arg8: memref<128x128xf32, #tpu.memory_space<vmem>>, %arg9: memref<!tpu.dma_semaphore, #tpu.memory_space<semaphore_mem>>) attributes {dimension_semantics = [#tpu.dimension_semantics<core_parallel>, #tpu.dimension_semantics<subcore_parallel>], iteration_bounds = array<i64: 2, 16>, scalar_prefetch = 0 : i64, scratch_operands = 3 : i64, tpu.core_type = #tpu.core_type<sc_vector_subcore>, window_params = [{transform_indices = #map}, {transform_indices = #map1}, {transform_indices = #map1}, {transform_indices = #map}, {transform_indices = #map}]} {
    %mul3A = arith.constant 2 : i32
    %mul3A_0 = arith.muli %arg1, %mul3A : i32
    %add3A = arith.addi %mul3A_0, %arg0 : i32
    %mul3A_1 = arith.constant 128 : i32
    %mul3A_2 = arith.muli %add3A, %mul3A_1 : i32
    "tpu.region"() ({
      %run_scoped3A = tpu.sem_alloc : memref<!tpu.dma_semaphore, #tpu.memory_space<semaphore_mem>>
      %dma_start3A_13 = tpu.memref_slice %arg3[%mul3A_2] : memref<4096xi32, #tpu.memory_space<hbm>> -> memref<128xi32, #tpu.memory_space<hbm>>
      %dma_start3A_14 = tpu.memref_slice %arg3[%mul3A_2] : memref<4096xi32, #tpu.memory_space<hbm>> -> memref<128xi32, #tpu.memory_space<hbm>>
      tpu.enqueue_dma source(%dma_start3A_14 : memref<128xi32, #tpu.memory_space<hbm>>) target(%arg7 : memref<128xi32, #tpu.memory_space<vmem>>) target_semaphore(%run_scoped3A : memref<!tpu.dma_semaphore, #tpu.memory_space<semaphore_mem>>)
      %dma_wait3A_15 = tpu.memref_slice %arg3[%mul3A_2] : memref<4096xi32, #tpu.memory_space<hbm>> -> memref<128xi32, #tpu.memory_space<hbm>>
      %dma_wait3A_16 = tpu.memref_slice %arg3[%mul3A_2] : memref<4096xi32, #tpu.memory_space<hbm>> -> memref<128xi32, #tpu.memory_space<hbm>>
      tpu.wait_dma2 semaphore(%run_scoped3A : memref<!tpu.dma_semaphore, #tpu.memory_space<semaphore_mem>>) src(%dma_wait3A_16 : memref<128xi32, #tpu.memory_space<hbm>>) dst(%arg7 : memref<128xi32, #tpu.memory_space<vmem>>)
      tpu.yield
    }) : () -> ()
    %dma_start3A = arith.constant 0 : i32
    %dma_start3A_3 = arith.constant 0 : i32
    %dma_start3A_4 = tpu.memref_slice %arg2[%dma_start3A, %dma_start3A_3] : memref<10016x128xf32, #tpu.memory_space<hbm>> -> memref<10016x128xf32, #tpu.memory_space<hbm>>
    tpu.enqueue_indirect_dma source(%dma_start3A_4 : memref<10016x128xf32, #tpu.memory_space<hbm>>) target(%arg8 : memref<128x128xf32, #tpu.memory_space<vmem>>) offsets(%arg7 : memref<128xi32, #tpu.memory_space<vmem>>) semaphore(%arg9 : memref<!tpu.dma_semaphore, #tpu.memory_space<semaphore_mem>>)
    %dma_wait3A = arith.constant 0 : i32
    %dma_wait3A_5 = arith.constant 0 : i32
    %dma_wait3A_6 = tpu.memref_slice %arg2[%dma_wait3A, %dma_wait3A_5] : memref<10016x128xf32, #tpu.memory_space<hbm>> -> memref<10016x128xf32, #tpu.memory_space<hbm>>
    tpu.wait_indirect_dma semaphore(%arg9 : memref<!tpu.dma_semaphore, #tpu.memory_space<semaphore_mem>>) src(%dma_wait3A_6 : memref<10016x128xf32, #tpu.memory_space<hbm>>) dst(%arg8 : memref<128x128xf32, #tpu.memory_space<vmem>>)
    "tpu.region"() ({
      %run_scoped3A = tpu.sem_alloc : memref<!tpu.dma_semaphore, #tpu.memory_space<semaphore_mem>>
      %dma_start3A_13 = arith.constant 0 : i32
      %dma_start3A_14 = tpu.memref_slice %arg5[%mul3A_2, %dma_start3A_13] : memref<4096x128xf32, #tpu.memory_space<hbm>> -> memref<128x128xf32, #tpu.memory_space<hbm>>
      %dma_start3A_15 = arith.constant 0 : i32
      %dma_start3A_16 = tpu.memref_slice %arg5[%mul3A_2, %dma_start3A_15] : memref<4096x128xf32, #tpu.memory_space<hbm>> -> memref<128x128xf32, #tpu.memory_space<hbm>>
      tpu.enqueue_dma source(%arg8 : memref<128x128xf32, #tpu.memory_space<vmem>>) target(%dma_start3A_16 : memref<128x128xf32, #tpu.memory_space<hbm>>) target_semaphore(%run_scoped3A : memref<!tpu.dma_semaphore, #tpu.memory_space<semaphore_mem>>)
      %dma_wait3A_17 = arith.constant 0 : i32
      %dma_wait3A_18 = tpu.memref_slice %arg5[%mul3A_2, %dma_wait3A_17] : memref<4096x128xf32, #tpu.memory_space<hbm>> -> memref<128x128xf32, #tpu.memory_space<hbm>>
      %dma_wait3A_19 = arith.constant 0 : i32
      %dma_wait3A_20 = tpu.memref_slice %arg5[%mul3A_2, %dma_wait3A_19] : memref<4096x128xf32, #tpu.memory_space<hbm>> -> memref<128x128xf32, #tpu.memory_space<hbm>>
      tpu.wait_dma2 semaphore(%run_scoped3A : memref<!tpu.dma_semaphore, #tpu.memory_space<semaphore_mem>>) src(%arg8 : memref<128x128xf32, #tpu.memory_space<vmem>>) dst(%dma_wait3A_20 : memref<128x128xf32, #tpu.memory_space<hbm>>)
      tpu.yield
    }) : () -> ()
    "tpu.region"() ({
      %run_scoped3A = tpu.sem_alloc : memref<!tpu.dma_semaphore, #tpu.memory_space<semaphore_mem>>
      %dma_start3A_13 = tpu.memref_slice %arg4[%mul3A_2] : memref<4096xi32, #tpu.memory_space<hbm>> -> memref<128xi32, #tpu.memory_space<hbm>>
      %dma_start3A_14 = tpu.memref_slice %arg4[%mul3A_2] : memref<4096xi32, #tpu.memory_space<hbm>> -> memref<128xi32, #tpu.memory_space<hbm>>
      tpu.enqueue_dma source(%dma_start3A_14 : memref<128xi32, #tpu.memory_space<hbm>>) target(%arg7 : memref<128xi32, #tpu.memory_space<vmem>>) target_semaphore(%run_scoped3A : memref<!tpu.dma_semaphore, #tpu.memory_space<semaphore_mem>>)
      %dma_wait3A_15 = tpu.memref_slice %arg4[%mul3A_2] : memref<4096xi32, #tpu.memory_space<hbm>> -> memref<128xi32, #tpu.memory_space<hbm>>
      %dma_wait3A_16 = tpu.memref_slice %arg4[%mul3A_2] : memref<4096xi32, #tpu.memory_space<hbm>> -> memref<128xi32, #tpu.memory_space<hbm>>
      tpu.wait_dma2 semaphore(%run_scoped3A : memref<!tpu.dma_semaphore, #tpu.memory_space<semaphore_mem>>) src(%dma_wait3A_16 : memref<128xi32, #tpu.memory_space<hbm>>) dst(%arg7 : memref<128xi32, #tpu.memory_space<vmem>>)
      tpu.yield
    }) : () -> ()
    %dma_start3A_7 = arith.constant 0 : i32
    %dma_start3A_8 = arith.constant 0 : i32
    %dma_start3A_9 = tpu.memref_slice %arg2[%dma_start3A_7, %dma_start3A_8] : memref<10016x128xf32, #tpu.memory_space<hbm>> -> memref<10016x128xf32, #tpu.memory_space<hbm>>
    tpu.enqueue_indirect_dma source(%dma_start3A_9 : memref<10016x128xf32, #tpu.memory_space<hbm>>) target(%arg8 : memref<128x128xf32, #tpu.memory_space<vmem>>) offsets(%arg7 : memref<128xi32, #tpu.memory_space<vmem>>) semaphore(%arg9 : memref<!tpu.dma_semaphore, #tpu.memory_space<semaphore_mem>>)
    %dma_wait3A_10 = arith.constant 0 : i32
    %dma_wait3A_11 = arith.constant 0 : i32
    %dma_wait3A_12 = tpu.memref_slice %arg2[%dma_wait3A_10, %dma_wait3A_11] : memref<10016x128xf32, #tpu.memory_space<hbm>> -> memref<10016x128xf32, #tpu.memory_space<hbm>>
    tpu.wait_indirect_dma semaphore(%arg9 : memref<!tpu.dma_semaphore, #tpu.memory_space<semaphore_mem>>) src(%dma_wait3A_12 : memref<10016x128xf32, #tpu.memory_space<hbm>>) dst(%arg8 : memref<128x128xf32, #tpu.memory_space<vmem>>)
    "tpu.region"() ({
      %run_scoped3A = tpu.sem_alloc : memref<!tpu.dma_semaphore, #tpu.memory_space<semaphore_mem>>
      %dma_start3A_13 = arith.constant 0 : i32
      %dma_start3A_14 = tpu.memref_slice %arg6[%mul3A_2, %dma_start3A_13] : memref<4096x128xf32, #tpu.memory_space<hbm>> -> memref<128x128xf32, #tpu.memory_space<hbm>>
      %dma_start3A_15 = arith.constant 0 : i32
      %dma_start3A_16 = tpu.memref_slice %arg6[%mul3A_2, %dma_start3A_15] : memref<4096x128xf32, #tpu.memory_space<hbm>> -> memref<128x128xf32, #tpu.memory_space<hbm>>
      tpu.enqueue_dma source(%arg8 : memref<128x128xf32, #tpu.memory_space<vmem>>) target(%dma_start3A_16 : memref<128x128xf32, #tpu.memory_space<hbm>>) target_semaphore(%run_scoped3A : memref<!tpu.dma_semaphore, #tpu.memory_space<semaphore_mem>>)
      %dma_wait3A_17 = arith.constant 0 : i32
      %dma_wait3A_18 = tpu.memref_slice %arg6[%mul3A_2, %dma_wait3A_17] : memref<4096x128xf32, #tpu.memory_space<hbm>> -> memref<128x128xf32, #tpu.memory_space<hbm>>
      %dma_wait3A_19 = arith.constant 0 : i32
      %dma_wait3A_20 = tpu.memref_slice %arg6[%mul3A_2, %dma_wait3A_19] : memref<4096x128xf32, #tpu.memory_space<hbm>> -> memref<128x128xf32, #tpu.memory_space<hbm>>
      tpu.wait_dma2 semaphore(%run_scoped3A : memref<!tpu.dma_semaphore, #tpu.memory_space<semaphore_mem>>) src(%arg8 : memref<128x128xf32, #tpu.memory_space<vmem>>) dst(%dma_wait3A_20 : memref<128x128xf32, #tpu.memory_space<hbm>>)
      tpu.yield
    }) : () -> ()
    return
  }
}

#map = affine_map<(d0, d1) -> (0, 0)>
#map1 = affine_map<(d0, d1) -> (0)>
#map2 = affine_map<(d0, d1) -> (0, 0, 0)>
module attributes {stable_mosaic.version = 14 : i64} {
  func.func @seg(%arg0: i32, %arg1: i32, %arg2: memref<10000x128xf32, #tpu.memory_space<hbm>>, %arg3: memref<320000xi32, #tpu.memory_space<hbm>>, %arg4: memref<320000xi32, #tpu.memory_space<hbm>>, %arg5: memref<640x128xf32, #tpu.memory_space<hbm>>, %arg6: memref<2x10240x128xf32, #tpu.memory_space<hbm>>, %arg7: memref<80xi32, #tpu.memory_space<vmem>>, %arg8: memref<80xi32, #tpu.memory_space<vmem>>, %arg9: memref<80xi32, #tpu.memory_space<vmem>>, %arg10: memref<80xi32, #tpu.memory_space<vmem>>, %arg11: memref<80xi32, #tpu.memory_space<vmem>>, %arg12: memref<80xi32, #tpu.memory_space<vmem>>, %arg13: memref<80xi32, #tpu.memory_space<vmem>>, %arg14: memref<80xi32, #tpu.memory_space<vmem>>, %arg15: memref<80x128xf32, #tpu.memory_space<vmem>>, %arg16: memref<80x128xf32, #tpu.memory_space<vmem>>, %arg17: memref<80x128xf32, #tpu.memory_space<vmem>>, %arg18: memref<80x128xf32, #tpu.memory_space<vmem>>, %arg19: memref<10240x128xf32, #tpu.memory_space<vmem_shared>>, %arg20: memref<!tpu.dma_semaphore, #tpu.memory_space<semaphore_mem>>, %arg21: memref<!tpu.dma_semaphore, #tpu.memory_space<semaphore_mem>>, %arg22: memref<!tpu.dma_semaphore, #tpu.memory_space<semaphore_mem>>, %arg23: memref<!tpu.dma_semaphore, #tpu.memory_space<semaphore_mem>>, %arg24: memref<!tpu.dma_semaphore, #tpu.memory_space<semaphore_mem>>, %arg25: memref<!tpu.dma_semaphore, #tpu.memory_space<semaphore_mem>>, %arg26: memref<!tpu.dma_semaphore, #tpu.memory_space<semaphore_mem>>, %arg27: memref<!tpu.dma_semaphore, #tpu.memory_space<semaphore_mem>>, %arg28: memref<!tpu.dma_semaphore, #tpu.memory_space<semaphore_mem>>, %arg29: memref<!tpu.dma_semaphore, #tpu.memory_space<semaphore_mem>>, %arg30: memref<!tpu.dma_semaphore, #tpu.memory_space<semaphore_mem>>, %arg31: memref<!tpu.dma_semaphore, #tpu.memory_space<semaphore_mem>>, %arg32: memref<!tpu.dma_semaphore, #tpu.memory_space<semaphore_mem>>, %arg33: memref<!tpu.dma_semaphore, #tpu.memory_space<semaphore_mem>>, %arg34: memref<!tpu.dma_semaphore, #tpu.memory_space<semaphore_mem>>, %arg35: memref<!tpu.dma_semaphore, #tpu.memory_space<semaphore_mem>>) attributes {dimension_semantics = [#tpu.dimension_semantics<core_parallel>, #tpu.dimension_semantics<subcore_parallel>], iteration_bounds = array<i64: 2, 16>, scalar_prefetch = 0 : i64, scratch_operands = 29 : i64, tpu.core_type = #tpu.core_type<sc_vector_subcore>, window_params = [{transform_indices = #map}, {transform_indices = #map1}, {transform_indices = #map1}, {transform_indices = #map}, {transform_indices = #map2}]} {
    %mul3A = arith.constant 2 : i32
    %mul3A_0 = arith.muli %arg1, %mul3A : i32
    %add3A = arith.addi %mul3A_0, %arg0 : i32
    %mul3A_1 = arith.constant 10000 : i32
    %mul3A_2 = arith.muli %add3A, %mul3A_1 : i32
    %mul3A_3 = arith.constant 640 : i32
    %mul3A_4 = arith.muli %arg1, %mul3A_3 : i32
    "tpu.region"() ({
      %run_scoped3A = tpu.sem_alloc : memref<!tpu.dma_semaphore, #tpu.memory_space<semaphore_mem>>
      %dma_start3A_33 = arith.constant 0 : i32
      %dma_start3A_34 = tpu.memref_slice %arg19[%mul3A_4, %dma_start3A_33] : memref<10240x128xf32, #tpu.memory_space<vmem_shared>> -> memref<640x128xf32, #tpu.memory_space<vmem_shared>>
      tpu.enqueue_dma source(%arg5 : memref<640x128xf32, #tpu.memory_space<hbm>>) target(%dma_start3A_34 : memref<640x128xf32, #tpu.memory_space<vmem_shared>>) target_semaphore(%run_scoped3A : memref<!tpu.dma_semaphore, #tpu.memory_space<semaphore_mem>>)
      %dma_wait3A_35 = arith.constant 0 : i32
      %dma_wait3A_36 = tpu.memref_slice %arg19[%mul3A_4, %dma_wait3A_35] : memref<10240x128xf32, #tpu.memory_space<vmem_shared>> -> memref<640x128xf32, #tpu.memory_space<vmem_shared>>
      tpu.wait_dma2 semaphore(%run_scoped3A : memref<!tpu.dma_semaphore, #tpu.memory_space<semaphore_mem>>) src(%arg5 : memref<640x128xf32, #tpu.memory_space<hbm>>) dst(%dma_wait3A_36 : memref<640x128xf32, #tpu.memory_space<vmem_shared>>)
      tpu.yield
    }) : () -> ()
    %barrier3A = arith.constant 0 : index
    tpu.barrier barrier_id(%barrier3A)
    %scan3A = arith.constant 0 : i32
    %scan3A_5 = arith.constant 0 : i32
    %scan3A_6 = arith.constant 31 : i32
    %scan3A_7 = arith.addi %scan3A_5, %scan3A_6 : i32
    %scan3A_8 = arith.constant 1 : i32
    scf.for %scan3A_33 = %scan3A_5 to %scan3A_7 step %scan3A_8  : i32 {
      %mul3A_34 = arith.constant 320 : i32
      %mul3A_35 = arith.muli %scan3A_33, %mul3A_34 : i32
      %add3A_36 = arith.addi %mul3A_2, %mul3A_35 : i32
      %gt3A = arith.constant 0 : i32
      %gt3A_37 = arith.cmpi sgt, %scan3A_33, %gt3A : i32
      %convert_element_type3A = arith.extui %gt3A_37 : i1 to i32
      %cond3A = arith.constant 0 : i32
      %cond3A_38 = arith.cmpi ne, %convert_element_type3A, %cond3A : i32
      scf.if %cond3A_38 {
        %dma_wait3A_134 = arith.constant 0 : i32
        %dma_wait3A_135 = arith.constant 0 : i32
        %dma_wait3A_136 = tpu.memref_slice %arg19[%dma_wait3A_134, %dma_wait3A_135] : memref<10240x128xf32, #tpu.memory_space<vmem_shared>> -> memref<10240x128xf32, #tpu.memory_space<vmem_shared>>
        tpu.wait_indirect_dma semaphore(%arg32 : memref<!tpu.dma_semaphore, #tpu.memory_space<semaphore_mem>>) src(%arg15 : memref<80x128xf32, #tpu.memory_space<vmem>>) dst(%dma_wait3A_136 : memref<10240x128xf32, #tpu.memory_space<vmem_shared>>)
      } else {
      }
      %add3A_39 = arith.constant 0 : i32
      %add3A_40 = arith.addi %add3A_36, %add3A_39 : i32
      %multiple_of3A_41 = tpu.assume_multiple %add3A_40, 8 : i32
      %dma_start3A_42 = tpu.memref_slice %arg3[%multiple_of3A_41] : memref<320000xi32, #tpu.memory_space<hbm>> -> memref<80xi32, #tpu.memory_space<hbm>>
      %dma_start3A_43 = tpu.memref_slice %arg3[%multiple_of3A_41] : memref<320000xi32, #tpu.memory_space<hbm>> -> memref<80xi32, #tpu.memory_space<hbm>>
      tpu.enqueue_dma source(%dma_start3A_43 : memref<80xi32, #tpu.memory_space<hbm>>) target(%arg7 : memref<80xi32, #tpu.memory_space<vmem>>) target_semaphore(%arg20 : memref<!tpu.dma_semaphore, #tpu.memory_space<semaphore_mem>>)
      %dma_start3A_44 = tpu.memref_slice %arg4[%multiple_of3A_41] : memref<320000xi32, #tpu.memory_space<hbm>> -> memref<80xi32, #tpu.memory_space<hbm>>
      %dma_start3A_45 = tpu.memref_slice %arg4[%multiple_of3A_41] : memref<320000xi32, #tpu.memory_space<hbm>> -> memref<80xi32, #tpu.memory_space<hbm>>
      tpu.enqueue_dma source(%dma_start3A_45 : memref<80xi32, #tpu.memory_space<hbm>>) target(%arg11 : memref<80xi32, #tpu.memory_space<vmem>>) target_semaphore(%arg24 : memref<!tpu.dma_semaphore, #tpu.memory_space<semaphore_mem>>)
      %gt3A_46 = arith.constant 0 : i32
      %gt3A_47 = arith.cmpi sgt, %scan3A_33, %gt3A_46 : i32
      %convert_element_type3A_48 = arith.extui %gt3A_47 : i1 to i32
      %cond3A_49 = arith.constant 0 : i32
      %cond3A_50 = arith.cmpi ne, %convert_element_type3A_48, %cond3A_49 : i32
      scf.if %cond3A_50 {
        %dma_wait3A_134 = arith.constant 0 : i32
        %dma_wait3A_135 = arith.constant 0 : i32
        %dma_wait3A_136 = tpu.memref_slice %arg19[%dma_wait3A_134, %dma_wait3A_135] : memref<10240x128xf32, #tpu.memory_space<vmem_shared>> -> memref<10240x128xf32, #tpu.memory_space<vmem_shared>>
        tpu.wait_indirect_dma semaphore(%arg33 : memref<!tpu.dma_semaphore, #tpu.memory_space<semaphore_mem>>) src(%arg16 : memref<80x128xf32, #tpu.memory_space<vmem>>) dst(%dma_wait3A_136 : memref<10240x128xf32, #tpu.memory_space<vmem_shared>>)
      } else {
      }
      %add3A_51 = arith.constant 80 : i32
      %add3A_52 = arith.addi %add3A_36, %add3A_51 : i32
      %multiple_of3A_53 = tpu.assume_multiple %add3A_52, 8 : i32
      %dma_start3A_54 = tpu.memref_slice %arg3[%multiple_of3A_53] : memref<320000xi32, #tpu.memory_space<hbm>> -> memref<80xi32, #tpu.memory_space<hbm>>
      %dma_start3A_55 = tpu.memref_slice %arg3[%multiple_of3A_53] : memref<320000xi32, #tpu.memory_space<hbm>> -> memref<80xi32, #tpu.memory_space<hbm>>
      tpu.enqueue_dma source(%dma_start3A_55 : memref<80xi32, #tpu.memory_space<hbm>>) target(%arg8 : memref<80xi32, #tpu.memory_space<vmem>>) target_semaphore(%arg21 : memref<!tpu.dma_semaphore, #tpu.memory_space<semaphore_mem>>)
      %dma_start3A_56 = tpu.memref_slice %arg4[%multiple_of3A_53] : memref<320000xi32, #tpu.memory_space<hbm>> -> memref<80xi32, #tpu.memory_space<hbm>>
      %dma_start3A_57 = tpu.memref_slice %arg4[%multiple_of3A_53] : memref<320000xi32, #tpu.memory_space<hbm>> -> memref<80xi32, #tpu.memory_space<hbm>>
      tpu.enqueue_dma source(%dma_start3A_57 : memref<80xi32, #tpu.memory_space<hbm>>) target(%arg12 : memref<80xi32, #tpu.memory_space<vmem>>) target_semaphore(%arg25 : memref<!tpu.dma_semaphore, #tpu.memory_space<semaphore_mem>>)
      %gt3A_58 = arith.constant 0 : i32
      %gt3A_59 = arith.cmpi sgt, %scan3A_33, %gt3A_58 : i32
      %convert_element_type3A_60 = arith.extui %gt3A_59 : i1 to i32
      %cond3A_61 = arith.constant 0 : i32
      %cond3A_62 = arith.cmpi ne, %convert_element_type3A_60, %cond3A_61 : i32
      scf.if %cond3A_62 {
        %dma_wait3A_134 = arith.constant 0 : i32
        %dma_wait3A_135 = arith.constant 0 : i32
        %dma_wait3A_136 = tpu.memref_slice %arg19[%dma_wait3A_134, %dma_wait3A_135] : memref<10240x128xf32, #tpu.memory_space<vmem_shared>> -> memref<10240x128xf32, #tpu.memory_space<vmem_shared>>
        tpu.wait_indirect_dma semaphore(%arg34 : memref<!tpu.dma_semaphore, #tpu.memory_space<semaphore_mem>>) src(%arg17 : memref<80x128xf32, #tpu.memory_space<vmem>>) dst(%dma_wait3A_136 : memref<10240x128xf32, #tpu.memory_space<vmem_shared>>)
      } else {
      }
      %add3A_63 = arith.constant 160 : i32
      %add3A_64 = arith.addi %add3A_36, %add3A_63 : i32
      %multiple_of3A_65 = tpu.assume_multiple %add3A_64, 8 : i32
      %dma_start3A_66 = tpu.memref_slice %arg3[%multiple_of3A_65] : memref<320000xi32, #tpu.memory_space<hbm>> -> memref<80xi32, #tpu.memory_space<hbm>>
      %dma_start3A_67 = tpu.memref_slice %arg3[%multiple_of3A_65] : memref<320000xi32, #tpu.memory_space<hbm>> -> memref<80xi32, #tpu.memory_space<hbm>>
      tpu.enqueue_dma source(%dma_start3A_67 : memref<80xi32, #tpu.memory_space<hbm>>) target(%arg9 : memref<80xi32, #tpu.memory_space<vmem>>) target_semaphore(%arg22 : memref<!tpu.dma_semaphore, #tpu.memory_space<semaphore_mem>>)
      %dma_start3A_68 = tpu.memref_slice %arg4[%multiple_of3A_65] : memref<320000xi32, #tpu.memory_space<hbm>> -> memref<80xi32, #tpu.memory_space<hbm>>
      %dma_start3A_69 = tpu.memref_slice %arg4[%multiple_of3A_65] : memref<320000xi32, #tpu.memory_space<hbm>> -> memref<80xi32, #tpu.memory_space<hbm>>
      tpu.enqueue_dma source(%dma_start3A_69 : memref<80xi32, #tpu.memory_space<hbm>>) target(%arg13 : memref<80xi32, #tpu.memory_space<vmem>>) target_semaphore(%arg26 : memref<!tpu.dma_semaphore, #tpu.memory_space<semaphore_mem>>)
      %gt3A_70 = arith.constant 0 : i32
      %gt3A_71 = arith.cmpi sgt, %scan3A_33, %gt3A_70 : i32
      %convert_element_type3A_72 = arith.extui %gt3A_71 : i1 to i32
      %cond3A_73 = arith.constant 0 : i32
      %cond3A_74 = arith.cmpi ne, %convert_element_type3A_72, %cond3A_73 : i32
      scf.if %cond3A_74 {
        %dma_wait3A_134 = arith.constant 0 : i32
        %dma_wait3A_135 = arith.constant 0 : i32
        %dma_wait3A_136 = tpu.memref_slice %arg19[%dma_wait3A_134, %dma_wait3A_135] : memref<10240x128xf32, #tpu.memory_space<vmem_shared>> -> memref<10240x128xf32, #tpu.memory_space<vmem_shared>>
        tpu.wait_indirect_dma semaphore(%arg35 : memref<!tpu.dma_semaphore, #tpu.memory_space<semaphore_mem>>) src(%arg18 : memref<80x128xf32, #tpu.memory_space<vmem>>) dst(%dma_wait3A_136 : memref<10240x128xf32, #tpu.memory_space<vmem_shared>>)
      } else {
      }
      %add3A_75 = arith.constant 240 : i32
      %add3A_76 = arith.addi %add3A_36, %add3A_75 : i32
      %multiple_of3A_77 = tpu.assume_multiple %add3A_76, 8 : i32
      %dma_start3A_78 = tpu.memref_slice %arg3[%multiple_of3A_77] : memref<320000xi32, #tpu.memory_space<hbm>> -> memref<80xi32, #tpu.memory_space<hbm>>
      %dma_start3A_79 = tpu.memref_slice %arg3[%multiple_of3A_77] : memref<320000xi32, #tpu.memory_space<hbm>> -> memref<80xi32, #tpu.memory_space<hbm>>
      tpu.enqueue_dma source(%dma_start3A_79 : memref<80xi32, #tpu.memory_space<hbm>>) target(%arg10 : memref<80xi32, #tpu.memory_space<vmem>>) target_semaphore(%arg23 : memref<!tpu.dma_semaphore, #tpu.memory_space<semaphore_mem>>)
      %dma_start3A_80 = tpu.memref_slice %arg4[%multiple_of3A_77] : memref<320000xi32, #tpu.memory_space<hbm>> -> memref<80xi32, #tpu.memory_space<hbm>>
      %dma_start3A_81 = tpu.memref_slice %arg4[%multiple_of3A_77] : memref<320000xi32, #tpu.memory_space<hbm>> -> memref<80xi32, #tpu.memory_space<hbm>>
      tpu.enqueue_dma source(%dma_start3A_81 : memref<80xi32, #tpu.memory_space<hbm>>) target(%arg14 : memref<80xi32, #tpu.memory_space<vmem>>) target_semaphore(%arg27 : memref<!tpu.dma_semaphore, #tpu.memory_space<semaphore_mem>>)
      %dma_wait3A_82 = tpu.memref_slice %arg3[%multiple_of3A_41] : memref<320000xi32, #tpu.memory_space<hbm>> -> memref<80xi32, #tpu.memory_space<hbm>>
      %dma_wait3A_83 = tpu.memref_slice %arg3[%multiple_of3A_41] : memref<320000xi32, #tpu.memory_space<hbm>> -> memref<80xi32, #tpu.memory_space<hbm>>
      tpu.wait_dma2 semaphore(%arg20 : memref<!tpu.dma_semaphore, #tpu.memory_space<semaphore_mem>>) src(%dma_wait3A_83 : memref<80xi32, #tpu.memory_space<hbm>>) dst(%arg7 : memref<80xi32, #tpu.memory_space<vmem>>)
      %dma_start3A_84 = arith.constant 0 : i32
      %dma_start3A_85 = arith.constant 0 : i32
      %dma_start3A_86 = tpu.memref_slice %arg2[%dma_start3A_84, %dma_start3A_85] : memref<10000x128xf32, #tpu.memory_space<hbm>> -> memref<10000x128xf32, #tpu.memory_space<hbm>>
      tpu.enqueue_indirect_dma source(%dma_start3A_86 : memref<10000x128xf32, #tpu.memory_space<hbm>>) target(%arg15 : memref<80x128xf32, #tpu.memory_space<vmem>>) offsets(%arg7 : memref<80xi32, #tpu.memory_space<vmem>>) semaphore(%arg28 : memref<!tpu.dma_semaphore, #tpu.memory_space<semaphore_mem>>)
      %dma_wait3A_87 = tpu.memref_slice %arg3[%multiple_of3A_53] : memref<320000xi32, #tpu.memory_space<hbm>> -> memref<80xi32, #tpu.memory_space<hbm>>
      %dma_wait3A_88 = tpu.memref_slice %arg3[%multiple_of3A_53] : memref<320000xi32, #tpu.memory_space<hbm>> -> memref<80xi32, #tpu.memory_space<hbm>>
      tpu.wait_dma2 semaphore(%arg21 : memref<!tpu.dma_semaphore, #tpu.memory_space<semaphore_mem>>) src(%dma_wait3A_88 : memref<80xi32, #tpu.memory_space<hbm>>) dst(%arg8 : memref<80xi32, #tpu.memory_space<vmem>>)
      %dma_start3A_89 = arith.constant 0 : i32
      %dma_start3A_90 = arith.constant 0 : i32
      %dma_start3A_91 = tpu.memref_slice %arg2[%dma_start3A_89, %dma_start3A_90] : memref<10000x128xf32, #tpu.memory_space<hbm>> -> memref<10000x128xf32, #tpu.memory_space<hbm>>
      tpu.enqueue_indirect_dma source(%dma_start3A_91 : memref<10000x128xf32, #tpu.memory_space<hbm>>) target(%arg16 : memref<80x128xf32, #tpu.memory_space<vmem>>) offsets(%arg8 : memref<80xi32, #tpu.memory_space<vmem>>) semaphore(%arg29 : memref<!tpu.dma_semaphore, #tpu.memory_space<semaphore_mem>>)
      %dma_wait3A_92 = tpu.memref_slice %arg3[%multiple_of3A_65] : memref<320000xi32, #tpu.memory_space<hbm>> -> memref<80xi32, #tpu.memory_space<hbm>>
      %dma_wait3A_93 = tpu.memref_slice %arg3[%multiple_of3A_65] : memref<320000xi32, #tpu.memory_space<hbm>> -> memref<80xi32, #tpu.memory_space<hbm>>
      tpu.wait_dma2 semaphore(%arg22 : memref<!tpu.dma_semaphore, #tpu.memory_space<semaphore_mem>>) src(%dma_wait3A_93 : memref<80xi32, #tpu.memory_space<hbm>>) dst(%arg9 : memref<80xi32, #tpu.memory_space<vmem>>)
      %dma_start3A_94 = arith.constant 0 : i32
      %dma_start3A_95 = arith.constant 0 : i32
      %dma_start3A_96 = tpu.memref_slice %arg2[%dma_start3A_94, %dma_start3A_95] : memref<10000x128xf32, #tpu.memory_space<hbm>> -> memref<10000x128xf32, #tpu.memory_space<hbm>>
      tpu.enqueue_indirect_dma source(%dma_start3A_96 : memref<10000x128xf32, #tpu.memory_space<hbm>>) target(%arg17 : memref<80x128xf32, #tpu.memory_space<vmem>>) offsets(%arg9 : memref<80xi32, #tpu.memory_space<vmem>>) semaphore(%arg30 : memref<!tpu.dma_semaphore, #tpu.memory_space<semaphore_mem>>)
      %dma_wait3A_97 = tpu.memref_slice %arg3[%multiple_of3A_77] : memref<320000xi32, #tpu.memory_space<hbm>> -> memref<80xi32, #tpu.memory_space<hbm>>
      %dma_wait3A_98 = tpu.memref_slice %arg3[%multiple_of3A_77] : memref<320000xi32, #tpu.memory_space<hbm>> -> memref<80xi32, #tpu.memory_space<hbm>>
      tpu.wait_dma2 semaphore(%arg23 : memref<!tpu.dma_semaphore, #tpu.memory_space<semaphore_mem>>) src(%dma_wait3A_98 : memref<80xi32, #tpu.memory_space<hbm>>) dst(%arg10 : memref<80xi32, #tpu.memory_space<vmem>>)
      %dma_start3A_99 = arith.constant 0 : i32
      %dma_start3A_100 = arith.constant 0 : i32
      %dma_start3A_101 = tpu.memref_slice %arg2[%dma_start3A_99, %dma_start3A_100] : memref<10000x128xf32, #tpu.memory_space<hbm>> -> memref<10000x128xf32, #tpu.memory_space<hbm>>
      tpu.enqueue_indirect_dma source(%dma_start3A_101 : memref<10000x128xf32, #tpu.memory_space<hbm>>) target(%arg18 : memref<80x128xf32, #tpu.memory_space<vmem>>) offsets(%arg10 : memref<80xi32, #tpu.memory_space<vmem>>) semaphore(%arg31 : memref<!tpu.dma_semaphore, #tpu.memory_space<semaphore_mem>>)
      %dma_wait3A_102 = arith.constant 0 : i32
      %dma_wait3A_103 = arith.constant 0 : i32
      %dma_wait3A_104 = tpu.memref_slice %arg2[%dma_wait3A_102, %dma_wait3A_103] : memref<10000x128xf32, #tpu.memory_space<hbm>> -> memref<10000x128xf32, #tpu.memory_space<hbm>>
      tpu.wait_indirect_dma semaphore(%arg28 : memref<!tpu.dma_semaphore, #tpu.memory_space<semaphore_mem>>) src(%dma_wait3A_104 : memref<10000x128xf32, #tpu.memory_space<hbm>>) dst(%arg15 : memref<80x128xf32, #tpu.memory_space<vmem>>)
      %dma_wait3A_105 = tpu.memref_slice %arg4[%multiple_of3A_41] : memref<320000xi32, #tpu.memory_space<hbm>> -> memref<80xi32, #tpu.memory_space<hbm>>
      %dma_wait3A_106 = tpu.memref_slice %arg4[%multiple_of3A_41] : memref<320000xi32, #tpu.memory_space<hbm>> -> memref<80xi32, #tpu.memory_space<hbm>>
      tpu.wait_dma2 semaphore(%arg24 : memref<!tpu.dma_semaphore, #tpu.memory_space<semaphore_mem>>) src(%dma_wait3A_106 : memref<80xi32, #tpu.memory_space<hbm>>) dst(%arg11 : memref<80xi32, #tpu.memory_space<vmem>>)
      %dma_start3A_107 = arith.constant 0 : i32
      %dma_start3A_108 = arith.constant 0 : i32
      %dma_start3A_109 = tpu.memref_slice %arg19[%dma_start3A_107, %dma_start3A_108] : memref<10240x128xf32, #tpu.memory_space<vmem_shared>> -> memref<10240x128xf32, #tpu.memory_space<vmem_shared>>
      tpu.enqueue_indirect_dma source(%arg15 : memref<80x128xf32, #tpu.memory_space<vmem>>) target(%dma_start3A_109 : memref<10240x128xf32, #tpu.memory_space<vmem_shared>>) offsets(%arg11 : memref<80xi32, #tpu.memory_space<vmem>>) semaphore(%arg32 : memref<!tpu.dma_semaphore, #tpu.memory_space<semaphore_mem>>) {add = true}
      %dma_wait3A_110 = arith.constant 0 : i32
      %dma_wait3A_111 = arith.constant 0 : i32
      %dma_wait3A_112 = tpu.memref_slice %arg2[%dma_wait3A_110, %dma_wait3A_111] : memref<10000x128xf32, #tpu.memory_space<hbm>> -> memref<10000x128xf32, #tpu.memory_space<hbm>>
      tpu.wait_indirect_dma semaphore(%arg29 : memref<!tpu.dma_semaphore, #tpu.memory_space<semaphore_mem>>) src(%dma_wait3A_112 : memref<10000x128xf32, #tpu.memory_space<hbm>>) dst(%arg16 : memref<80x128xf32, #tpu.memory_space<vmem>>)
      %dma_wait3A_113 = tpu.memref_slice %arg4[%multiple_of3A_53] : memref<320000xi32, #tpu.memory_space<hbm>> -> memref<80xi32, #tpu.memory_space<hbm>>
      %dma_wait3A_114 = tpu.memref_slice %arg4[%multiple_of3A_53] : memref<320000xi32, #tpu.memory_space<hbm>> -> memref<80xi32, #tpu.memory_space<hbm>>
      tpu.wait_dma2 semaphore(%arg25 : memref<!tpu.dma_semaphore, #tpu.memory_space<semaphore_mem>>) src(%dma_wait3A_114 : memref<80xi32, #tpu.memory_space<hbm>>) dst(%arg12 : memref<80xi32, #tpu.memory_space<vmem>>)
      %dma_start3A_115 = arith.constant 0 : i32
      %dma_start3A_116 = arith.constant 0 : i32
      %dma_start3A_117 = tpu.memref_slice %arg19[%dma_start3A_115, %dma_start3A_116] : memref<10240x128xf32, #tpu.memory_space<vmem_shared>> -> memref<10240x128xf32, #tpu.memory_space<vmem_shared>>
      tpu.enqueue_indirect_dma source(%arg16 : memref<80x128xf32, #tpu.memory_space<vmem>>) target(%dma_start3A_117 : memref<10240x128xf32, #tpu.memory_space<vmem_shared>>) offsets(%arg12 : memref<80xi32, #tpu.memory_space<vmem>>) semaphore(%arg33 : memref<!tpu.dma_semaphore, #tpu.memory_space<semaphore_mem>>) {add = true}
      %dma_wait3A_118 = arith.constant 0 : i32
      %dma_wait3A_119 = arith.constant 0 : i32
      %dma_wait3A_120 = tpu.memref_slice %arg2[%dma_wait3A_118, %dma_wait3A_119] : memref<10000x128xf32, #tpu.memory_space<hbm>> -> memref<10000x128xf32, #tpu.memory_space<hbm>>
      tpu.wait_indirect_dma semaphore(%arg30 : memref<!tpu.dma_semaphore, #tpu.memory_space<semaphore_mem>>) src(%dma_wait3A_120 : memref<10000x128xf32, #tpu.memory_space<hbm>>) dst(%arg17 : memref<80x128xf32, #tpu.memory_space<vmem>>)
      %dma_wait3A_121 = tpu.memref_slice %arg4[%multiple_of3A_65] : memref<320000xi32, #tpu.memory_space<hbm>> -> memref<80xi32, #tpu.memory_space<hbm>>
      %dma_wait3A_122 = tpu.memref_slice %arg4[%multiple_of3A_65] : memref<320000xi32, #tpu.memory_space<hbm>> -> memref<80xi32, #tpu.memory_space<hbm>>
      tpu.wait_dma2 semaphore(%arg26 : memref<!tpu.dma_semaphore, #tpu.memory_space<semaphore_mem>>) src(%dma_wait3A_122 : memref<80xi32, #tpu.memory_space<hbm>>) dst(%arg13 : memref<80xi32, #tpu.memory_space<vmem>>)
      %dma_start3A_123 = arith.constant 0 : i32
      %dma_start3A_124 = arith.constant 0 : i32
      %dma_start3A_125 = tpu.memref_slice %arg19[%dma_start3A_123, %dma_start3A_124] : memref<10240x128xf32, #tpu.memory_space<vmem_shared>> -> memref<10240x128xf32, #tpu.memory_space<vmem_shared>>
      tpu.enqueue_indirect_dma source(%arg17 : memref<80x128xf32, #tpu.memory_space<vmem>>) target(%dma_start3A_125 : memref<10240x128xf32, #tpu.memory_space<vmem_shared>>) offsets(%arg13 : memref<80xi32, #tpu.memory_space<vmem>>) semaphore(%arg34 : memref<!tpu.dma_semaphore, #tpu.memory_space<semaphore_mem>>) {add = true}
      %dma_wait3A_126 = arith.constant 0 : i32
      %dma_wait3A_127 = arith.constant 0 : i32
      %dma_wait3A_128 = tpu.memref_slice %arg2[%dma_wait3A_126, %dma_wait3A_127] : memref<10000x128xf32, #tpu.memory_space<hbm>> -> memref<10000x128xf32, #tpu.memory_space<hbm>>
      tpu.wait_indirect_dma semaphore(%arg31 : memref<!tpu.dma_semaphore, #tpu.memory_space<semaphore_mem>>) src(%dma_wait3A_128 : memref<10000x128xf32, #tpu.memory_space<hbm>>) dst(%arg18 : memref<80x128xf32, #tpu.memory_space<vmem>>)
      %dma_wait3A_129 = tpu.memref_slice %arg4[%multiple_of3A_77] : memref<320000xi32, #tpu.memory_space<hbm>> -> memref<80xi32, #tpu.memory_space<hbm>>
      %dma_wait3A_130 = tpu.memref_slice %arg4[%multiple_of3A_77] : memref<320000xi32, #tpu.memory_space<hbm>> -> memref<80xi32, #tpu.memory_space<hbm>>
      tpu.wait_dma2 semaphore(%arg27 : memref<!tpu.dma_semaphore, #tpu.memory_space<semaphore_mem>>) src(%dma_wait3A_130 : memref<80xi32, #tpu.memory_space<hbm>>) dst(%arg14 : memref<80xi32, #tpu.memory_space<vmem>>)
      %dma_start3A_131 = arith.constant 0 : i32
      %dma_start3A_132 = arith.constant 0 : i32
      %dma_start3A_133 = tpu.memref_slice %arg19[%dma_start3A_131, %dma_start3A_132] : memref<10240x128xf32, #tpu.memory_space<vmem_shared>> -> memref<10240x128xf32, #tpu.memory_space<vmem_shared>>
      tpu.enqueue_indirect_dma source(%arg18 : memref<80x128xf32, #tpu.memory_space<vmem>>) target(%dma_start3A_133 : memref<10240x128xf32, #tpu.memory_space<vmem_shared>>) offsets(%arg14 : memref<80xi32, #tpu.memory_space<vmem>>) semaphore(%arg35 : memref<!tpu.dma_semaphore, #tpu.memory_space<semaphore_mem>>) {add = true}
    }
    %scan3A_9 = arith.constant 31 : i32
    %dma_wait3A = arith.constant 0 : i32
    %dma_wait3A_10 = arith.constant 0 : i32
    %dma_wait3A_11 = tpu.memref_slice %arg19[%dma_wait3A, %dma_wait3A_10] : memref<10240x128xf32, #tpu.memory_space<vmem_shared>> -> memref<10240x128xf32, #tpu.memory_space<vmem_shared>>
    tpu.wait_indirect_dma semaphore(%arg32 : memref<!tpu.dma_semaphore, #tpu.memory_space<semaphore_mem>>) src(%arg15 : memref<80x128xf32, #tpu.memory_space<vmem>>) dst(%dma_wait3A_11 : memref<10240x128xf32, #tpu.memory_space<vmem_shared>>)
    %dma_wait3A_12 = arith.constant 0 : i32
    %dma_wait3A_13 = arith.constant 0 : i32
    %dma_wait3A_14 = tpu.memref_slice %arg19[%dma_wait3A_12, %dma_wait3A_13] : memref<10240x128xf32, #tpu.memory_space<vmem_shared>> -> memref<10240x128xf32, #tpu.memory_space<vmem_shared>>
    tpu.wait_indirect_dma semaphore(%arg33 : memref<!tpu.dma_semaphore, #tpu.memory_space<semaphore_mem>>) src(%arg16 : memref<80x128xf32, #tpu.memory_space<vmem>>) dst(%dma_wait3A_14 : memref<10240x128xf32, #tpu.memory_space<vmem_shared>>)
    %dma_wait3A_15 = arith.constant 0 : i32
    %dma_wait3A_16 = arith.constant 0 : i32
    %dma_wait3A_17 = tpu.memref_slice %arg19[%dma_wait3A_15, %dma_wait3A_16] : memref<10240x128xf32, #tpu.memory_space<vmem_shared>> -> memref<10240x128xf32, #tpu.memory_space<vmem_shared>>
    tpu.wait_indirect_dma semaphore(%arg34 : memref<!tpu.dma_semaphore, #tpu.memory_space<semaphore_mem>>) src(%arg17 : memref<80x128xf32, #tpu.memory_space<vmem>>) dst(%dma_wait3A_17 : memref<10240x128xf32, #tpu.memory_space<vmem_shared>>)
    %dma_wait3A_18 = arith.constant 0 : i32
    %dma_wait3A_19 = arith.constant 0 : i32
    %dma_wait3A_20 = tpu.memref_slice %arg19[%dma_wait3A_18, %dma_wait3A_19] : memref<10240x128xf32, #tpu.memory_space<vmem_shared>> -> memref<10240x128xf32, #tpu.memory_space<vmem_shared>>
    tpu.wait_indirect_dma semaphore(%arg35 : memref<!tpu.dma_semaphore, #tpu.memory_space<semaphore_mem>>) src(%arg18 : memref<80x128xf32, #tpu.memory_space<vmem>>) dst(%dma_wait3A_20 : memref<10240x128xf32, #tpu.memory_space<vmem_shared>>)
    %add3A_21 = arith.constant 9920 : i32
    %add3A_22 = arith.addi %mul3A_2, %add3A_21 : i32
    %multiple_of3A = tpu.assume_multiple %add3A_22, 8 : i32
    "tpu.region"() ({
      %run_scoped3A = tpu.sem_alloc : memref<!tpu.dma_semaphore, #tpu.memory_space<semaphore_mem>>
      %dma_start3A_33 = tpu.memref_slice %arg3[%multiple_of3A] : memref<320000xi32, #tpu.memory_space<hbm>> -> memref<80xi32, #tpu.memory_space<hbm>>
      %dma_start3A_34 = tpu.memref_slice %arg3[%multiple_of3A] : memref<320000xi32, #tpu.memory_space<hbm>> -> memref<80xi32, #tpu.memory_space<hbm>>
      tpu.enqueue_dma source(%dma_start3A_34 : memref<80xi32, #tpu.memory_space<hbm>>) target(%arg7 : memref<80xi32, #tpu.memory_space<vmem>>) target_semaphore(%run_scoped3A : memref<!tpu.dma_semaphore, #tpu.memory_space<semaphore_mem>>)
      %dma_wait3A_35 = tpu.memref_slice %arg3[%multiple_of3A] : memref<320000xi32, #tpu.memory_space<hbm>> -> memref<80xi32, #tpu.memory_space<hbm>>
      %dma_wait3A_36 = tpu.memref_slice %arg3[%multiple_of3A] : memref<320000xi32, #tpu.memory_space<hbm>> -> memref<80xi32, #tpu.memory_space<hbm>>
      tpu.wait_dma2 semaphore(%run_scoped3A : memref<!tpu.dma_semaphore, #tpu.memory_space<semaphore_mem>>) src(%dma_wait3A_36 : memref<80xi32, #tpu.memory_space<hbm>>) dst(%arg7 : memref<80xi32, #tpu.memory_space<vmem>>)
      tpu.yield
    }) : () -> ()
    "tpu.region"() ({
      %run_scoped3A = tpu.sem_alloc : memref<!tpu.dma_semaphore, #tpu.memory_space<semaphore_mem>>
      %dma_start3A_33 = tpu.memref_slice %arg4[%multiple_of3A] : memref<320000xi32, #tpu.memory_space<hbm>> -> memref<80xi32, #tpu.memory_space<hbm>>
      %dma_start3A_34 = tpu.memref_slice %arg4[%multiple_of3A] : memref<320000xi32, #tpu.memory_space<hbm>> -> memref<80xi32, #tpu.memory_space<hbm>>
      tpu.enqueue_dma source(%dma_start3A_34 : memref<80xi32, #tpu.memory_space<hbm>>) target(%arg11 : memref<80xi32, #tpu.memory_space<vmem>>) target_semaphore(%run_scoped3A : memref<!tpu.dma_semaphore, #tpu.memory_space<semaphore_mem>>)
      %dma_wait3A_35 = tpu.memref_slice %arg4[%multiple_of3A] : memref<320000xi32, #tpu.memory_space<hbm>> -> memref<80xi32, #tpu.memory_space<hbm>>
      %dma_wait3A_36 = tpu.memref_slice %arg4[%multiple_of3A] : memref<320000xi32, #tpu.memory_space<hbm>> -> memref<80xi32, #tpu.memory_space<hbm>>
      tpu.wait_dma2 semaphore(%run_scoped3A : memref<!tpu.dma_semaphore, #tpu.memory_space<semaphore_mem>>) src(%dma_wait3A_36 : memref<80xi32, #tpu.memory_space<hbm>>) dst(%arg11 : memref<80xi32, #tpu.memory_space<vmem>>)
      tpu.yield
    }) : () -> ()
    %dma_start3A = arith.constant 0 : i32
    %dma_start3A_23 = arith.constant 0 : i32
    %dma_start3A_24 = tpu.memref_slice %arg2[%dma_start3A, %dma_start3A_23] : memref<10000x128xf32, #tpu.memory_space<hbm>> -> memref<10000x128xf32, #tpu.memory_space<hbm>>
    tpu.enqueue_indirect_dma source(%dma_start3A_24 : memref<10000x128xf32, #tpu.memory_space<hbm>>) target(%arg15 : memref<80x128xf32, #tpu.memory_space<vmem>>) offsets(%arg7 : memref<80xi32, #tpu.memory_space<vmem>>) semaphore(%arg28 : memref<!tpu.dma_semaphore, #tpu.memory_space<semaphore_mem>>)
    %dma_wait3A_25 = arith.constant 0 : i32
    %dma_wait3A_26 = arith.constant 0 : i32
    %dma_wait3A_27 = tpu.memref_slice %arg2[%dma_wait3A_25, %dma_wait3A_26] : memref<10000x128xf32, #tpu.memory_space<hbm>> -> memref<10000x128xf32, #tpu.memory_space<hbm>>
    tpu.wait_indirect_dma semaphore(%arg28 : memref<!tpu.dma_semaphore, #tpu.memory_space<semaphore_mem>>) src(%dma_wait3A_27 : memref<10000x128xf32, #tpu.memory_space<hbm>>) dst(%arg15 : memref<80x128xf32, #tpu.memory_space<vmem>>)
    "tpu.region"() ({
      %run_scoped3A = tpu.sem_alloc : memref<!tpu.dma_semaphore, #tpu.memory_space<semaphore_mem>>
      %dma_start3A_33 = arith.constant 0 : i32
      %dma_start3A_34 = arith.constant 0 : i32
      %dma_start3A_35 = tpu.memref_slice %arg19[%dma_start3A_33, %dma_start3A_34] : memref<10240x128xf32, #tpu.memory_space<vmem_shared>> -> memref<10240x128xf32, #tpu.memory_space<vmem_shared>>
      tpu.enqueue_indirect_dma source(%arg15 : memref<80x128xf32, #tpu.memory_space<vmem>>) target(%dma_start3A_35 : memref<10240x128xf32, #tpu.memory_space<vmem_shared>>) offsets(%arg11 : memref<80xi32, #tpu.memory_space<vmem>>) semaphore(%run_scoped3A : memref<!tpu.dma_semaphore, #tpu.memory_space<semaphore_mem>>) {add = true}
      %dma_wait3A_36 = arith.constant 0 : i32
      %dma_wait3A_37 = arith.constant 0 : i32
      %dma_wait3A_38 = tpu.memref_slice %arg19[%dma_wait3A_36, %dma_wait3A_37] : memref<10240x128xf32, #tpu.memory_space<vmem_shared>> -> memref<10240x128xf32, #tpu.memory_space<vmem_shared>>
      tpu.wait_indirect_dma semaphore(%run_scoped3A : memref<!tpu.dma_semaphore, #tpu.memory_space<semaphore_mem>>) src(%arg15 : memref<80x128xf32, #tpu.memory_space<vmem>>) dst(%dma_wait3A_38 : memref<10240x128xf32, #tpu.memory_space<vmem_shared>>)
      tpu.yield
    }) : () -> ()
    %barrier3A_28 = arith.constant 0 : index
    tpu.barrier barrier_id(%barrier3A_28)
    %mul3A_29 = arith.constant 640 : i32
    %mul3A_30 = arith.muli %arg1, %mul3A_29 : i32
    %mul3A_31 = arith.constant 640 : i32
    %mul3A_32 = arith.muli %arg1, %mul3A_31 : i32
    "tpu.region"() ({
      %run_scoped3A = tpu.sem_alloc : memref<!tpu.dma_semaphore, #tpu.memory_space<semaphore_mem>>
      %dma_start3A_33 = arith.constant 0 : i32
      %dma_start3A_34 = tpu.memref_slice %arg6[%arg0, %mul3A_32, %dma_start3A_33] : memref<2x10240x128xf32, #tpu.memory_space<hbm>> -> memref<1x640x128xf32, #tpu.memory_space<hbm>>
      %dma_start3A_35 = tpu.memref_squeeze %dma_start3A_34 : memref<1x640x128xf32, #tpu.memory_space<hbm>> -> memref<640x128xf32, #tpu.memory_space<hbm>>
      %dma_start3A_36 = arith.constant 0 : i32
      %dma_start3A_37 = tpu.memref_slice %arg19[%mul3A_30, %dma_start3A_36] : memref<10240x128xf32, #tpu.memory_space<vmem_shared>> -> memref<640x128xf32, #tpu.memory_space<vmem_shared>>
      tpu.enqueue_dma source(%dma_start3A_37 : memref<640x128xf32, #tpu.memory_space<vmem_shared>>) target(%dma_start3A_35 : memref<640x128xf32, #tpu.memory_space<hbm>>) target_semaphore(%run_scoped3A : memref<!tpu.dma_semaphore, #tpu.memory_space<semaphore_mem>>)
      %dma_wait3A_38 = arith.constant 0 : i32
      %dma_wait3A_39 = tpu.memref_slice %arg6[%arg0, %mul3A_32, %dma_wait3A_38] : memref<2x10240x128xf32, #tpu.memory_space<hbm>> -> memref<1x640x128xf32, #tpu.memory_space<hbm>>
      %dma_wait3A_40 = tpu.memref_squeeze %dma_wait3A_39 : memref<1x640x128xf32, #tpu.memory_space<hbm>> -> memref<640x128xf32, #tpu.memory_space<hbm>>
      %dma_wait3A_41 = arith.constant 0 : i32
      %dma_wait3A_42 = tpu.memref_slice %arg19[%mul3A_30, %dma_wait3A_41] : memref<10240x128xf32, #tpu.memory_space<vmem_shared>> -> memref<640x128xf32, #tpu.memory_space<vmem_shared>>
      tpu.wait_dma2 semaphore(%run_scoped3A : memref<!tpu.dma_semaphore, #tpu.memory_space<semaphore_mem>>) src(%dma_wait3A_42 : memref<640x128xf32, #tpu.memory_space<vmem_shared>>) dst(%dma_wait3A_40 : memref<640x128xf32, #tpu.memory_space<hbm>>)
      tpu.yield
    }) : () -> ()
    return
  }
}

module attributes {stable_mosaic.version = 14 : i64} {
  func.func @body(%arg0: i32, %arg1: memref<2x1000x128xf32, #tpu.memory_space<vmem>>, %arg2: memref<1000x128xf32, #tpu.memory_space<vmem>>, %arg3: memref<128x256xf32, #tpu.memory_space<vmem>>, %arg4: memref<1x256xf32, #tpu.memory_space<vmem>>, %arg5: memref<128x256xf32, #tpu.memory_space<vmem>>, %arg6: memref<256x128xf32, #tpu.memory_space<vmem>>, %arg7: memref<1000x256xf32, #tpu.memory_space<vmem>>, %arg8: memref<1000x128xf32, #tpu.memory_space<vmem>>) attributes {dimension_semantics = [#tpu.dimension_semantics<arbitrary>], iteration_bounds = array<i64: 10>, scalar_prefetch = 0 : i64, scratch_operands = 0 : i64, tpu.core_type = #tpu.core_type<tc>, window_params = [{transform_indices = @transform_0, window_bounds = array<i64: 2, 1000, 128>}, {transform_indices = @transform_1, window_bounds = array<i64: 1000, 128>}, {pipeline_mode = #tpu.pipeline_mode<synchronous>, transform_indices = @transform_2, window_bounds = array<i64: 128, 256>}, {pipeline_mode = #tpu.pipeline_mode<synchronous>, transform_indices = @transform_3, window_bounds = array<i64: 1, 256>}, {pipeline_mode = #tpu.pipeline_mode<synchronous>, transform_indices = @transform_4, window_bounds = array<i64: 128, 256>}, {pipeline_mode = #tpu.pipeline_mode<synchronous>, transform_indices = @transform_5, window_bounds = array<i64: 256, 128>}, {transform_indices = @transform_6, window_bounds = array<i64: 1000, 256>}, {transform_indices = @transform_7, window_bounds = array<i64: 1000, 128>}]} {
    %get3A = arith.constant 0 : index
    %get3A_0 = arith.constant 0 : index
    %get3A_1 = arith.constant 0 : index
    %get3A_2 = vector.load %arg1[%get3A, %get3A_0, %get3A_1] : memref<2x1000x128xf32, #tpu.memory_space<vmem>>, vector<1x1000x128xf32>
    %get3A_3 = vector.shape_cast %get3A_2 : vector<1x1000x128xf32> to vector<1000x128xf32>
    %get3A_4 = arith.constant 1 : index
    %get3A_5 = arith.constant 0 : index
    %get3A_6 = arith.constant 0 : index
    %get3A_7 = vector.load %arg1[%get3A_4, %get3A_5, %get3A_6] : memref<2x1000x128xf32, #tpu.memory_space<vmem>>, vector<1x1000x128xf32>
    %get3A_8 = vector.shape_cast %get3A_7 : vector<1x1000x128xf32> to vector<1000x128xf32>
    %add3A = arith.addf %get3A_3, %get3A_8 : vector<1000x128xf32>
    %get3A_9 = arith.constant 0 : index
    %get3A_10 = arith.constant 0 : index
    %get3A_11 = vector.load %arg3[%get3A_9, %get3A_10] : memref<128x256xf32, #tpu.memory_space<vmem>>, vector<128x256xf32>
    %dot_general3A = arith.constant dense<0.000000e+00> : vector<1000x256xf32>
    %dot_general3A_12 = tpu.matmul %add3A, %get3A_11, %dot_general3A {dimension_numbers = #tpu.dot_dimension_numbers<[1], [0], [0], [1], [0, 0, 1, 1], [], []>, precision = #tpu.contract_precision<fp32>, transpose_lhs_hint = false} : vector<1000x128xf32>, vector<128x256xf32>, vector<1000x256xf32> -> vector<1000x256xf32>
    %get3A_13 = arith.constant 0 : index
    %get3A_14 = arith.constant 0 : index
    %get3A_15 = vector.load %arg4[%get3A_13, %get3A_14] : memref<1x256xf32, #tpu.memory_space<vmem>>, vector<1x256xf32>
    %add3A_16 = vector.broadcast %get3A_15 : vector<1x256xf32> to vector<1000x256xf32>
    %add3A_17 = arith.addf %dot_general3A_12, %add3A_16 : vector<1000x256xf32>
    %get3A_18 = arith.constant 0 : index
    %get3A_19 = arith.constant 0 : index
    %get3A_20 = vector.load %arg2[%get3A_18, %get3A_19] : memref<1000x128xf32, #tpu.memory_space<vmem>>, vector<1000x128xf32>
    %get3A_21 = arith.constant 0 : index
    %get3A_22 = arith.constant 0 : index
    %get3A_23 = vector.load %arg5[%get3A_21, %get3A_22] : memref<128x256xf32, #tpu.memory_space<vmem>>, vector<128x256xf32>
    %dot_general3A_24 = arith.constant dense<0.000000e+00> : vector<1000x256xf32>
    %dot_general3A_25 = tpu.matmul %get3A_20, %get3A_23, %dot_general3A_24 {dimension_numbers = #tpu.dot_dimension_numbers<[1], [0], [0], [1], [0, 0, 1, 1], [], []>, precision = #tpu.contract_precision<fp32>, transpose_lhs_hint = false} : vector<1000x128xf32>, vector<128x256xf32>, vector<1000x256xf32> -> vector<1000x256xf32>
    %add3A_26 = arith.addf %add3A_17, %dot_general3A_25 : vector<1000x256xf32>
    %max3A = arith.constant 0.000000e+00 : f32
    %max3A_27 = vector.broadcast %max3A : f32 to vector<1000x256xf32>
    %max3A_28 = arith.maximumf %add3A_26, %max3A_27 : vector<1000x256xf32>
    %swap3A = arith.constant 0 : index
    %swap3A_29 = arith.constant 0 : index
    %swap3A_30 = vector.load %arg7[%swap3A, %swap3A_29] : memref<1000x256xf32, #tpu.memory_space<vmem>>, vector<1000x256xf32>
    tpu.vector_store %arg7[%swap3A, %swap3A_29], %max3A_28 {strides = array<i32>} : memref<1000x256xf32, #tpu.memory_space<vmem>>, vector<1000x256xf32>,
    %get3A_31 = arith.constant 0 : index
    %get3A_32 = arith.constant 0 : index
    %get3A_33 = vector.load %arg6[%get3A_31, %get3A_32] : memref<256x128xf32, #tpu.memory_space<vmem>>, vector<256x128xf32>
    %dot_general3A_34 = arith.constant dense<0.000000e+00> : vector<1000x128xf32>
    %dot_general3A_35 = tpu.matmul %max3A_28, %get3A_33, %dot_general3A_34 {dimension_numbers = #tpu.dot_dimension_numbers<[1], [0], [0], [1], [0, 0, 1, 1], [], []>, precision = #tpu.contract_precision<fp32>, transpose_lhs_hint = false} : vector<1000x256xf32>, vector<256x128xf32>, vector<1000x128xf32> -> vector<1000x128xf32>
    %swap3A_36 = arith.constant 0 : index
    %swap3A_37 = arith.constant 0 : index
    %swap3A_38 = vector.load %arg8[%swap3A_36, %swap3A_37] : memref<1000x128xf32, #tpu.memory_space<vmem>>, vector<1000x128xf32>
    tpu.vector_store %arg8[%swap3A_36, %swap3A_37], %dot_general3A_35 {strides = array<i32>} : memref<1000x128xf32, #tpu.memory_space<vmem>>, vector<1000x128xf32>,
    return
  }
  func.func @transform_0(%arg0: i32) -> (i32, i32, i32) {
    %c0_i32 = arith.constant 0 : i32
    %c0_i32_0 = arith.constant 0 : i32
    %c0_i32_1 = arith.constant 0 : i32
    return %c0_i32, %arg0, %c0_i32_0 : i32, i32, i32
  }
  func.func @transform_1(%arg0: i32) -> (i32, i32) {
    %c0_i32 = arith.constant 0 : i32
    %c0_i32_0 = arith.constant 0 : i32
    return %arg0, %c0_i32 : i32, i32
  }
  func.func @transform_2(%arg0: i32) -> (i32, i32) {
    %c0_i32 = arith.constant 0 : i32
    %c0_i32_0 = arith.constant 0 : i32
    %c0_i32_1 = arith.constant 0 : i32
    return %c0_i32, %c0_i32_0 : i32, i32
  }
  func.func @transform_3(%arg0: i32) -> (i32, i32) {
    %c0_i32 = arith.constant 0 : i32
    %c0_i32_0 = arith.constant 0 : i32
    %c0_i32_1 = arith.constant 0 : i32
    return %c0_i32, %c0_i32_0 : i32, i32
  }
  func.func @transform_4(%arg0: i32) -> (i32, i32) {
    %c0_i32 = arith.constant 0 : i32
    %c0_i32_0 = arith.constant 0 : i32
    %c0_i32_1 = arith.constant 0 : i32
    return %c0_i32, %c0_i32_0 : i32, i32
  }
  func.func @transform_5(%arg0: i32) -> (i32, i32) {
    %c0_i32 = arith.constant 0 : i32
    %c0_i32_0 = arith.constant 0 : i32
    %c0_i32_1 = arith.constant 0 : i32
    return %c0_i32, %c0_i32_0 : i32, i32
  }
  func.func @transform_6(%arg0: i32) -> (i32, i32) {
    %c0_i32 = arith.constant 0 : i32
    %c0_i32_0 = arith.constant 0 : i32
    return %arg0, %c0_i32 : i32, i32
  }
  func.func @transform_7(%arg0: i32) -> (i32, i32) {
    %c0_i32 = arith.constant 0 : i32
    %c0_i32_0 = arith.constant 0 : i32
    return %arg0, %c0_i32 : i32, i32
  }
}

module attributes {stable_mosaic.version = 14 : i64} {
  func.func @body(%arg0: i32, %arg1: memref<2x1000x128xf32, #tpu.memory_space<vmem>>, %arg2: memref<1000x256xf32, #tpu.memory_space<vmem>>, %arg3: memref<256x128xf32, #tpu.memory_space<vmem>>, %arg4: memref<1x128xf32, #tpu.memory_space<vmem>>, %arg5: memref<1000x128xf32, #tpu.memory_space<vmem>>) attributes {dimension_semantics = [#tpu.dimension_semantics<arbitrary>], iteration_bounds = array<i64: 10>, scalar_prefetch = 0 : i64, scratch_operands = 0 : i64, tpu.core_type = #tpu.core_type<tc>, window_params = [{transform_indices = @transform_0, window_bounds = array<i64: 2, 1000, 128>}, {transform_indices = @transform_1, window_bounds = array<i64: 1000, 256>}, {pipeline_mode = #tpu.pipeline_mode<synchronous>, transform_indices = @transform_2, window_bounds = array<i64: 256, 128>}, {pipeline_mode = #tpu.pipeline_mode<synchronous>, transform_indices = @transform_3, window_bounds = array<i64: 1, 128>}, {transform_indices = @transform_4, window_bounds = array<i64: 1000, 128>}]} {
    %get3A = arith.constant 0 : index
    %get3A_0 = arith.constant 0 : index
    %get3A_1 = arith.constant 0 : index
    %get3A_2 = vector.load %arg1[%get3A, %get3A_0, %get3A_1] : memref<2x1000x128xf32, #tpu.memory_space<vmem>>, vector<1x1000x128xf32>
    %get3A_3 = vector.shape_cast %get3A_2 : vector<1x1000x128xf32> to vector<1000x128xf32>
    %get3A_4 = arith.constant 1 : index
    %get3A_5 = arith.constant 0 : index
    %get3A_6 = arith.constant 0 : index
    %get3A_7 = vector.load %arg1[%get3A_4, %get3A_5, %get3A_6] : memref<2x1000x128xf32, #tpu.memory_space<vmem>>, vector<1x1000x128xf32>
    %get3A_8 = vector.shape_cast %get3A_7 : vector<1x1000x128xf32> to vector<1000x128xf32>
    %add3A = arith.addf %get3A_3, %get3A_8 : vector<1000x128xf32>
    %get3A_9 = arith.constant 0 : index
    %get3A_10 = arith.constant 0 : index
    %get3A_11 = vector.load %arg4[%get3A_9, %get3A_10] : memref<1x128xf32, #tpu.memory_space<vmem>>, vector<1x128xf32>
    %add3A_12 = vector.broadcast %get3A_11 : vector<1x128xf32> to vector<1000x128xf32>
    %add3A_13 = arith.addf %add3A, %add3A_12 : vector<1000x128xf32>
    %get3A_14 = arith.constant 0 : index
    %get3A_15 = arith.constant 0 : index
    %get3A_16 = vector.load %arg2[%get3A_14, %get3A_15] : memref<1000x256xf32, #tpu.memory_space<vmem>>, vector<1000x256xf32>
    %get3A_17 = arith.constant 0 : index
    %get3A_18 = arith.constant 0 : index
    %get3A_19 = vector.load %arg3[%get3A_17, %get3A_18] : memref<256x128xf32, #tpu.memory_space<vmem>>, vector<256x128xf32>
    %dot_general3A = arith.constant dense<0.000000e+00> : vector<1000x128xf32>
    %dot_general3A_20 = tpu.matmul %get3A_16, %get3A_19, %dot_general3A {dimension_numbers = #tpu.dot_dimension_numbers<[1], [0], [0], [1], [0, 0, 1, 1], [], []>, precision = #tpu.contract_precision<fp32>, transpose_lhs_hint = false} : vector<1000x256xf32>, vector<256x128xf32>, vector<1000x128xf32> -> vector<1000x128xf32>
    %add3A_21 = arith.addf %add3A_13, %dot_general3A_20 : vector<1000x128xf32>
    %max3A = arith.constant 0.000000e+00 : f32
    %max3A_22 = vector.broadcast %max3A : f32 to vector<1000x128xf32>
    %max3A_23 = arith.maximumf %add3A_21, %max3A_22 : vector<1000x128xf32>
    %swap3A = arith.constant 0 : index
    %swap3A_24 = arith.constant 0 : index
    %swap3A_25 = vector.load %arg5[%swap3A, %swap3A_24] : memref<1000x128xf32, #tpu.memory_space<vmem>>, vector<1000x128xf32>
    tpu.vector_store %arg5[%swap3A, %swap3A_24], %max3A_23 {strides = array<i32>} : memref<1000x128xf32, #tpu.memory_space<vmem>>, vector<1000x128xf32>,
    return
  }
  func.func @transform_0(%arg0: i32) -> (i32, i32, i32) {
    %c0_i32 = arith.constant 0 : i32
    %c0_i32_0 = arith.constant 0 : i32
    %c0_i32_1 = arith.constant 0 : i32
    return %c0_i32, %arg0, %c0_i32_0 : i32, i32, i32
  }
  func.func @transform_1(%arg0: i32) -> (i32, i32) {
    %c0_i32 = arith.constant 0 : i32
    %c0_i32_0 = arith.constant 0 : i32
    return %arg0, %c0_i32 : i32, i32
  }
  func.func @transform_2(%arg0: i32) -> (i32, i32) {
    %c0_i32 = arith.constant 0 : i32
    %c0_i32_0 = arith.constant 0 : i32
    %c0_i32_1 = arith.constant 0 : i32
    return %c0_i32, %c0_i32_0 : i32, i32
  }
  func.func @transform_3(%arg0: i32) -> (i32, i32) {
    %c0_i32 = arith.constant 0 : i32
    %c0_i32_0 = arith.constant 0 : i32
    %c0_i32_1 = arith.constant 0 : i32
    return %c0_i32, %c0_i32_0 : i32, i32
  }
  func.func @transform_4(%arg0: i32) -> (i32, i32) {
    %c0_i32 = arith.constant 0 : i32
    %c0_i32_0 = arith.constant 0 : i32
    return %arg0, %c0_i32 : i32, i32
  }
}

module attributes {stable_mosaic.version = 14 : i64} {
  func.func @body(%arg0: i32, %arg1: memref<2x2504x128xf32, #tpu.memory_space<vmem>>, %arg2: memref<2504x128xf32, #tpu.memory_space<vmem>>, %arg3: memref<128x128xf32, #tpu.memory_space<vmem>>, %arg4: memref<128x128xf32, #tpu.memory_space<vmem>>, %arg5: memref<1x128xf32, #tpu.memory_space<vmem>>, %arg6: memref<2504x128xf32, #tpu.memory_space<vmem>>) attributes {dimension_semantics = [#tpu.dimension_semantics<arbitrary>], iteration_bounds = array<i64: 4>, scalar_prefetch = 0 : i64, scratch_operands = 0 : i64, tpu.core_type = #tpu.core_type<tc>, window_params = [{transform_indices = @transform_0, window_bounds = array<i64: 2, 2504, 128>}, {transform_indices = @transform_1, window_bounds = array<i64: 2504, 128>}, {pipeline_mode = #tpu.pipeline_mode<synchronous>, transform_indices = @transform_2, window_bounds = array<i64: 128, 128>}, {pipeline_mode = #tpu.pipeline_mode<synchronous>, transform_indices = @transform_3, window_bounds = array<i64: 128, 128>}, {pipeline_mode = #tpu.pipeline_mode<synchronous>, transform_indices = @transform_4, window_bounds = array<i64: 1, 128>}, {transform_indices = @transform_5, window_bounds = array<i64: 2504, 128>}]} {
    %mul3A = arith.constant 2504 : i32
    %mul3A_0 = arith.muli %arg0, %mul3A : i32
    %iota3A = tpu.iota {dimensions = array<i32: 0>} : vector<2504x1xi32>
    %add3A = vector.broadcast %mul3A_0 : i32 to vector<2504x1xi32>
    %add3A_1 = arith.addi %add3A, %iota3A : vector<2504x1xi32>
    %get3A = arith.constant 0 : index
    %get3A_2 = arith.constant 0 : index
    %get3A_3 = arith.constant 0 : index
    %get3A_4 = vector.load %arg1[%get3A, %get3A_2, %get3A_3] : memref<2x2504x128xf32, #tpu.memory_space<vmem>>, vector<1x2504x128xf32>
    %get3A_5 = vector.shape_cast %get3A_4 : vector<1x2504x128xf32> to vector<2504x128xf32>
    %get3A_6 = arith.constant 1 : index
    %get3A_7 = arith.constant 0 : index
    %get3A_8 = arith.constant 0 : index
    %get3A_9 = vector.load %arg1[%get3A_6, %get3A_7, %get3A_8] : memref<2x2504x128xf32, #tpu.memory_space<vmem>>, vector<1x2504x128xf32>
    %get3A_10 = vector.shape_cast %get3A_9 : vector<1x2504x128xf32> to vector<2504x128xf32>
    %add3A_11 = arith.addf %get3A_5, %get3A_10 : vector<2504x128xf32>
    %get3A_12 = arith.constant 0 : index
    %get3A_13 = arith.constant 0 : index
    %get3A_14 = vector.load %arg3[%get3A_12, %get3A_13] : memref<128x128xf32, #tpu.memory_space<vmem>>, vector<128x128xf32>
    %dot_general3A = arith.constant dense<0.000000e+00> : vector<2504x128xf32>
    %dot_general3A_15 = tpu.matmul %add3A_11, %get3A_14, %dot_general3A {dimension_numbers = #tpu.dot_dimension_numbers<[1], [0], [0], [1], [0, 0, 1, 1], [], []>, precision = #tpu.contract_precision<fp32>, transpose_lhs_hint = false} : vector<2504x128xf32>, vector<128x128xf32>, vector<2504x128xf32> -> vector<2504x128xf32>
    %get3A_16 = arith.constant 0 : index
    %get3A_17 = arith.constant 0 : index
    %get3A_18 = vector.load %arg5[%get3A_16, %get3A_17] : memref<1x128xf32, #tpu.memory_space<vmem>>, vector<1x128xf32>
    %add3A_19 = vector.broadcast %get3A_18 : vector<1x128xf32> to vector<2504x128xf32>
    %add3A_20 = arith.addf %dot_general3A_15, %add3A_19 : vector<2504x128xf32>
    %get3A_21 = arith.constant 0 : index
    %get3A_22 = arith.constant 0 : index
    %get3A_23 = vector.load %arg2[%get3A_21, %get3A_22] : memref<2504x128xf32, #tpu.memory_space<vmem>>, vector<2504x128xf32>
    %get3A_24 = arith.constant 0 : index
    %get3A_25 = arith.constant 0 : index
    %get3A_26 = vector.load %arg4[%get3A_24, %get3A_25] : memref<128x128xf32, #tpu.memory_space<vmem>>, vector<128x128xf32>
    %dot_general3A_27 = arith.constant dense<0.000000e+00> : vector<2504x128xf32>
    %dot_general3A_28 = tpu.matmul %get3A_23, %get3A_26, %dot_general3A_27 {dimension_numbers = #tpu.dot_dimension_numbers<[1], [0], [0], [1], [0, 0, 1, 1], [], []>, precision = #tpu.contract_precision<fp32>, transpose_lhs_hint = false} : vector<2504x128xf32>, vector<128x128xf32>, vector<2504x128xf32> -> vector<2504x128xf32>
    %add3A_29 = arith.addf %add3A_20, %dot_general3A_28 : vector<2504x128xf32>
    %tanh3A = math.tanh %add3A_29 : vector<2504x128xf32>
    %lt3A = arith.constant 10000 : i32
    %lt3A_30 = vector.broadcast %lt3A : i32 to vector<2504x1xi32>
    %lt3A_31 = arith.cmpi slt, %add3A_1, %lt3A_30 : vector<2504x1xi32>
    %jit3A = arith.constant 0.000000e+00 : f32
    %broadcast_in_dim3A = vector.shape_cast %lt3A_31 : vector<2504x1xi1> to vector<2504x1xi1>
    %broadcast_in_dim3A_32 = vector.broadcast %broadcast_in_dim3A : vector<2504x1xi1> to vector<2504x128xi1>
    %broadcast_in_dim3A_33 = vector.broadcast %jit3A : f32 to vector<2504x128xf32>
    %select_n3A = arith.select %broadcast_in_dim3A_32, %tanh3A, %broadcast_in_dim3A_33 : vector<2504x128xi1>, vector<2504x128xf32>
    %swap3A = arith.constant 0 : index
    %swap3A_34 = arith.constant 0 : index
    %swap3A_35 = vector.load %arg6[%swap3A, %swap3A_34] : memref<2504x128xf32, #tpu.memory_space<vmem>>, vector<2504x128xf32>
    tpu.vector_store %arg6[%swap3A, %swap3A_34], %select_n3A {strides = array<i32>} : memref<2504x128xf32, #tpu.memory_space<vmem>>, vector<2504x128xf32>,
    return
  }
  func.func @transform_0(%arg0: i32) -> (i32, i32, i32) {
    %c0_i32 = arith.constant 0 : i32
    %c0_i32_0 = arith.constant 0 : i32
    %c0_i32_1 = arith.constant 0 : i32
    return %c0_i32, %arg0, %c0_i32_0 : i32, i32, i32
  }
  func.func @transform_1(%arg0: i32) -> (i32, i32) {
    %c0_i32 = arith.constant 0 : i32
    %c0_i32_0 = arith.constant 0 : i32
    return %arg0, %c0_i32 : i32, i32
  }
  func.func @transform_2(%arg0: i32) -> (i32, i32) {
    %c0_i32 = arith.constant 0 : i32
    %c0_i32_0 = arith.constant 0 : i32
    %c0_i32_1 = arith.constant 0 : i32
    return %c0_i32, %c0_i32_0 : i32, i32
  }
  func.func @transform_3(%arg0: i32) -> (i32, i32) {
    %c0_i32 = arith.constant 0 : i32
    %c0_i32_0 = arith.constant 0 : i32
    %c0_i32_1 = arith.constant 0 : i32
    return %c0_i32, %c0_i32_0 : i32, i32
  }
  func.func @transform_4(%arg0: i32) -> (i32, i32) {
    %c0_i32 = arith.constant 0 : i32
    %c0_i32_0 = arith.constant 0 : i32
    %c0_i32_1 = arith.constant 0 : i32
    return %c0_i32, %c0_i32_0 : i32, i32
  }
  func.func @transform_5(%arg0: i32) -> (i32, i32) {
    %c0_i32 = arith.constant 0 : i32
    %c0_i32_0 = arith.constant 0 : i32
    return %arg0, %c0_i32 : i32, i32
  }
}

module attributes {stable_mosaic.version = 14 : i64} {
  func.func @body(%arg0: memref<4096x128xf32, #tpu.memory_space<vmem>>, %arg1: memref<4096x128xf32, #tpu.memory_space<vmem>>, %arg2: memref<4096x128xf32, #tpu.memory_space<vmem>>, %arg3: memref<4096x32xf32, #tpu.memory_space<vmem>>, %arg4: memref<4096x64xf32, #tpu.memory_space<vmem>>, %arg5: memref<128x128xf32, #tpu.memory_space<vmem>>, %arg6: memref<1x128xf32, #tpu.memory_space<vmem>>, %arg7: memref<128x64xf32, #tpu.memory_space<vmem>>, %arg8: memref<1x64xf32, #tpu.memory_space<vmem>>, %arg9: memref<64x32xf32, #tpu.memory_space<vmem>>, %arg10: memref<1x32xf32, #tpu.memory_space<vmem>>, %arg11: memref<64x32xf32, #tpu.memory_space<vmem>>, %arg12: memref<1x32xf32, #tpu.memory_space<vmem>>, %arg13: memref<32x256xf32, #tpu.memory_space<vmem>>, %arg14: memref<64x256xf32, #tpu.memory_space<vmem>>, %arg15: memref<1x256xf32, #tpu.memory_space<vmem>>, %arg16: memref<256x128xf32, #tpu.memory_space<vmem>>, %arg17: memref<1x128xf32, #tpu.memory_space<vmem>>, %arg18: memref<128x64xf32, #tpu.memory_space<vmem>>, %arg19: memref<1x64xf32, #tpu.memory_space<vmem>>, %arg20: memref<128x64xf32, #tpu.memory_space<vmem>>, %arg21: memref<1x64xf32, #tpu.memory_space<vmem>>, %arg22: memref<32x128xf32, #tpu.memory_space<vmem>>, %arg23: memref<64x128xf32, #tpu.memory_space<vmem>>, %arg24: memref<1x128xf32, #tpu.memory_space<vmem>>, %arg25: memref<128x256xf32, #tpu.memory_space<vmem>>, %arg26: memref<1x256xf32, #tpu.memory_space<vmem>>, %arg27: memref<256x128xf32, #tpu.memory_space<vmem>>, %arg28: memref<1x128xf32, #tpu.memory_space<vmem>>, %arg29: memref<128x64xf32, #tpu.memory_space<vmem>>, %arg30: memref<1x64xf32, #tpu.memory_space<vmem>>, %arg31: memref<1x1xf32, #tpu.memory_space<vmem>>, %arg32: memref<1x1xf32, #tpu.memory_space<vmem>>, %arg33: memref<1x1xf32, #tpu.memory_space<vmem>>) attributes {dimension_semantics = [], scalar_prefetch = 0 : i64, scratch_operands = 0 : i64, tpu.core_type = #tpu.core_type<tc>} {
    %get3A = arith.constant 0 : index
    %get3A_0 = arith.constant 0 : index
    %get3A_1 = vector.load %arg0[%get3A, %get3A_0] : memref<4096x128xf32, #tpu.memory_space<vmem>>, vector<4096x128xf32>
    %get3A_2 = arith.constant 0 : index
    %get3A_3 = arith.constant 0 : index
    %get3A_4 = vector.load %arg5[%get3A_2, %get3A_3] : memref<128x128xf32, #tpu.memory_space<vmem>>, vector<128x128xf32>
    %dot_general3A = arith.constant dense<0.000000e+00> : vector<4096x128xf32>
    %dot_general3A_5 = tpu.matmul %get3A_1, %get3A_4, %dot_general3A {dimension_numbers = #tpu.dot_dimension_numbers<[1], [0], [0], [1], [0, 0, 1, 1], [], []>, precision = #tpu.contract_precision<fp32>, transpose_lhs_hint = false} : vector<4096x128xf32>, vector<128x128xf32>, vector<4096x128xf32> -> vector<4096x128xf32>
    %get3A_6 = arith.constant 0 : index
    %get3A_7 = arith.constant 0 : index
    %get3A_8 = vector.load %arg6[%get3A_6, %get3A_7] : memref<1x128xf32, #tpu.memory_space<vmem>>, vector<1x128xf32>
    %add3A = vector.broadcast %get3A_8 : vector<1x128xf32> to vector<4096x128xf32>
    %add3A_9 = arith.addf %dot_general3A_5, %add3A : vector<4096x128xf32>
    %max3A = arith.constant 0.000000e+00 : f32
    %max3A_10 = vector.broadcast %max3A : f32 to vector<4096x128xf32>
    %max3A_11 = arith.maximumf %add3A_9, %max3A_10 : vector<4096x128xf32>
    %get3A_12 = arith.constant 0 : index
    %get3A_13 = arith.constant 0 : index
    %get3A_14 = vector.load %arg7[%get3A_12, %get3A_13] : memref<128x64xf32, #tpu.memory_space<vmem>>, vector<128x64xf32>
    %dot_general3A_15 = arith.constant dense<0.000000e+00> : vector<4096x64xf32>
    %dot_general3A_16 = tpu.matmul %max3A_11, %get3A_14, %dot_general3A_15 {dimension_numbers = #tpu.dot_dimension_numbers<[1], [0], [0], [1], [0, 0, 1, 1], [], []>, precision = #tpu.contract_precision<fp32>, transpose_lhs_hint = false} : vector<4096x128xf32>, vector<128x64xf32>, vector<4096x64xf32> -> vector<4096x64xf32>
    %get3A_17 = arith.constant 0 : index
    %get3A_18 = arith.constant 0 : index
    %get3A_19 = vector.load %arg8[%get3A_17, %get3A_18] : memref<1x64xf32, #tpu.memory_space<vmem>>, vector<1x64xf32>
    %add3A_20 = vector.broadcast %get3A_19 : vector<1x64xf32> to vector<4096x64xf32>
    %add3A_21 = arith.addf %dot_general3A_16, %add3A_20 : vector<4096x64xf32>
    %max3A_22 = arith.constant 0.000000e+00 : f32
    %max3A_23 = vector.broadcast %max3A_22 : f32 to vector<4096x64xf32>
    %max3A_24 = arith.maximumf %add3A_21, %max3A_23 : vector<4096x64xf32>
    %get3A_25 = arith.constant 0 : index
    %get3A_26 = arith.constant 0 : index
    %get3A_27 = vector.load %arg9[%get3A_25, %get3A_26] : memref<64x32xf32, #tpu.memory_space<vmem>>, vector<64x32xf32>
    %dot_general3A_28 = arith.constant dense<0.000000e+00> : vector<4096x32xf32>
    %dot_general3A_29 = tpu.matmul %max3A_24, %get3A_27, %dot_general3A_28 {dimension_numbers = #tpu.dot_dimension_numbers<[1], [0], [0], [1], [0, 0, 1, 1], [], []>, precision = #tpu.contract_precision<fp32>, transpose_lhs_hint = false} : vector<4096x64xf32>, vector<64x32xf32>, vector<4096x32xf32> -> vector<4096x32xf32>
    %get3A_30 = arith.constant 0 : index
    %get3A_31 = arith.constant 0 : index
    %get3A_32 = vector.load %arg10[%get3A_30, %get3A_31] : memref<1x32xf32, #tpu.memory_space<vmem>>, vector<1x32xf32>
    %add3A_33 = vector.broadcast %get3A_32 : vector<1x32xf32> to vector<4096x32xf32>
    %add3A_34 = arith.addf %dot_general3A_29, %add3A_33 : vector<4096x32xf32>
    %get3A_35 = arith.constant 0 : index
    %get3A_36 = arith.constant 0 : index
    %get3A_37 = vector.load %arg11[%get3A_35, %get3A_36] : memref<64x32xf32, #tpu.memory_space<vmem>>, vector<64x32xf32>
    %dot_general3A_38 = arith.constant dense<0.000000e+00> : vector<4096x32xf32>
    %dot_general3A_39 = tpu.matmul %max3A_24, %get3A_37, %dot_general3A_38 {dimension_numbers = #tpu.dot_dimension_numbers<[1], [0], [0], [1], [0, 0, 1, 1], [], []>, precision = #tpu.contract_precision<fp32>, transpose_lhs_hint = false} : vector<4096x64xf32>, vector<64x32xf32>, vector<4096x32xf32> -> vector<4096x32xf32>
    %get3A_40 = arith.constant 0 : index
    %get3A_41 = arith.constant 0 : index
    %get3A_42 = vector.load %arg12[%get3A_40, %get3A_41] : memref<1x32xf32, #tpu.memory_space<vmem>>, vector<1x32xf32>
    %add3A_43 = vector.broadcast %get3A_42 : vector<1x32xf32> to vector<4096x32xf32>
    %add3A_44 = arith.addf %dot_general3A_39, %add3A_43 : vector<4096x32xf32>
    %get3A_45 = arith.constant 0 : index
    %get3A_46 = arith.constant 0 : index
    %get3A_47 = vector.load %arg3[%get3A_45, %get3A_46] : memref<4096x32xf32, #tpu.memory_space<vmem>>, vector<4096x32xf32>
    %mul3A = arith.constant 5.000000e-01 : f32
    %mul3A_48 = vector.broadcast %mul3A : f32 to vector<4096x32xf32>
    %mul3A_49 = arith.mulf %mul3A_48, %add3A_44 : vector<4096x32xf32>
    %exp3A = math.exp %mul3A_49 : vector<4096x32xf32>
    %mul3A_50 = arith.mulf %get3A_47, %exp3A : vector<4096x32xf32>
    %add3A_51 = arith.addf %mul3A_50, %add3A_34 : vector<4096x32xf32>
    %get3A_52 = arith.constant 0 : index
    %get3A_53 = arith.constant 0 : index
    %get3A_54 = vector.load %arg13[%get3A_52, %get3A_53] : memref<32x256xf32, #tpu.memory_space<vmem>>, vector<32x256xf32>
    %dot_general3A_55 = arith.constant dense<0.000000e+00> : vector<4096x256xf32>
    %dot_general3A_56 = tpu.matmul %add3A_51, %get3A_54, %dot_general3A_55 {dimension_numbers = #tpu.dot_dimension_numbers<[1], [0], [0], [1], [0, 0, 1, 1], [], []>, precision = #tpu.contract_precision<fp32>, transpose_lhs_hint = false} : vector<4096x32xf32>, vector<32x256xf32>, vector<4096x256xf32> -> vector<4096x256xf32>
    %get3A_57 = arith.constant 0 : index
    %get3A_58 = arith.constant 0 : index
    %get3A_59 = vector.load %arg1[%get3A_57, %get3A_58] : memref<4096x128xf32, #tpu.memory_space<vmem>>, vector<4096x128xf32>
    %slice3A = vector.extract_strided_slice %get3A_59 {offsets = [0, 0], sizes = [4096, 64], strides = [1, 1]} : vector<4096x128xf32> to vector<4096x64xf32>
    %get3A_60 = arith.constant 0 : index
    %get3A_61 = arith.constant 0 : index
    %get3A_62 = vector.load %arg14[%get3A_60, %get3A_61] : memref<64x256xf32, #tpu.memory_space<vmem>>, vector<64x256xf32>
    %dot_general3A_63 = arith.constant dense<0.000000e+00> : vector<4096x256xf32>
    %dot_general3A_64 = tpu.matmul %slice3A, %get3A_62, %dot_general3A_63 {dimension_numbers = #tpu.dot_dimension_numbers<[1], [0], [0], [1], [0, 0, 1, 1], [], []>, precision = #tpu.contract_precision<fp32>, transpose_lhs_hint = false} : vector<4096x64xf32>, vector<64x256xf32>, vector<4096x256xf32> -> vector<4096x256xf32>
    %add3A_65 = arith.addf %dot_general3A_56, %dot_general3A_64 : vector<4096x256xf32>
    %get3A_66 = arith.constant 0 : index
    %get3A_67 = arith.constant 0 : index
    %get3A_68 = vector.load %arg15[%get3A_66, %get3A_67] : memref<1x256xf32, #tpu.memory_space<vmem>>, vector<1x256xf32>
    %add3A_69 = vector.broadcast %get3A_68 : vector<1x256xf32> to vector<4096x256xf32>
    %add3A_70 = arith.addf %add3A_65, %add3A_69 : vector<4096x256xf32>
    %max3A_71 = arith.constant 0.000000e+00 : f32
    %max3A_72 = vector.broadcast %max3A_71 : f32 to vector<4096x256xf32>
    %max3A_73 = arith.maximumf %add3A_70, %max3A_72 : vector<4096x256xf32>
    %get3A_74 = arith.constant 0 : index
    %get3A_75 = arith.constant 0 : index
    %get3A_76 = vector.load %arg16[%get3A_74, %get3A_75] : memref<256x128xf32, #tpu.memory_space<vmem>>, vector<256x128xf32>
    %dot_general3A_77 = arith.constant dense<0.000000e+00> : vector<4096x128xf32>
    %dot_general3A_78 = tpu.matmul %max3A_73, %get3A_76, %dot_general3A_77 {dimension_numbers = #tpu.dot_dimension_numbers<[1], [0], [0], [1], [0, 0, 1, 1], [], []>, precision = #tpu.contract_precision<fp32>, transpose_lhs_hint = false} : vector<4096x256xf32>, vector<256x128xf32>, vector<4096x128xf32> -> vector<4096x128xf32>
    %get3A_79 = arith.constant 0 : index
    %get3A_80 = arith.constant 0 : index
    %get3A_81 = vector.load %arg17[%get3A_79, %get3A_80] : memref<1x128xf32, #tpu.memory_space<vmem>>, vector<1x128xf32>
    %add3A_82 = vector.broadcast %get3A_81 : vector<1x128xf32> to vector<4096x128xf32>
    %add3A_83 = arith.addf %dot_general3A_78, %add3A_82 : vector<4096x128xf32>
    %max3A_84 = arith.constant 0.000000e+00 : f32
    %max3A_85 = vector.broadcast %max3A_84 : f32 to vector<4096x128xf32>
    %max3A_86 = arith.maximumf %add3A_83, %max3A_85 : vector<4096x128xf32>
    %get3A_87 = arith.constant 0 : index
    %get3A_88 = arith.constant 0 : index
    %get3A_89 = vector.load %arg18[%get3A_87, %get3A_88] : memref<128x64xf32, #tpu.memory_space<vmem>>, vector<128x64xf32>
    %dot_general3A_90 = arith.constant dense<0.000000e+00> : vector<4096x64xf32>
    %dot_general3A_91 = tpu.matmul %max3A_86, %get3A_89, %dot_general3A_90 {dimension_numbers = #tpu.dot_dimension_numbers<[1], [0], [0], [1], [0, 0, 1, 1], [], []>, precision = #tpu.contract_precision<fp32>, transpose_lhs_hint = false} : vector<4096x128xf32>, vector<128x64xf32>, vector<4096x64xf32> -> vector<4096x64xf32>
    %get3A_92 = arith.constant 0 : index
    %get3A_93 = arith.constant 0 : index
    %get3A_94 = vector.load %arg19[%get3A_92, %get3A_93] : memref<1x64xf32, #tpu.memory_space<vmem>>, vector<1x64xf32>
    %add3A_95 = vector.broadcast %get3A_94 : vector<1x64xf32> to vector<4096x64xf32>
    %add3A_96 = arith.addf %dot_general3A_91, %add3A_95 : vector<4096x64xf32>
    %get3A_97 = arith.constant 0 : index
    %get3A_98 = arith.constant 0 : index
    %get3A_99 = vector.load %arg20[%get3A_97, %get3A_98] : memref<128x64xf32, #tpu.memory_space<vmem>>, vector<128x64xf32>
    %dot_general3A_100 = arith.constant dense<0.000000e+00> : vector<4096x64xf32>
    %dot_general3A_101 = tpu.matmul %max3A_86, %get3A_99, %dot_general3A_100 {dimension_numbers = #tpu.dot_dimension_numbers<[1], [0], [0], [1], [0, 0, 1, 1], [], []>, precision = #tpu.contract_precision<fp32>, transpose_lhs_hint = false} : vector<4096x128xf32>, vector<128x64xf32>, vector<4096x64xf32> -> vector<4096x64xf32>
    %get3A_102 = arith.constant 0 : index
    %get3A_103 = arith.constant 0 : index
    %get3A_104 = vector.load %arg21[%get3A_102, %get3A_103] : memref<1x64xf32, #tpu.memory_space<vmem>>, vector<1x64xf32>
    %add3A_105 = vector.broadcast %get3A_104 : vector<1x64xf32> to vector<4096x64xf32>
    %add3A_106 = arith.addf %dot_general3A_101, %add3A_105 : vector<4096x64xf32>
    %get3A_107 = arith.constant 0 : index
    %get3A_108 = arith.constant 0 : index
    %get3A_109 = vector.load %arg4[%get3A_107, %get3A_108] : memref<4096x64xf32, #tpu.memory_space<vmem>>, vector<4096x64xf32>
    %mul3A_110 = arith.constant 5.000000e-01 : f32
    %mul3A_111 = vector.broadcast %mul3A_110 : f32 to vector<4096x64xf32>
    %mul3A_112 = arith.mulf %mul3A_111, %add3A_106 : vector<4096x64xf32>
    %exp3A_113 = math.exp %mul3A_112 : vector<4096x64xf32>
    %mul3A_114 = arith.mulf %get3A_109, %exp3A_113 : vector<4096x64xf32>
    %add3A_115 = arith.addf %mul3A_114, %add3A_96 : vector<4096x64xf32>
    %get3A_116 = arith.constant 0 : index
    %get3A_117 = arith.constant 0 : index
    %get3A_118 = vector.load %arg22[%get3A_116, %get3A_117] : memref<32x128xf32, #tpu.memory_space<vmem>>, vector<32x128xf32>
    %dot_general3A_119 = arith.constant dense<0.000000e+00> : vector<4096x128xf32>
    %dot_general3A_120 = tpu.matmul %add3A_51, %get3A_118, %dot_general3A_119 {dimension_numbers = #tpu.dot_dimension_numbers<[1], [0], [0], [1], [0, 0, 1, 1], [], []>, precision = #tpu.contract_precision<fp32>, transpose_lhs_hint = false} : vector<4096x32xf32>, vector<32x128xf32>, vector<4096x128xf32> -> vector<4096x128xf32>
    %get3A_121 = arith.constant 0 : index
    %get3A_122 = arith.constant 0 : index
    %get3A_123 = vector.load %arg23[%get3A_121, %get3A_122] : memref<64x128xf32, #tpu.memory_space<vmem>>, vector<64x128xf32>
    %dot_general3A_124 = arith.constant dense<0.000000e+00> : vector<4096x128xf32>
    %dot_general3A_125 = tpu.matmul %add3A_115, %get3A_123, %dot_general3A_124 {dimension_numbers = #tpu.dot_dimension_numbers<[1], [0], [0], [1], [0, 0, 1, 1], [], []>, precision = #tpu.contract_precision<fp32>, transpose_lhs_hint = false} : vector<4096x64xf32>, vector<64x128xf32>, vector<4096x128xf32> -> vector<4096x128xf32>
    %add3A_126 = arith.addf %dot_general3A_120, %dot_general3A_125 : vector<4096x128xf32>
    %get3A_127 = arith.constant 0 : index
    %get3A_128 = arith.constant 0 : index
    %get3A_129 = vector.load %arg24[%get3A_127, %get3A_128] : memref<1x128xf32, #tpu.memory_space<vmem>>, vector<1x128xf32>
    %add3A_130 = vector.broadcast %get3A_129 : vector<1x128xf32> to vector<4096x128xf32>
    %add3A_131 = arith.addf %add3A_126, %add3A_130 : vector<4096x128xf32>
    %max3A_132 = arith.constant 0.000000e+00 : f32
    %max3A_133 = vector.broadcast %max3A_132 : f32 to vector<4096x128xf32>
    %max3A_134 = arith.maximumf %add3A_131, %max3A_133 : vector<4096x128xf32>
    %get3A_135 = arith.constant 0 : index
    %get3A_136 = arith.constant 0 : index
    %get3A_137 = vector.load %arg25[%get3A_135, %get3A_136] : memref<128x256xf32, #tpu.memory_space<vmem>>, vector<128x256xf32>
    %dot_general3A_138 = arith.constant dense<0.000000e+00> : vector<4096x256xf32>
    %dot_general3A_139 = tpu.matmul %max3A_134, %get3A_137, %dot_general3A_138 {dimension_numbers = #tpu.dot_dimension_numbers<[1], [0], [0], [1], [0, 0, 1, 1], [], []>, precision = #tpu.contract_precision<fp32>, transpose_lhs_hint = false} : vector<4096x128xf32>, vector<128x256xf32>, vector<4096x256xf32> -> vector<4096x256xf32>
    %get3A_140 = arith.constant 0 : index
    %get3A_141 = arith.constant 0 : index
    %get3A_142 = vector.load %arg26[%get3A_140, %get3A_141] : memref<1x256xf32, #tpu.memory_space<vmem>>, vector<1x256xf32>
    %add3A_143 = vector.broadcast %get3A_142 : vector<1x256xf32> to vector<4096x256xf32>
    %add3A_144 = arith.addf %dot_general3A_139, %add3A_143 : vector<4096x256xf32>
    %max3A_145 = arith.constant 0.000000e+00 : f32
    %max3A_146 = vector.broadcast %max3A_145 : f32 to vector<4096x256xf32>
    %max3A_147 = arith.maximumf %add3A_144, %max3A_146 : vector<4096x256xf32>
    %get3A_148 = arith.constant 0 : index
    %get3A_149 = arith.constant 0 : index
    %get3A_150 = vector.load %arg27[%get3A_148, %get3A_149] : memref<256x128xf32, #tpu.memory_space<vmem>>, vector<256x128xf32>
    %dot_general3A_151 = arith.constant dense<0.000000e+00> : vector<4096x128xf32>
    %dot_general3A_152 = tpu.matmul %max3A_147, %get3A_150, %dot_general3A_151 {dimension_numbers = #tpu.dot_dimension_numbers<[1], [0], [0], [1], [0, 0, 1, 1], [], []>, precision = #tpu.contract_precision<fp32>, transpose_lhs_hint = false} : vector<4096x256xf32>, vector<256x128xf32>, vector<4096x128xf32> -> vector<4096x128xf32>
    %get3A_153 = arith.constant 0 : index
    %get3A_154 = arith.constant 0 : index
    %get3A_155 = vector.load %arg28[%get3A_153, %get3A_154] : memref<1x128xf32, #tpu.memory_space<vmem>>, vector<1x128xf32>
    %add3A_156 = vector.broadcast %get3A_155 : vector<1x128xf32> to vector<4096x128xf32>
    %add3A_157 = arith.addf %dot_general3A_152, %add3A_156 : vector<4096x128xf32>
    %max3A_158 = arith.constant 0.000000e+00 : f32
    %max3A_159 = vector.broadcast %max3A_158 : f32 to vector<4096x128xf32>
    %max3A_160 = arith.maximumf %add3A_157, %max3A_159 : vector<4096x128xf32>
    %get3A_161 = arith.constant 0 : index
    %get3A_162 = arith.constant 0 : index
    %get3A_163 = vector.load %arg29[%get3A_161, %get3A_162] : memref<128x64xf32, #tpu.memory_space<vmem>>, vector<128x64xf32>
    %dot_general3A_164 = arith.constant dense<0.000000e+00> : vector<4096x64xf32>
    %dot_general3A_165 = tpu.matmul %max3A_160, %get3A_163, %dot_general3A_164 {dimension_numbers = #tpu.dot_dimension_numbers<[1], [0], [0], [1], [0, 0, 1, 1], [], []>, precision = #tpu.contract_precision<fp32>, transpose_lhs_hint = false} : vector<4096x128xf32>, vector<128x64xf32>, vector<4096x64xf32> -> vector<4096x64xf32>
    %get3A_166 = arith.constant 0 : index
    %get3A_167 = arith.constant 0 : index
    %get3A_168 = vector.load %arg30[%get3A_166, %get3A_167] : memref<1x64xf32, #tpu.memory_space<vmem>>, vector<1x64xf32>
    %add3A_169 = vector.broadcast %get3A_168 : vector<1x64xf32> to vector<4096x64xf32>
    %add3A_170 = arith.addf %dot_general3A_165, %add3A_169 : vector<4096x64xf32>
    %get3A_171 = arith.constant 0 : index
    %get3A_172 = arith.constant 0 : index
    %get3A_173 = vector.load %arg2[%get3A_171, %get3A_172] : memref<4096x128xf32, #tpu.memory_space<vmem>>, vector<4096x128xf32>
    %slice3A_174 = vector.extract_strided_slice %get3A_173 {offsets = [0, 0], sizes = [4096, 64], strides = [1, 1]} : vector<4096x128xf32> to vector<4096x64xf32>
    %sub3A = arith.subf %add3A_170, %slice3A_174 : vector<4096x64xf32>
    %mul3A_175 = arith.mulf %sub3A, %sub3A : vector<4096x64xf32>
    %reduce_sum3A = vector.shape_cast %mul3A_175 : vector<4096x64xf32> to vector<1x4096x64xf32>
    %reduce_sum3A_176 = arith.constant dense<0.000000e+00> : vector<1xf32>
    %reduce_sum3A_177 = vector.multi_reduction <add>, %reduce_sum3A, %reduce_sum3A_176 [1, 2] : vector<1x4096x64xf32> to vector<1xf32>
    %reduce_sum3A_178 = vector.shape_cast %reduce_sum3A_177 : vector<1xf32> to vector<1x1x1xf32>
    %reduce_sum3A_179 = vector.extract %reduce_sum3A_178[0, 0, 0] : f32 from vector<1x1x1xf32>
    %mul3A_180 = arith.constant 3.81469727E-6 : f32
    %mul3A_181 = arith.mulf %reduce_sum3A_179, %mul3A_180 : f32
    %reshape3A = vector.broadcast %mul3A_181 : f32 to vector<1x1xf32>
    %swap3A = arith.constant 0 : index
    %swap3A_182 = arith.constant 0 : index
    %swap3A_183 = vector.load %arg31[%swap3A, %swap3A_182] : memref<1x1xf32, #tpu.memory_space<vmem>>, vector<1x1xf32>
    tpu.vector_store %arg31[%swap3A, %swap3A_182], %reshape3A {strides = array<i32>} : memref<1x1xf32, #tpu.memory_space<vmem>>, vector<1x1xf32>,
    %add3A_184 = arith.constant 1.000000e+00 : f32
    %add3A_185 = vector.broadcast %add3A_184 : f32 to vector<4096x32xf32>
    %add3A_186 = arith.addf %add3A_185, %add3A_44 : vector<4096x32xf32>
    %mul3A_187 = arith.mulf %add3A_34, %add3A_34 : vector<4096x32xf32>
    %sub3A_188 = arith.subf %add3A_186, %mul3A_187 : vector<4096x32xf32>
    %exp3A_189 = math.exp %add3A_44 : vector<4096x32xf32>
    %sub3A_190 = arith.subf %sub3A_188, %exp3A_189 : vector<4096x32xf32>
    %reduce_sum3A_191 = vector.shape_cast %sub3A_190 : vector<4096x32xf32> to vector<1x4096x32xf32>
    %reduce_sum3A_192 = arith.constant dense<0.000000e+00> : vector<1xf32>
    %reduce_sum3A_193 = vector.multi_reduction <add>, %reduce_sum3A_191, %reduce_sum3A_192 [1, 2] : vector<1x4096x32xf32> to vector<1xf32>
    %reduce_sum3A_194 = vector.shape_cast %reduce_sum3A_193 : vector<1xf32> to vector<1x1x1xf32>
    %reduce_sum3A_195 = vector.extract %reduce_sum3A_194[0, 0, 0] : f32 from vector<1x1x1xf32>
    %mul3A_196 = arith.constant -5.000000e-01 : f32
    %mul3A_197 = arith.mulf %mul3A_196, %reduce_sum3A_195 : f32
    %reshape3A_198 = vector.broadcast %mul3A_197 : f32 to vector<1x1xf32>
    %swap3A_199 = arith.constant 0 : index
    %swap3A_200 = arith.constant 0 : index
    %swap3A_201 = vector.load %arg32[%swap3A_199, %swap3A_200] : memref<1x1xf32, #tpu.memory_space<vmem>>, vector<1x1xf32>
    tpu.vector_store %arg32[%swap3A_199, %swap3A_200], %reshape3A_198 {strides = array<i32>} : memref<1x1xf32, #tpu.memory_space<vmem>>, vector<1x1xf32>,
    %add3A_202 = arith.constant 1.000000e+00 : f32
    %add3A_203 = vector.broadcast %add3A_202 : f32 to vector<4096x64xf32>
    %add3A_204 = arith.addf %add3A_203, %add3A_106 : vector<4096x64xf32>
    %mul3A_205 = arith.mulf %add3A_96, %add3A_96 : vector<4096x64xf32>
    %sub3A_206 = arith.subf %add3A_204, %mul3A_205 : vector<4096x64xf32>
    %exp3A_207 = math.exp %add3A_106 : vector<4096x64xf32>
    %sub3A_208 = arith.subf %sub3A_206, %exp3A_207 : vector<4096x64xf32>
    %reduce_sum3A_209 = vector.shape_cast %sub3A_208 : vector<4096x64xf32> to vector<1x4096x64xf32>
    %reduce_sum3A_210 = arith.constant dense<0.000000e+00> : vector<1xf32>
    %reduce_sum3A_211 = vector.multi_reduction <add>, %reduce_sum3A_209, %reduce_sum3A_210 [1, 2] : vector<1x4096x64xf32> to vector<1xf32>
    %reduce_sum3A_212 = vector.shape_cast %reduce_sum3A_211 : vector<1xf32> to vector<1x1x1xf32>
    %reduce_sum3A_213 = vector.extract %reduce_sum3A_212[0, 0, 0] : f32 from vector<1x1x1xf32>
    %mul3A_214 = arith.constant -5.000000e-01 : f32
    %mul3A_215 = arith.mulf %mul3A_214, %reduce_sum3A_213 : f32
    %reshape3A_216 = vector.broadcast %mul3A_215 : f32 to vector<1x1xf32>
    %swap3A_217 = arith.constant 0 : index
    %swap3A_218 = arith.constant 0 : index
    %swap3A_219 = vector.load %arg33[%swap3A_217, %swap3A_218] : memref<1x1xf32, #tpu.memory_space<vmem>>, vector<1x1xf32>
    tpu.vector_store %arg33[%swap3A_217, %swap3A_218], %reshape3A_216 {strides = array<i32>} : memref<1x1xf32, #tpu.memory_space<vmem>>, vector<1x1xf32>,
    return
  }
}

</mosaic_0001>

<sc_bundles>
// kernel: kernel.10.cloned.1.call-start
scs
__scs_entry_jumppad:
0x0: {  	(pc) =	sbr.rel $0x88, $3  }
0x1: {  	(tag) =	ssettag $0x0;
	lr =	simm.s32 $0x1  }
0x2: {  	[smem:$0x3F7B] =	sst lr;
	_ =	strace $0xD0000000  }
0x3: {  	_ = 	snop  }
0x4: {  	_ = 	snop  }
0x5: {  	_ = 	snop  }
0x6: {  	_ = 	snop  }
0x7: {  	_ = 	snop  }
__scs_overlays_trampoline_lowered:
0x8: {  	[smem:$0x3F8A] =	sst s0  }
0x9: {  	[smem:$0x3F8B] =	sst s1  }
0xa: {  	[smem:$0x3F8C] =	sst s2  }
0xb: {  	[smem:$0x3F8D] =	sst s3  }
0xc: {  	[smem:$0x3F8E] =	sst s4  }
0xd: {  	[smem:$0x3F8F] =	sst s5  }
0xe: {  	[smem:$0x3F90] =	sst s6  }
0xf: {  	[smem:$0x3F91] =	sst s7  }
0x10: {  	[smem:$0x3F92] =	sst s8  }
0x11: {  	[smem:$0x3F93] =	sst s9;
	s0 =	simm.s32 @!p0 $0x0  }
0x12: {  	s1 =	sld [smem:$0x3F79];
	s0 =	simm.s32 @p0 $0x1  }
0x13: {  	[smem:$0x3F94] =	sst s0;
	s0 =	simm.s32 @!p1 $0x0  }
0x14: {  	s2 =	sld [smem:$0x3F78];
	s0 =	simm.s32 @p1 $0x1  }
0x15: {  	[smem:$0x3F95] =	sst s0;
	s0 =	simm.s32 @!p2 $0x0  }
0x16: {  	s3 =	sld [smem:$0x3FDB];
	s0 =	simm.s32 @p2 $0x1  }
0x17: {  	s4 =	simm.s32 $0x1BF5;
	[smem:$0x3F97] =	sst s0  }
0x18: {  	s0 =	sld [smem:$0x3F7A];
	_ =	swait.ge [sflag:s4], $0x0  }
0x19: {  	s7 =	sld [smem:$0x3F7B]  }
0x1a: {  	s8 =	sadd.s32 $0xFFFFE003, lr  }
0x1b: {  	s9 =	sadd.s32 $0xFFFFFEF7, lr;
	s5 =	simm.s32 $0xFFFFFFFF;
	p2 =	slt.u32 s8, $0xFFFFF086  }
0x1c: {  	p1 =	slt.u32 s9, $0xF7A;
	s5 =	simm.s32 @!p2 $0x0  }
0x1d: {  	s5 =	simm.s32 @p1 $0x1;
	p0 =	seq.s32 s7, s2  }
0x1e: {  	s7 =	smul.u32 @!p0 $0xF7A, s2;
	p2 =	seq.s32 @!p0 s5, $0x0  }
0x1f: {  	s9 =	smul.u32 $0xF7A, s1;
	s8 =	simm.s32 @!p0 $0x1BF5;
	p2 =	por !p2, p0  }
0x20: {  	[sflag:s8] =	ssyncset.s32 @!p0 $0xFFFFF086;
	s6 =	sadd.s32 @!p0 s3, s7;
	s7 =	simm.s32 @!p0 $0x108  }
0x21: {  	s3 =	sadd.s32 s3, s9;
	s6 =	sadd.s32 @!p0 $0x88, s6;
	s7 =	simm.s32 @p2 $0x1082  }
0x22: {  	[simem:s7], [sflag:s8] =	dma.local @!p0 [hbm:s6], $0xF7A  }
0x23: {  	s9 =	sor.u32 $0xD0000000, s2;
	s6 =	simm.s32 $0x108;
	_ =	swait.ge @!p0 [sflag:s8], $0x0  }
0x24: {  	s3 =	sadd.s32 $0x88, s3;
	s6 =	simm.s32 @!p1 $0x1082;
	[sflag:s4] =	ssyncset.s32 $0xFFFFF086  }
0x25: {  	[simem:s6], [sflag:s4] =	dma.local [hbm:s3], $0xF7A  }
0x26: {  	[smem:$0x3F7B] =	sst s1;
	(tag) =	ssettag s2;
	_ =	strace s9  }
0x27: {  	s1 =	sld [smem:$0x3F8B]  }
0x28: {  	s2 =	sld [smem:$0x3F8C]  }
0x29: {  	s4 =	sld [smem:$0x3F8E]  }
0x2a: {  	p0 =	seq.s32 s5, $0x0;
	s5 =	sld [smem:$0x3F8F]  }
0x2b: {  	s6 =	sld [smem:$0x3F90]  }
0x2c: {  	s7 =	sld [smem:$0x3F91]  }
0x2d: {  	s3 =	simm.s32 $0x108;
	s8 =	sld [smem:$0x3F92]  }
0x2e: {  	s3 =	simm.s32 @!p0 $0x1082;
	s9 =	sld [smem:$0x3F93]  }
0x2f: {  	lr =	sadd.s32 s0, s3;
	s0 =	sld [smem:$0x3F8A]  }
0x30: {  	s3 =	sld [smem:$0x3F8D]  }
0x31: {  	[smem:$0x3F96] =	sst s10  }
0x32: {  	s10 =	sld [smem:$0x3F94];
	_ =	sdelay $0x3  }
0x33: {  	p0 =	seq.s32 s10, $0x1;
	s10 =	sld [smem:$0x3F96];
	_ =	sdelay $0x3  }
0x34: {  	[smem:$0x3F96] =	sst s10  }
0x35: {  	s10 =	sld [smem:$0x3F95];
	_ =	sdelay $0x3  }
0x36: {  	p1 =	seq.s32 s10, $0x1;
	s10 =	sld [smem:$0x3F96];
	_ =	sdelay $0x3  }
0x37: {  	[smem:$0x3F96] =	sst s10  }
0x38: {  	s10 =	sld [smem:$0x3F97]  }
0x39: {  	_ = 	snop;
	(pc) =	sbr.ind lr, $3  }
0x3a: {  	_ = 	snop  }
0x3b: {  	_ = 	snop  }
0x3c: {  	p2 =	seq.s32 s10, $0x1;
	s10 =	sld [smem:$0x3F96]  }
0x3d: {  	_ =	shalt  }
0x3e: {  	_ =	shalt  }
0x3f: {  	_ =	shalt  }
0x40: {  	_ =	shalt  }
0x41: {  	_ =	shalt  }
0x42: {  	_ =	shalt  }
0x43: {  	_ =	shalt  }
0x44: {  	_ =	shalt  }
0x45: {  	_ =	shalt  }
0x46: {  	_ =	shalt  }
0x47: {  	_ =	shalt  }
0x48: {  	_ =	shalt  }
0x49: {  	_ =	shalt  }
0x4a: {  	_ =	shalt  }
0x4b: {  	_ =	shalt  }
0x4c: {  	_ =	shalt  }
0x4d: {  	_ =	shalt  }
0x4e: {  	_ =	shalt  }
0x4f: {  	_ =	shalt  }
0x50: {  	_ =	shalt  }
0x51: {  	_ =	shalt  }
0x52: {  	_ =	shalt  }
0x53: {  	_ =	shalt  }
0x54: {  	_ =	shalt  }
0x55: {  	_ =	shalt  }
0x56: {  	_ =	shalt  }
0x57: {  	_ =	shalt  }
0x58: {  	_ =	shalt  }
0x59: {  	_ =	shalt  }
0x5a: {  	_ =	shalt  }
0x5b: {  	_ =	shalt  }
0x5c: {  	_ =	shalt  }
0x5d: {  	_ =	shalt  }
0x5e: {  	_ =	shalt  }
0x5f: {  	_ =	shalt  }
0x60: {  	_ =	shalt  }
0x61: {  	_ =	shalt  }
0x62: {  	_ =	shalt  }
0x63: {  	_ =	shalt  }
0x64: {  	_ =	shalt  }
0x65: {  	_ =	shalt  }
0x66: {  	_ =	shalt  }
0x67: {  	_ =	shalt  }
0x68: {  	_ =	shalt  }
0x69: {  	_ =	shalt  }
0x6a: {  	_ =	shalt  }
0x6b: {  	_ =	shalt  }
0x6c: {  	_ =	shalt  }
0x6d: {  	_ =	shalt  }
0x6e: {  	_ =	shalt  }
0x6f: {  	_ =	shalt  }
0x70: {  	_ =	shalt  }
0x71: {  	_ =	shalt  }
0x72: {  	_ =	shalt  }
0x73: {  	_ =	shalt  }
0x74: {  	_ =	shalt  }
0x75: {  	_ =	shalt  }
0x76: {  	_ =	shalt  }
0x77: {  	_ =	shalt  }
0x78: {  	_ =	shalt  }
0x79: {  	_ =	shalt  }
0x7a: {  	_ =	shalt  }
0x7b: {  	_ =	shalt  }
0x7c: {  	_ =	shalt  }
0x7d: {  	_ =	shalt  }
0x7e: {  	_ =	shalt  }
0x7f: {  	_ =	shalt  }
0x80: {  	_ =	shalt  }
0x81: {  	_ =	shalt  }
0x82: {  	_ =	shalt  }
0x83: {  	_ =	shalt  }
0x84: {  	_ =	shalt  }
0x85: {  	_ =	shalt  }
0x86: {  	_ =	shalt  }
0x87: {  	_ =	shalt  }
.Lfunc_end0:
.L_simem_size_0:
called_computation_lowered:
.L_overlay_start_0:
0x88: {  	s2 =	sld [smem:$0x3FD9]  }
0x89: {  	s3 =	sld [smem:$0x3FFE];
	_ =	sdelay $0x1  }
0x8a: {  	s1 =	srdreg.scid  }
0x8b: {  	s0 =	sand.u32 $0x1, s1  }
0x8c: {  	s17 =	sshll.u32 s0, $0xA;
	s2 =	sadd.s32 s3, s2  }
0x8d: {  	s2 =	sadd.s32 s2, s17  }
0x8e: {  	[smem:$0x3FA2] =	sst s2  }
0x8f: {  	_ = 	snop  }
0x90: {  	s2 =	sld [smem:$0x3FC8];
	(tm) =	ssettm $0x1  }
0x91: {  	s18 =	sld [smem:$0x3FFB];
	_ =	sdelay $0x3  }
0x92: {  	_ =	strace s18  }
0x93: {  	s3 =	sld [smem:$0x3FFC];
	_ =	sdelay $0x3  }
0x94: {  	_ =	strace s3  }
0x95: {  	s3 =	sld [smem:$0x3FFD];
	_ =	sdelay $0x3  }
0x96: {  	_ =	strace s3  }
0x97: {  	_ =	strace $0x8FFFFFFF  }
0x98: {  	s19 =	sld [smem:$0x3FDB];
	_ =	sdelay $0x1  }
0x99: {  	s4 =	simm.s32 $_scs_section_size  }
0x9a: {  	s5 =	simm.s32 $_size__tile_overlayer_lowered;
	s6 =	simm.s32 $_tile_overlayer_lowered  }
0x9b: {  	s22 =	simm.s32 $0x1BFF;
	s21 =	sshll.u32 s6, $0x1;
	s3 =	sadd.s32 s4, s19  }
0x9c: {  	s7 =	simm.s32 $0x0;
	s20 =	sshll.u32 s5, $0x1;
	s5 =	sadd.s32 s21, s3  }
0x9d: {  	[timem:s7], [sflag:s22] =	dma.local [hbm:s5], s20  }
0x9e: {  	_ =	swait.ge [sflag:s22], s20  }
0x9f: {  	s4 =	ssub.s32 $0x0, s20;
	[sflag:s22] =	ssyncset.done $0x0  }
0xa0: {  	[sflag:s22] =	ssyncadd.s32 s4;
	_ =	sdelay $0x1  }
0xa1: {  	s23 =	simm.s32 $0x1B8B  }
0xa2: {  	_ =	swait.ge [sflag:s23], $0x1  }
0xa3: {  	[sflag:s23] =	ssyncset.done $0x0  }
0xa4: {  	s25 =	simm.s32 $0x1B8E;
	s24 =	sld [smem:$0x3FFE];
	[sflag:s23] =	ssyncadd.s32 $0xFFFFFFFF  }
0xa5: {  	s26 =	simm.s32 $execute0_lowered;
	[smem:$0x3FD2] =	sst s25  }
0xa6: {  	s5 =	sshll.u32 s26, $0x1;
	_ =	strace $0x80000046;
	[dreg:$0x1] =	wrdreg $0xFFFFFFFF  }
0xa7: {  	s28 =	simm.s32 $_size_execute0_lowered;
	s3 =	sadd.s32 s3, s5;
	[dreg:$0x0] =	wrdreg $0x0  }
0xa8: {  	s5 =	sshll.u32 s28, $0x1;
	[dreg:$0x2] =	wrdreg s3  }
0xa9: {  	[dreg:$0x3] =	wrdreg s5  }
0xaa: {  	[dreg:$0x4] =	wrdreg $0xC0  }
0xab: {  	_ =	task [dreg:s7], $0x5FFFF  }
0xac: {  	[dreg:$0x1] =	wrdreg $0xFFFFFFFF  }
0xad: {  	[dreg:$0x0] =	wrdreg $0x60  }
0xae: {  	[dreg:$0x2] =	wrdreg s2  }
0xaf: {  	[dreg:$0x3] =	wrdreg s24  }
0xb0: {  	[dreg:$0x4] =	wrdreg $0xA4000  }
0xb1: {  	[dreg:$0x5] =	wrdreg $0x9  }
0xb2: {  	_ =	task.clear_ibuf [dreg:s7], $0x6FFFF;
	_ =	strace $0x90000046  }
0xb3: {  	s29 =	simm.s32 $0x9;
	_ =	strace $0x80000048  }
0xb4: {  	_ =	swait.ge [sflag:s29], $0x1  }
0xb5: {  	[sflag:s29] =	ssyncadd.s32 $0xFFFFFFFF  }
0xb6: {  	_ =	strace $0x90000048  }
0xb7: {  	_ =	sfence  }
0xb8: {  	s30 =	sld [smem:$0x0];
	_ =	sdelay $0x2  }
0xb9: {  	s31 =	sshll.u32 s1, $0xD;
	s1 =	sshrl.u32 s1, $0x2  }
0xba: {  	s3 =	sand.u32 $0x4000, s31;
	s1 =	sadd.s32 s1, s30  }
0xbb: {  	s0 =	sor.u32 s3, s0;
	s1 =	sshll.u32 s1, $0x11  }
0xbc: {  	s0 =	sor.u32 s1, s0  }
0xbd: {  	s0 =	sadd.s32 $0x8F2B, s0  }
0xbe: {  	[sflag:s0] =	ssyncadd.remote.s32 $0x1  }
0xbf: {  	_ =	sfence.sel $0xFFFF  }
0xc0: {  	[dreg:$0x0] =	wrdreg $0xFFFFFFFF;
	(pc) =	sbr.abs _section_cstart, $3  }
0xc1: {  	[dreg:$0x1] =	wrdreg $0xFFFFFFFF  }
0xc2: {  	_ =	task.clear_ibuf [dreg:s7], $0x2FFFF;
	_ =	strace $0x9FFFFFFF  }
0xc3: {  	(tm) =	ssettm $0x7FFFFFFF  }
tec
execute0_lowered:
.L_overlay_start_1:
0x0: {  	(tag) =	ssettag $0x1  }
0x1: {  	s0 =	rddreg [dreg:$0x0]  }
0x2: {  	s1 =	rddreg [dreg:$0x1]  }
0x3: {  	s2 =	srdreg.scid;
	s3 =	rddreg [dreg:$0x2]  }
0x4: {  	s12 =	stileid.u32;
	s4 =	simm.s32 $0x0;
	s28 =	simm.s32 $0x4  }
0x5: {  	s29 =	simm.s32 $0x7C00;
	s30 =	simm.s32 $0x9;
	s31 =	simm.s32 $0x5  }
0x6: {  	s2 =	sand.u32 $0x1, s2;
	s6 =	smul.u32 $0x14000, s12;
	[smem:$0x7FF] =	sst s4  }
0x7: {  	s7 =	sadd.s32 $0x6E00, s1;
	s8 =	sadd.s32 $0x1AA00, s1;
	s25 =	smul.u32 $0x50000, s12  }
0x8: {  	s9 =	sshll.u32 s12, $0x1;
	s10 =	smul.u32 $0x4E20, s12;
	s12 =	sshll.u32 s12, $0x6  }
0x9: {  	s5 =	smul.u32 $0x140000, s2;
	_ =	strace $0x80000047;
	[dreg:$0xc] =	wrdreg s8  }
0xa: {  	s26 =	ssub.s32 $0x2, s2;
	s9 =	sor.u32 s2, s9;
	s2 =	smul.u32 $0x2710, s2  }
0xb: {  	s12 =	sor.u32 $0x1C11, s12;
	s11 =	sshrl.u32 s26, $0x1;
	s9 =	smul.u32 $0x2710, s9  }
0xc: {  	[dreg:$0xe] =	wrdreg s12;
	s5 =	sadd.s32 s6, s5;
	s6 =	sadd.s32 $0x10C00, s1  }
0xd: {  	s8 =	ssub.s32 s26, s11;
	s2 =	sadd.s32 s2, s10;
	s10 =	simm.s32 $0x11  }
0xe: {  	s11 =	simm.s32 $0x0;
	s5 =	sshrl.u32 s5, $0x3;
	s13 =	sshrl.u32 s9, $0x3  }
0xf: {  	s14 =	sshrl.u32 s2, $0x3;
	s16 =	sadd.s32 $0xF0, s2;
	s19 =	sadd.s32 $0xA0, s2  }
0x10: {  	s2 =	sadd.s32 $0x50, s2;
	s26 =	smax.u32 s8, $0x1;
	s8 =	simm.s32 $0xC  }
0x11: {  	s1 =	sadd.s32 s5, s1;
	s15 =	sadd.s32 s14, s7;
	[dreg:$0x12] =	wrdreg s26  }
0x12: {  	s5 =	sshrl.u32 s25, $0x2;
	s9 =	sadd.s32 s14, s6;
	[dreg:$0x4] =	wrdreg s15  }
0x13: {  	s17 =	sshrl.u32 s16, $0x3;
	s5 =	sadd.s32 s5, s3;
	[dreg:$0x5] =	wrdreg s9  }
0x14: {  	s21 =	sshrl.u32 s19, $0x3;
	s18 =	sadd.s32 s17, s7;
	[dreg:$0xd] =	wrdreg s5  }
0x15: {  	s2 =	sshrl.u32 s2, $0x3;
	s20 =	sadd.s32 s17, s6;
	[dreg:$0x6] =	wrdreg s18  }
0x16: {  	s26 =	simm.s32 $0x5400;
	s22 =	sadd.s32 s21, s7;
	[dreg:$0x7] =	wrdreg s20  }
0x17: {  	s19 =	simm.s32 $0x300;
	s23 =	sadd.s32 s21, s6;
	[dreg:$0x8] =	wrdreg s22  }
0x18: {  	s25 =	sadd.s32 s2, s7;
	s2 =	sadd.s32 s2, s6;
	[dreg:$0x9] =	wrdreg s23  }
0x19: {  	s1 =	sadd.s32 $0x1D200, s1;
	s17 =	simm.s32 $0x380;
	[dreg:$0xa] =	wrdreg s25  }
0x1a: {  	s21 =	simm.s32 $0x50;
	s9 =	simm.s32 $0x8;
	[dreg:$0x11] =	wrdreg s1  }
0x1b: {  	s5 =	sadd.s32 $0x4D8, s13;
	[dreg:$0xb] =	wrdreg s2;
	s20 =	simm.s32 $0x1  }
0x1c: {  	s23 =	simm.s32 $0x2;
	s25 =	simm.s32 $0x3;
	s1 =	simm.s32 $0xA  }
0x1d: {  	s2 =	simm.s32 $0x6;
	s22 =	simm.s32 $0x380;
	s24 =	sadd.s32 s6, s5  }
0x1e: {  	s5 =	sadd.s32 s7, s5;
	s6 =	simm.s32 $0x7;
	[dreg:$0xf] =	wrdreg s24  }
0x1f: {  	[dreg:$0x10] =	wrdreg s5;
	s24 =	simm.s32 $0x2C00;
	s5 =	simm.s32 $0xB  }
.LBB2_1:
0x20: {  	[dreg:$0x13] =	wrdreg s11  }
0x21: {  	s7 =	rddreg [dreg:$0xd]  }
0x22: {  	s18 =	rddreg [dreg:$0xc];
	s16 =	sshrl.u32 s7, $0x3  }
0x23: {  	[dreg:$0x14] =	wrdreg s16  }
0x24: {  	[spmem:s16], [sflag:s12] =	dma.local [hbm:s18], $0x2800  }
0x25: {  	_ =	swait.ge [sflag:s10], $0x2800  }
0x26: {  	[sflag:s10] =	ssyncset.done $0x0  }
0x27: {  	p0 =	por $0x1, $0x1;
	[sflag:s10] =	ssyncadd.s32 $0xFFFFD800  }
0x28: {  	s7 =	simm.s32 @!p0 $0xD;
	[bflag:$0x0] =	sbarrier.arrive $0xFFFF  }
0x29: {  	_ =	swait.ge @!p0 [sflag:s7], $0x2800  }
0x2a: {  	s12 =	rddreg [dreg:$0x5];
	[sflag:s7] =	ssyncset.done @!p0 $0x0  }
0x2b: {  	s13 =	rddreg [dreg:$0x4];
	[sflag:s7] =	ssyncadd.s32 @!p0 $0xFFFFD800;
	s14 =	sadd.s32 $0x0, s12  }
0x2c: {  	[tilespmem:s4], [sflag:$0x1] =	stream.linear.gather [hbm4b:s14+s4], $0x50, $0x38;
	[tilespmem:$0x1E400] =	vst v63  }
0x2d: {  	s11 =	simm.s32 @!p0 $0xE;
	s10 =	simm.s32 $0x200;
	s15 =	sadd.s32 $0x0, s13  }
0x2e: {  	[tilespmem:s10], [sflag:$0x5] =	stream.linear.gather [hbm4b:s15+s4], $0x50, $0x38;
	[tilespmem:$0x1E400] =	vst v63  }
0x2f: {  	_ =	swait.ge @!p0 [sflag:s11], $0x2800  }
0x30: {  	s13 =	simm.s32 $0x80;
	s16 =	rddreg [dreg:$0xb];
	[sflag:s11] =	ssyncset.done @!p0 $0x0  }
0x31: {  	s18 =	rddreg [dreg:$0xa];
	[sflag:s11] =	ssyncadd.s32 @!p0 $0xFFFFD800;
	s7 =	sadd.s32 $0x0, s16  }
0x32: {  	[tilespmem:s13], [sflag:$0x2] =	stream.linear.gather [hbm4b:s7+s4], $0x50, $0x38;
	[tilespmem:$0x1E400] =	vst v63  }
0x33: {  	s14 =	simm.s32 $0x280;
	s12 =	sadd.s32 $0x0, s18;
	s11 =	simm.s32 @!p0 $0xF  }
0x34: {  	[tilespmem:s14], [sflag:$0x6] =	stream.linear.gather [hbm4b:s12+s4], $0x50, $0x38;
	[tilespmem:$0x1E400] =	vst v63  }
0x35: {  	_ =	swait.ge @!p0 [sflag:s11], $0x2800  }
0x36: {  	s15 =	rddreg [dreg:$0x9]  }
0x37: {  	[sflag:s11] =	ssyncset.done @!p0 $0x0;
	s16 =	rddreg [dreg:$0x8]  }
0x38: {  	[sflag:s11] =	ssyncadd.s32 @!p0 $0xFFFFD800;
	s7 =	sadd.s32 $0x0, s15;
	s15 =	simm.s32 $0x100  }
0x39: {  	[tilespmem:s15], [sflag:$0x3] =	stream.linear.gather [hbm4b:s7+s4], $0x50, $0x38;
	[tilespmem:$0x1E400] =	vst v63  }
0x3a: {  	s18 =	sadd.s32 $0x0, s16;
	s11 =	simm.s32 @!p0 $0x10;
	s16 =	simm.s32 $0x300  }
0x3b: {  	[tilespmem:s16], [sflag:$0x7] =	stream.linear.gather [hbm4b:s18+s4], $0x50, $0x38;
	[tilespmem:$0x1E400] =	vst v63  }
0x3c: {  	_ =	swait.ge @!p0 [sflag:s11], $0x2800  }
0x3d: {  	s12 =	rddreg [dreg:$0x7]  }
0x3e: {  	[sflag:s11] =	ssyncset.done @!p0 $0x0;
	s18 =	rddreg [dreg:$0x6]  }
0x3f: {  	[sflag:s11] =	ssyncadd.s32 @!p0 $0xFFFFD800;
	s7 =	sadd.s32 $0x0, s12;
	s11 =	simm.s32 $0x180  }
0x40: {  	[tilespmem:s11], [sflag:$0x4] =	stream.linear.gather [hbm4b:s7+s4], $0x50, $0x38;
	[tilespmem:$0x1E400] =	vst v63  }
0x41: {  	s12 =	sadd.s32 $0x0, s18  }
0x42: {  	[tilespmem:s17], [sflag:$0x8] =	stream.linear.gather [hbm4b:s12+s4], $0x50, $0x38;
	[tilespmem:$0x1E400] =	vst v63  }
0x43: {  	_ =	swait.ge [sflag:s20], $0x50  }
0x44: {  	[sflag:s20] =	ssyncset.done $0x0  }
0x45: {  	s18 =	simm.s32 $0x400;
	[sflag:s20] =	ssyncadd.s32 $0xFFFFFFB0  }
0x46: {  	[tilespmem:s18], [sflag:$0x9] =	stream.indirect.gather [hbm4b:s0+s21], $0x80, s4, s21, $0xb8;
	[tilespmem:$0x1E400] =	vst v63  }
0x47: {  	_ =	swait.ge [sflag:s23], $0x50  }
0x48: {  	[sflag:s23] =	ssyncset.done $0x0  }
0x49: {  	[sflag:s23] =	ssyncadd.s32 $0xFFFFFFB0  }
0x4a: {  	[tilespmem:s24], [sflag:$0xA] =	stream.indirect.gather [hbm4b:s0+s21], $0x80, s13, s21, $0xb8;
	[tilespmem:$0x1E400] =	vst v63  }
0x4b: {  	_ =	swait.ge [sflag:s25], $0x50  }
0x4c: {  	[sflag:s25] =	ssyncset.done $0x0  }
0x4d: {  	[sflag:s25] =	ssyncadd.s32 $0xFFFFFFB0  }
0x4e: {  	[tilespmem:s26], [sflag:$0xB] =	stream.indirect.gather [hbm4b:s0+s21], $0x80, s15, s21, $0xb8;
	[tilespmem:$0x1E400] =	vst v63  }
0x4f: {  	_ =	swait.ge [sflag:s28], $0x50  }
0x50: {  	[sflag:s28] =	ssyncset.done $0x0  }
0x51: {  	[sflag:s28] =	ssyncadd.s32 $0xFFFFFFB0  }
0x52: {  	[tilespmem:s29], [sflag:$0xC] =	stream.indirect.gather [hbm4b:s0+s21], $0x80, s11, s21, $0xb8;
	[tilespmem:$0x1E400] =	vst v63  }
0x53: {  	_ =	swait.ge [sflag:s30], $0x2800  }
0x54: {  	[sflag:s30] =	ssyncset.done $0x0  }
0x55: {  	[sflag:s30] =	ssyncadd.s32 $0xFFFFD800  }
0x56: {  	_ =	swait.ge [sflag:s31], $0x50  }
0x57: {  	[sflag:s31] =	ssyncset.done $0x0  }
0x58: {  	[sflag:s31] =	ssyncadd.s32 $0xFFFFFFB0  }
0x59: {  	[spmem:s3] =	stream.indirect.scatter.add.f32 [tilespmem:s18], [sflag:$0xD], $0x80, s10, s21, $0xb8;
	[tilespmem:$0x1E400] =	vst v63  }
0x5a: {  	_ =	swait.ge [sflag:s1], $0x2800  }
0x5b: {  	[sflag:s1] =	ssyncset.done $0x0  }
0x5c: {  	[sflag:s1] =	ssyncadd.s32 $0xFFFFD800  }
0x5d: {  	_ =	swait.ge [sflag:s2], $0x50  }
0x5e: {  	[sflag:s2] =	ssyncset.done $0x0  }
0x5f: {  	[sflag:s2] =	ssyncadd.s32 $0xFFFFFFB0  }
0x60: {  	[spmem:s3] =	stream.indirect.scatter.add.f32 [tilespmem:s24], [sflag:$0xE], $0x80, s14, s21, $0xb8;
	[tilespmem:$0x1E400] =	vst v63  }
0x61: {  	_ =	swait.ge [sflag:s5], $0x2800  }
0x62: {  	[sflag:s5] =	ssyncset.done $0x0  }
0x63: {  	[sflag:s5] =	ssyncadd.s32 $0xFFFFD800  }
0x64: {  	_ =	swait.ge [sflag:s6], $0x50  }
0x65: {  	[sflag:s6] =	ssyncset.done $0x0  }
0x66: {  	[sflag:s6] =	ssyncadd.s32 $0xFFFFFFB0  }
0x67: {  	[spmem:s3] =	stream.indirect.scatter.add.f32 [tilespmem:s26], [sflag:$0xF], $0x80, s16, s21, $0xb8;
	[tilespmem:$0x1E400] =	vst v63  }
0x68: {  	_ =	swait.ge [sflag:s8], $0x2800  }
0x69: {  	[sflag:s8] =	ssyncset.done $0x0  }
0x6a: {  	[sflag:s8] =	ssyncadd.s32 $0xFFFFD800  }
0x6b: {  	p1 =	por $0x0, $0x0;
	_ =	swait.ge [sflag:s9], $0x50  }
0x6c: {  	s7 =	simm.s32 $0x28;
	s11 =	simm.s32 $0x50;
	[sflag:s9] =	ssyncset.done $0x0  }
.LBB2_2:
0x6d: {  	s10 =	simm.s32 @!p1 $0xD;
	[sflag:s9] =	ssyncadd.s32 $0xFFFFFFB0  }
0x6e: {  	[spmem:s3] =	stream.indirect.scatter.add.f32 [tilespmem:s29], [sflag:$0x10], $0x80, s22, s21, $0xb8;
	[tilespmem:$0x1E400] =	vst v63  }
0x6f: {  	_ =	swait.ge @!p1 [sflag:s10], $0x2800  }
0x70: {  	[sflag:s10] =	ssyncset.done @!p1 $0x0;
	s13 =	rddreg [dreg:$0x5]  }
0x71: {  	s17 =	rddreg [dreg:$0x4];
	[sflag:s10] =	ssyncadd.s32 @!p1 $0xFFFFD800;
	s13 =	sadd.s32 s7, s13  }
0x72: {  	[tilespmem:s4], [sflag:$0x1] =	stream.linear.gather [hbm4b:s13+s4], $0x50, $0x38;
	[tilespmem:$0x1E400] =	vst v63  }
0x73: {  	s15 =	simm.s32 $0x200;
	s10 =	sadd.s32 s7, s17;
	s13 =	simm.s32 @!p1 $0xE  }
0x74: {  	[tilespmem:s15], [sflag:$0x5] =	stream.linear.gather [hbm4b:s10+s4], $0x50, $0x38;
	[tilespmem:$0x1E400] =	vst v63  }
0x75: {  	_ =	swait.ge @!p1 [sflag:s13], $0x2800  }
0x76: {  	s16 =	simm.s32 $0x80;
	s18 =	rddreg [dreg:$0xb];
	[sflag:s13] =	ssyncset.done @!p1 $0x0  }
0x77: {  	s14 =	rddreg [dreg:$0xa];
	[sflag:s13] =	ssyncadd.s32 @!p1 $0xFFFFD800;
	s10 =	sadd.s32 s7, s18  }
0x78: {  	[tilespmem:s16], [sflag:$0x2] =	stream.linear.gather [hbm4b:s10+s4], $0x50, $0x38;
	[tilespmem:$0x1E400] =	vst v63  }
0x79: {  	s17 =	simm.s32 $0x280;
	s14 =	sadd.s32 s7, s14;
	s13 =	simm.s32 @!p1 $0xF  }
0x7a: {  	[tilespmem:s17], [sflag:$0x6] =	stream.linear.gather [hbm4b:s14+s4], $0x50, $0x38;
	[tilespmem:$0x1E400] =	vst v63  }
0x7b: {  	_ =	swait.ge @!p1 [sflag:s13], $0x2800  }
0x7c: {  	s18 =	rddreg [dreg:$0x9]  }
0x7d: {  	[sflag:s13] =	ssyncset.done @!p1 $0x0;
	s14 =	rddreg [dreg:$0x8]  }
0x7e: {  	[sflag:s13] =	ssyncadd.s32 @!p1 $0xFFFFD800;
	s10 =	sadd.s32 s7, s18;
	s18 =	simm.s32 $0x100  }
0x7f: {  	[tilespmem:s18], [sflag:$0x3] =	stream.linear.gather [hbm4b:s10+s4], $0x50, $0x38;
	[tilespmem:$0x1E400] =	vst v63  }
0x80: {  	s14 =	sadd.s32 s7, s14;
	s13 =	simm.s32 @!p1 $0x10  }
0x81: {  	[tilespmem:s19], [sflag:$0x7] =	stream.linear.gather [hbm4b:s14+s4], $0x50, $0x38;
	[tilespmem:$0x1E400] =	vst v63  }
0x82: {  	_ =	swait.ge @!p1 [sflag:s13], $0x2800  }
0x83: {  	s10 =	rddreg [dreg:$0x7]  }
0x84: {  	[sflag:s13] =	ssyncset.done @!p1 $0x0;
	s14 =	rddreg [dreg:$0x6]  }
0x85: {  	[sflag:s13] =	ssyncadd.s32 @!p1 $0xFFFFD800;
	s10 =	sadd.s32 s7, s10;
	s13 =	simm.s32 $0x180  }
0x86: {  	[tilespmem:s13], [sflag:$0x4] =	stream.linear.gather [hbm4b:s10+s4], $0x50, $0x38;
	[tilespmem:$0x1E400] =	vst v63  }
0x87: {  	s14 =	sadd.s32 s7, s14  }
0x88: {  	[tilespmem:s22], [sflag:$0x8] =	stream.linear.gather [hbm4b:s14+s4], $0x50, $0x38;
	[tilespmem:$0x1E400] =	vst v63  }
0x89: {  	_ =	swait.ge [sflag:s20], $0x50  }
0x8a: {  	[sflag:s20] =	ssyncset.done $0x0  }
0x8b: {  	s14 =	simm.s32 $0x400;
	[sflag:s20] =	ssyncadd.s32 $0xFFFFFFB0  }
0x8c: {  	[tilespmem:s14], [sflag:$0x9] =	stream.indirect.gather [hbm4b:s0+s21], $0x80, s4, s21, $0xb8;
	[tilespmem:$0x1E400] =	vst v63  }
0x8d: {  	_ =	swait.ge [sflag:s23], $0x50  }
0x8e: {  	[sflag:s23] =	ssyncset.done $0x0  }
0x8f: {  	[sflag:s23] =	ssyncadd.s32 $0xFFFFFFB0  }
0x90: {  	[tilespmem:s24], [sflag:$0xA] =	stream.indirect.gather [hbm4b:s0+s21], $0x80, s16, s21, $0xb8;
	[tilespmem:$0x1E400] =	vst v63  }
0x91: {  	_ =	swait.ge [sflag:s25], $0x50  }
0x92: {  	[sflag:s25] =	ssyncset.done $0x0  }
0x93: {  	[sflag:s25] =	ssyncadd.s32 $0xFFFFFFB0  }
0x94: {  	[tilespmem:s26], [sflag:$0xB] =	stream.indirect.gather [hbm4b:s0+s21], $0x80, s18, s21, $0xb8;
	[tilespmem:$0x1E400] =	vst v63  }
0x95: {  	_ =	swait.ge [sflag:s28], $0x50  }
0x96: {  	[sflag:s28] =	ssyncset.done $0x0  }
0x97: {  	[sflag:s28] =	ssyncadd.s32 $0xFFFFFFB0  }
0x98: {  	[tilespmem:s29], [sflag:$0xC] =	stream.indirect.gather [hbm4b:s0+s21], $0x80, s13, s21, $0xb8;
	[tilespmem:$0x1E400] =	vst v63  }
0x99: {  	_ =	swait.ge [sflag:s30], $0x2800  }
0x9a: {  	[sflag:s30] =	ssyncset.done $0x0  }
0x9b: {  	[sflag:s30] =	ssyncadd.s32 $0xFFFFD800  }
0x9c: {  	_ =	swait.ge [sflag:s31], $0x50  }
0x9d: {  	[sflag:s31] =	ssyncset.done $0x0  }
0x9e: {  	[sflag:s31] =	ssyncadd.s32 $0xFFFFFFB0  }
0x9f: {  	[spmem:s3] =	stream.indirect.scatter.add.f32 [tilespmem:s14], [sflag:$0xD], $0x80, s15, s21, $0xb8;
	[tilespmem:$0x1E400] =	vst v63  }
0xa0: {  	_ =	swait.ge [sflag:s1], $0x2800  }
0xa1: {  	[sflag:s1] =	ssyncset.done $0x0  }
0xa2: {  	[sflag:s1] =	ssyncadd.s32 $0xFFFFD800  }
0xa3: {  	_ =	swait.ge [sflag:s2], $0x50  }
0xa4: {  	[sflag:s2] =	ssyncset.done $0x0  }
0xa5: {  	[sflag:s2] =	ssyncadd.s32 $0xFFFFFFB0  }
0xa6: {  	[spmem:s3] =	stream.indirect.scatter.add.f32 [tilespmem:s24], [sflag:$0xE], $0x80, s17, s21, $0xb8;
	[tilespmem:$0x1E400] =	vst v63  }
0xa7: {  	_ =	swait.ge [sflag:s5], $0x2800  }
0xa8: {  	[sflag:s5] =	ssyncset.done $0x0  }
0xa9: {  	[sflag:s5] =	ssyncadd.s32 $0xFFFFD800  }
0xaa: {  	_ =	swait.ge [sflag:s6], $0x50  }
0xab: {  	s12 =	smov.u32 s11;
	s11 =	sadd.s32 $0x28, s11;
	[sflag:s6] =	ssyncset.done $0x0  }
0xac: {  	p0 =	sne.s32 s11, $0x4D8;
	[sflag:s6] =	ssyncadd.s32 $0xFFFFFFB0  }
0xad: {  	[spmem:s3] =	stream.indirect.scatter.add.f32 [tilespmem:s26], [sflag:$0xF], $0x80, s19, s21, $0xb8;
	[tilespmem:$0x1E400] =	vst v63  }
.Ltmp0:
0xae: {  	_ =	swait.ge [sflag:s8], $0x2800;
	(pc) =	sbr.rel @p0 .LBB2_2-.Ltmp0, $4  }
0xaf: {  	[sflag:s8] =	ssyncset.done $0x0  }
0xb0: {  	[sflag:s8] =	ssyncadd.s32 $0xFFFFD800  }
0xb1: {  	s7 =	smov.u32 s12;
	_ =	swait.ge [sflag:s9], $0x50  }
0xb2: {  	p1 =	seq.s32 s7, $0x0;
	[sflag:s9] =	ssyncset.done $0x0  }
0xb3: {  	s10 =	simm.s32 @!p1 $0xD;
	[sflag:s9] =	ssyncadd.s32 $0xFFFFFFB0;
	s18 =	simm.s32 $0x380  }
0xb4: {  	[spmem:s3] =	stream.indirect.scatter.add.f32 [tilespmem:s29], [sflag:$0x10], $0x80, s18, s21, $0xb8;
	[tilespmem:$0x1E400] =	vst v63  }
0xb5: {  	_ =	swait.ge @!p1 [sflag:s10], $0x2800  }
0xb6: {  	s11 =	rddreg [dreg:$0x5];
	[sflag:s10] =	ssyncset.done @!p1 $0x0  }
0xb7: {  	s12 =	rddreg [dreg:$0x4];
	[sflag:s10] =	ssyncadd.s32 @!p1 $0xFFFFD800;
	s14 =	sadd.s32 s7, s11  }
0xb8: {  	[tilespmem:s4], [sflag:$0x1] =	stream.linear.gather [hbm4b:s14+s4], $0x50, $0x38;
	[tilespmem:$0x1E400] =	vst v63  }
0xb9: {  	s13 =	simm.s32 $0x200;
	s15 =	sadd.s32 s7, s12;
	s11 =	simm.s32 @!p1 $0xE  }
0xba: {  	[tilespmem:s13], [sflag:$0x5] =	stream.linear.gather [hbm4b:s15+s4], $0x50, $0x38;
	[tilespmem:$0x1E400] =	vst v63  }
0xbb: {  	_ =	swait.ge @!p1 [sflag:s11], $0x2800  }
0xbc: {  	s14 =	simm.s32 $0x80;
	s16 =	rddreg [dreg:$0xb];
	[sflag:s11] =	ssyncset.done @!p1 $0x0  }
0xbd: {  	s17 =	rddreg [dreg:$0xa];
	[sflag:s11] =	ssyncadd.s32 @!p1 $0xFFFFD800;
	s10 =	sadd.s32 s7, s16  }
0xbe: {  	[tilespmem:s14], [sflag:$0x2] =	stream.linear.gather [hbm4b:s10+s4], $0x50, $0x38;
	[tilespmem:$0x1E400] =	vst v63  }
0xbf: {  	s15 =	simm.s32 $0x280;
	s12 =	sadd.s32 s7, s17;
	s11 =	simm.s32 @!p1 $0xF  }
0xc0: {  	[tilespmem:s15], [sflag:$0x6] =	stream.linear.gather [hbm4b:s12+s4], $0x50, $0x38;
	[tilespmem:$0x1E400] =	vst v63  }
0xc1: {  	_ =	swait.ge @!p1 [sflag:s11], $0x2800  }
0xc2: {  	s16 =	rddreg [dreg:$0x9]  }
0xc3: {  	[sflag:s11] =	ssyncset.done @!p1 $0x0;
	s17 =	rddreg [dreg:$0x8]  }
0xc4: {  	[sflag:s11] =	ssyncadd.s32 @!p1 $0xFFFFD800;
	s10 =	sadd.s32 s7, s16;
	s16 =	simm.s32 $0x100  }
0xc5: {  	[tilespmem:s16], [sflag:$0x3] =	stream.linear.gather [hbm4b:s10+s4], $0x50, $0x38;
	[tilespmem:$0x1E400] =	vst v63  }
0xc6: {  	s12 =	sadd.s32 s7, s17;
	s11 =	simm.s32 @!p1 $0x10;
	s17 =	simm.s32 $0x300  }
0xc7: {  	[tilespmem:s17], [sflag:$0x7] =	stream.linear.gather [hbm4b:s12+s4], $0x50, $0x38;
	[tilespmem:$0x1E400] =	vst v63  }
0xc8: {  	_ =	swait.ge @!p1 [sflag:s11], $0x2800  }
0xc9: {  	s10 =	rddreg [dreg:$0x7]  }
0xca: {  	[sflag:s11] =	ssyncset.done @!p1 $0x0;
	s12 =	rddreg [dreg:$0x6]  }
0xcb: {  	[sflag:s11] =	ssyncadd.s32 @!p1 $0xFFFFD800;
	s10 =	sadd.s32 s7, s10;
	s11 =	simm.s32 $0x180  }
0xcc: {  	[tilespmem:s11], [sflag:$0x4] =	stream.linear.gather [hbm4b:s10+s4], $0x50, $0x38;
	[tilespmem:$0x1E400] =	vst v63  }
0xcd: {  	s12 =	sadd.s32 s7, s12  }
0xce: {  	[tilespmem:s18], [sflag:$0x8] =	stream.linear.gather [hbm4b:s12+s4], $0x50, $0x38;
	[tilespmem:$0x1E400] =	vst v63  }
0xcf: {  	_ =	swait.ge [sflag:s20], $0x50  }
0xd0: {  	[sflag:s20] =	ssyncset.done $0x0  }
0xd1: {  	s12 =	simm.s32 $0x400;
	[sflag:s20] =	ssyncadd.s32 $0xFFFFFFB0  }
0xd2: {  	[tilespmem:s12], [sflag:$0x9] =	stream.indirect.gather [hbm4b:s0+s21], $0x80, s4, s21, $0xb8;
	[tilespmem:$0x1E400] =	vst v63  }
0xd3: {  	_ =	swait.ge [sflag:s23], $0x50  }
0xd4: {  	[sflag:s23] =	ssyncset.done $0x0  }
0xd5: {  	[sflag:s23] =	ssyncadd.s32 $0xFFFFFFB0  }
0xd6: {  	[tilespmem:s24], [sflag:$0xA] =	stream.indirect.gather [hbm4b:s0+s21], $0x80, s14, s21, $0xb8;
	[tilespmem:$0x1E400] =	vst v63  }
0xd7: {  	_ =	swait.ge [sflag:s25], $0x50  }
0xd8: {  	[sflag:s25] =	ssyncset.done $0x0  }
0xd9: {  	[sflag:s25] =	ssyncadd.s32 $0xFFFFFFB0  }
0xda: {  	[tilespmem:s26], [sflag:$0xB] =	stream.indirect.gather [hbm4b:s0+s21], $0x80, s16, s21, $0xb8;
	[tilespmem:$0x1E400] =	vst v63  }
0xdb: {  	_ =	swait.ge [sflag:s28], $0x50  }
0xdc: {  	[sflag:s28] =	ssyncset.done $0x0  }
0xdd: {  	[sflag:s28] =	ssyncadd.s32 $0xFFFFFFB0  }
0xde: {  	[tilespmem:s29], [sflag:$0xC] =	stream.indirect.gather [hbm4b:s0+s21], $0x80, s11, s21, $0xb8;
	[tilespmem:$0x1E400] =	vst v63  }
0xdf: {  	_ =	swait.ge [sflag:s30], $0x2800  }
0xe0: {  	[sflag:s30] =	ssyncset.done $0x0  }
0xe1: {  	[sflag:s30] =	ssyncadd.s32 $0xFFFFD800  }
0xe2: {  	_ =	swait.ge [sflag:s31], $0x50  }
0xe3: {  	[sflag:s31] =	ssyncset.done $0x0  }
0xe4: {  	[sflag:s31] =	ssyncadd.s32 $0xFFFFFFB0  }
0xe5: {  	[spmem:s3] =	stream.indirect.scatter.add.f32 [tilespmem:s12], [sflag:$0xD], $0x80, s13, s21, $0xb8;
	[tilespmem:$0x1E400] =	vst v63  }
0xe6: {  	_ =	swait.ge [sflag:s1], $0x2800  }
0xe7: {  	[sflag:s1] =	ssyncset.done $0x0  }
0xe8: {  	[sflag:s1] =	ssyncadd.s32 $0xFFFFD800  }
0xe9: {  	_ =	swait.ge [sflag:s2], $0x50  }
0xea: {  	[sflag:s2] =	ssyncset.done $0x0  }
0xeb: {  	[sflag:s2] =	ssyncadd.s32 $0xFFFFFFB0  }
0xec: {  	[spmem:s3] =	stream.indirect.scatter.add.f32 [tilespmem:s24], [sflag:$0xE], $0x80, s15, s21, $0xb8;
	[tilespmem:$0x1E400] =	vst v63  }
0xed: {  	_ =	swait.ge [sflag:s5], $0x2800  }
0xee: {  	[sflag:s5] =	ssyncset.done $0x0  }
0xef: {  	[sflag:s5] =	ssyncadd.s32 $0xFFFFD800  }
0xf0: {  	_ =	swait.ge [sflag:s6], $0x50  }
0xf1: {  	[sflag:s6] =	ssyncset.done $0x0  }
0xf2: {  	[sflag:s6] =	ssyncadd.s32 $0xFFFFFFB0  }
0xf3: {  	[spmem:s3] =	stream.indirect.scatter.add.f32 [tilespmem:s26], [sflag:$0xF], $0x80, s17, s21, $0xb8;
	[tilespmem:$0x1E400] =	vst v63  }
0xf4: {  	_ =	swait.ge [sflag:s8], $0x2800  }
0xf5: {  	[sflag:s8] =	ssyncset.done $0x0  }
0xf6: {  	[sflag:s8] =	ssyncadd.s32 $0xFFFFD800  }
0xf7: {  	_ =	swait.ge [sflag:s9], $0x50  }
0xf8: {  	[sflag:s9] =	ssyncset.done $0x0  }
0xf9: {  	s14 =	simm.s32 $0xD;
	[sflag:s9] =	ssyncadd.s32 $0xFFFFFFB0  }
0xfa: {  	[spmem:s3] =	stream.indirect.scatter.add.f32 [tilespmem:s29], [sflag:$0x10], $0x80, s18, s21, $0xb8;
	[tilespmem:$0x1E400] =	vst v63  }
0xfb: {  	_ =	swait.ge [sflag:s14], $0x2800  }
0xfc: {  	[sflag:s14] =	ssyncset.done $0x0  }
0xfd: {  	s15 =	simm.s32 $0xE;
	[sflag:s14] =	ssyncadd.s32 $0xFFFFD800  }
0xfe: {  	_ =	swait.ge [sflag:s15], $0x2800  }
0xff: {  	[sflag:s15] =	ssyncset.done $0x0  }
0x100: {  	s16 =	simm.s32 $0xF;
	[sflag:s15] =	ssyncadd.s32 $0xFFFFD800  }
0x101: {  	_ =	swait.ge [sflag:s16], $0x2800  }
0x102: {  	[sflag:s16] =	ssyncset.done $0x0  }
0x103: {  	s18 =	simm.s32 $0x10;
	[sflag:s16] =	ssyncadd.s32 $0xFFFFD800  }
0x104: {  	_ =	swait.ge [sflag:s18], $0x2800  }
0x105: {  	[sflag:s18] =	ssyncset.done $0x0  }
0x106: {  	s10 =	rddreg [dreg:$0xf];
	[sflag:s18] =	ssyncadd.s32 $0xFFFFD800  }
0x107: {  	[tilespmem:s4], [sflag:$0x11] =	stream.linear.gather [hbm4b:s10+s4], $0x50, $0x38;
	[tilespmem:$0x1E400] =	vst v63  }
0x108: {  	s10 =	simm.s32 $0x11  }
0x109: {  	_ =	swait.ge [sflag:s10], $0x50  }
0x10a: {  	[sflag:s10] =	ssyncset.done $0x0  }
0x10b: {  	s11 =	rddreg [dreg:$0x10];
	[sflag:s10] =	ssyncadd.s32 $0xFFFFFFB0  }
0x10c: {  	[tilespmem:s13], [sflag:$0x11] =	stream.linear.gather [hbm4b:s11+s4], $0x50, $0x38;
	[tilespmem:$0x1E400] =	vst v63  }
0x10d: {  	_ =	swait.ge [sflag:s10], $0x50  }
0x10e: {  	[sflag:s10] =	ssyncset.done $0x0  }
0x10f: {  	[sflag:s10] =	ssyncadd.s32 $0xFFFFFFB0  }
0x110: {  	[tilespmem:s12], [sflag:$0x9] =	stream.indirect.gather [hbm4b:s0+s21], $0x80, s4, s21, $0xb8;
	[tilespmem:$0x1E400] =	vst v63  }
0x111: {  	_ =	swait.ge [sflag:s30], $0x2800  }
0x112: {  	[sflag:s30] =	ssyncset.done $0x0  }
0x113: {  	[sflag:s30] =	ssyncadd.s32 $0xFFFFD800  }
0x114: {  	[spmem:s3] =	stream.indirect.scatter.add.f32 [tilespmem:s12], [sflag:$0x11], $0x80, s13, s21, $0xb8;
	[tilespmem:$0x1E400] =	vst v63  }
0x115: {  	_ =	swait.ge [sflag:s10], $0x2800  }
0x116: {  	[sflag:s10] =	ssyncset.done $0x0  }
0x117: {  	[sflag:s10] =	ssyncadd.s32 $0xFFFFD800  }
0x118: {  	[bflag:$0x0] =	sbarrier.arrive $0xFFFF  }
0x119: {  	s12 =	rddreg [dreg:$0xe]  }
0x11a: {  	s14 =	rddreg [dreg:$0x11]  }
0x11b: {  	s15 =	rddreg [dreg:$0x14]  }
0x11c: {  	[hbm:s14], [sflag:s12] =	dma.local [spmem:s15], $0x2800  }
0x11d: {  	_ =	swait.ge [sflag:s10], $0x2800  }
0x11e: {  	s16 =	rddreg [dreg:$0x13]  }
0x11f: {  	s18 =	rddreg [dreg:$0x12];
	s11 =	sadd.s32 $0x1, s16  }
0x120: {  	p0 =	sne.s32 s11, s18  }
.Ltmp1:
0x121: {  	_ = 	snop;
	(pc) =	sbr.rel @p0 .LBB2_1-.Ltmp1, $3  }
0x122: {  	_ =	sdelay $0x1  }
0x123: {  	[sflag:s10] =	ssyncset.done $0x0  }
0x124: {  	s17 =	simm.s32 $0x380;
	[sflag:s10] =	ssyncadd.s32 $0xFFFFD800  }
0x125: {  	_ =	sfence.sel $0x180000  }
0x126: {  	[bflag:$0x0] =	sbarrier.arrive $0xFFFF  }
0x127: {  	_ =	strace $0x90000047  }
0x128: {  	s0 =	stileid.u32;
	[bflag:$0x2] =	sbarrier.arrive $0xFFFF  }
0x129: {  	p0 =	sne.s32 s0, $0x0;
	s0 =	rddreg [dreg:$0x3]  }
0x12a: {  	s0 =	sadd.s32 @!p0 $0x100000, s0  }
0x12b: {  	[sflag:s0] =	ssyncadd.tile.s32 @!p0 $0x1;
	_ =	shalt  }
.Lfunc_end2:
_tile_overlayer_lowered:
.L_overlay_start_2:
0x12c: {  	(tag) =	ssettag $0x2  }
0x12d: {  	s0 =	rddreg [dreg:$0x0];
	s2 =	stileid.u32  }
0x12e: {  	s1 =	rddreg [dreg:$0x1];
	p0 =	sne.s32 s2, $0x0  }
0x12f: {  	s3 =	rddreg [dreg:$0x2];
	[bflag:$0x3] =	sbarrier.arrive $0xFFFF;
	s2 =	simm.s32 @!p0 $0x1C11  }
0x130: {  	[timem:s3], [sflag:s2] =	dma.local @!p0 [hbm:s0], s1  }
0x131: {  	s0 =	simm.s32 @!p0 $0x11  }
0x132: {  	_ =	swait.ge @!p0 [sflag:s0], s1  }
0x133: {  	s1 =	ssub.s32 @!p0 $0x0, s1;
	[sflag:s0] =	ssyncset.done @!p0 $0x0  }
0x134: {  	[sflag:s0] =	ssyncadd.s32 @!p0 s1  }
0x135: {  	[bflag:$0x3] =	sbarrier.arrive $0xFFFF  }
0x136: {  	_ =	shalt  }

// kernel: kernel.13.cloned.1.call-start
scs
__scs_entry_jumppad:
0x0: {  	(pc) =	sbr.rel $0x88, $3  }
0x1: {  	(tag) =	ssettag $0x0;
	lr =	simm.s32 $0x1  }
0x2: {  	[smem:$0x3F7B] =	sst lr;
	_ =	strace $0xD0000000  }
0x3: {  	_ = 	snop  }
0x4: {  	_ = 	snop  }
0x5: {  	_ = 	snop  }
0x6: {  	_ = 	snop  }
0x7: {  	_ = 	snop  }
__scs_overlays_trampoline_lowered:
0x8: {  	[smem:$0x3F8A] =	sst s0  }
0x9: {  	[smem:$0x3F8B] =	sst s1  }
0xa: {  	[smem:$0x3F8C] =	sst s2  }
0xb: {  	[smem:$0x3F8D] =	sst s3  }
0xc: {  	[smem:$0x3F8E] =	sst s4  }
0xd: {  	[smem:$0x3F8F] =	sst s5  }
0xe: {  	[smem:$0x3F90] =	sst s6  }
0xf: {  	[smem:$0x3F91] =	sst s7  }
0x10: {  	[smem:$0x3F92] =	sst s8  }
0x11: {  	[smem:$0x3F93] =	sst s9;
	s0 =	simm.s32 @!p0 $0x0  }
0x12: {  	s1 =	sld [smem:$0x3F79];
	s0 =	simm.s32 @p0 $0x1  }
0x13: {  	[smem:$0x3F94] =	sst s0;
	s0 =	simm.s32 @!p1 $0x0  }
0x14: {  	s2 =	sld [smem:$0x3F78];
	s0 =	simm.s32 @p1 $0x1  }
0x15: {  	[smem:$0x3F95] =	sst s0;
	s0 =	simm.s32 @!p2 $0x0  }
0x16: {  	s3 =	sld [smem:$0x3FDB];
	s0 =	simm.s32 @p2 $0x1  }
0x17: {  	s4 =	simm.s32 $0x1BF5;
	[smem:$0x3F97] =	sst s0  }
0x18: {  	s0 =	sld [smem:$0x3F7A];
	_ =	swait.ge [sflag:s4], $0x0  }
0x19: {  	s7 =	sld [smem:$0x3F7B]  }
0x1a: {  	s8 =	sadd.s32 $0xFFFFE003, lr  }
0x1b: {  	s9 =	sadd.s32 $0xFFFFFEF7, lr;
	s5 =	simm.s32 $0xFFFFFFFF;
	p2 =	slt.u32 s8, $0xFFFFF086  }
0x1c: {  	p1 =	slt.u32 s9, $0xF7A;
	s5 =	simm.s32 @!p2 $0x0  }
0x1d: {  	s5 =	simm.s32 @p1 $0x1;
	p0 =	seq.s32 s7, s2  }
0x1e: {  	s7 =	smul.u32 @!p0 $0xF7A, s2;
	p2 =	seq.s32 @!p0 s5, $0x0  }
0x1f: {  	s9 =	smul.u32 $0xF7A, s1;
	s8 =	simm.s32 @!p0 $0x1BF5;
	p2 =	por !p2, p0  }
0x20: {  	[sflag:s8] =	ssyncset.s32 @!p0 $0xFFFFF086;
	s6 =	sadd.s32 @!p0 s3, s7;
	s7 =	simm.s32 @!p0 $0x108  }
0x21: {  	s3 =	sadd.s32 s3, s9;
	s6 =	sadd.s32 @!p0 $0x88, s6;
	s7 =	simm.s32 @p2 $0x1082  }
0x22: {  	[simem:s7], [sflag:s8] =	dma.local @!p0 [hbm:s6], $0xF7A  }
0x23: {  	s9 =	sor.u32 $0xD0000000, s2;
	s6 =	simm.s32 $0x108;
	_ =	swait.ge @!p0 [sflag:s8], $0x0  }
0x24: {  	s3 =	sadd.s32 $0x88, s3;
	s6 =	simm.s32 @!p1 $0x1082;
	[sflag:s4] =	ssyncset.s32 $0xFFFFF086  }
0x25: {  	[simem:s6], [sflag:s4] =	dma.local [hbm:s3], $0xF7A  }
0x26: {  	[smem:$0x3F7B] =	sst s1;
	(tag) =	ssettag s2;
	_ =	strace s9  }
0x27: {  	s1 =	sld [smem:$0x3F8B]  }
0x28: {  	s2 =	sld [smem:$0x3F8C]  }
0x29: {  	s4 =	sld [smem:$0x3F8E]  }
0x2a: {  	p0 =	seq.s32 s5, $0x0;
	s5 =	sld [smem:$0x3F8F]  }
0x2b: {  	s6 =	sld [smem:$0x3F90]  }
0x2c: {  	s7 =	sld [smem:$0x3F91]  }
0x2d: {  	s3 =	simm.s32 $0x108;
	s8 =	sld [smem:$0x3F92]  }
0x2e: {  	s3 =	simm.s32 @!p0 $0x1082;
	s9 =	sld [smem:$0x3F93]  }
0x2f: {  	lr =	sadd.s32 s0, s3;
	s0 =	sld [smem:$0x3F8A]  }
0x30: {  	s3 =	sld [smem:$0x3F8D]  }
0x31: {  	[smem:$0x3F96] =	sst s10  }
0x32: {  	s10 =	sld [smem:$0x3F94];
	_ =	sdelay $0x3  }
0x33: {  	p0 =	seq.s32 s10, $0x1;
	s10 =	sld [smem:$0x3F96];
	_ =	sdelay $0x3  }
0x34: {  	[smem:$0x3F96] =	sst s10  }
0x35: {  	s10 =	sld [smem:$0x3F95];
	_ =	sdelay $0x3  }
0x36: {  	p1 =	seq.s32 s10, $0x1;
	s10 =	sld [smem:$0x3F96];
	_ =	sdelay $0x3  }
0x37: {  	[smem:$0x3F96] =	sst s10  }
0x38: {  	s10 =	sld [smem:$0x3F97]  }
0x39: {  	_ = 	snop;
	(pc) =	sbr.ind lr, $3  }
0x3a: {  	_ = 	snop  }
0x3b: {  	_ = 	snop  }
0x3c: {  	p2 =	seq.s32 s10, $0x1;
	s10 =	sld [smem:$0x3F96]  }
0x3d: {  	_ =	shalt  }
0x3e: {  	_ =	shalt  }
0x3f: {  	_ =	shalt  }
0x40: {  	_ =	shalt  }
0x41: {  	_ =	shalt  }
0x42: {  	_ =	shalt  }
0x43: {  	_ =	shalt  }
0x44: {  	_ =	shalt  }
0x45: {  	_ =	shalt  }
0x46: {  	_ =	shalt  }
0x47: {  	_ =	shalt  }
0x48: {  	_ =	shalt  }
0x49: {  	_ =	shalt  }
0x4a: {  	_ =	shalt  }
0x4b: {  	_ =	shalt  }
0x4c: {  	_ =	shalt  }
0x4d: {  	_ =	shalt  }
0x4e: {  	_ =	shalt  }
0x4f: {  	_ =	shalt  }
0x50: {  	_ =	shalt  }
0x51: {  	_ =	shalt  }
0x52: {  	_ =	shalt  }
0x53: {  	_ =	shalt  }
0x54: {  	_ =	shalt  }
0x55: {  	_ =	shalt  }
0x56: {  	_ =	shalt  }
0x57: {  	_ =	shalt  }
0x58: {  	_ =	shalt  }
0x59: {  	_ =	shalt  }
0x5a: {  	_ =	shalt  }
0x5b: {  	_ =	shalt  }
0x5c: {  	_ =	shalt  }
0x5d: {  	_ =	shalt  }
0x5e: {  	_ =	shalt  }
0x5f: {  	_ =	shalt  }
0x60: {  	_ =	shalt  }
0x61: {  	_ =	shalt  }
0x62: {  	_ =	shalt  }
0x63: {  	_ =	shalt  }
0x64: {  	_ =	shalt  }
0x65: {  	_ =	shalt  }
0x66: {  	_ =	shalt  }
0x67: {  	_ =	shalt  }
0x68: {  	_ =	shalt  }
0x69: {  	_ =	shalt  }
0x6a: {  	_ =	shalt  }
0x6b: {  	_ =	shalt  }
0x6c: {  	_ =	shalt  }
0x6d: {  	_ =	shalt  }
0x6e: {  	_ =	shalt  }
0x6f: {  	_ =	shalt  }
0x70: {  	_ =	shalt  }
0x71: {  	_ =	shalt  }
0x72: {  	_ =	shalt  }
0x73: {  	_ =	shalt  }
0x74: {  	_ =	shalt  }
0x75: {  	_ =	shalt  }
0x76: {  	_ =	shalt  }
0x77: {  	_ =	shalt  }
0x78: {  	_ =	shalt  }
0x79: {  	_ =	shalt  }
0x7a: {  	_ =	shalt  }
0x7b: {  	_ =	shalt  }
0x7c: {  	_ =	shalt  }
0x7d: {  	_ =	shalt  }
0x7e: {  	_ =	shalt  }
0x7f: {  	_ =	shalt  }
0x80: {  	_ =	shalt  }
0x81: {  	_ =	shalt  }
0x82: {  	_ =	shalt  }
0x83: {  	_ =	shalt  }
0x84: {  	_ =	shalt  }
0x85: {  	_ =	shalt  }
0x86: {  	_ =	shalt  }
0x87: {  	_ =	shalt  }
.Lfunc_end0:
.L_simem_size_0:
called_computation.1_lowered:
.L_overlay_start_0:
0x88: {  	s2 =	sld [smem:$0x3FD9]  }
0x89: {  	s3 =	sld [smem:$0x3FFE];
	_ =	sdelay $0x1  }
0x8a: {  	s1 =	srdreg.scid  }
0x8b: {  	s0 =	sand.u32 $0x1, s1  }
0x8c: {  	s16 =	sshll.u32 s0, $0xA;
	s2 =	sadd.s32 s3, s2  }
0x8d: {  	s2 =	sadd.s32 s2, s16  }
0x8e: {  	[smem:$0x3FA2] =	sst s2  }
0x8f: {  	_ = 	snop  }
0x90: {  	(tm) =	ssettm $0x1  }
0x91: {  	s17 =	sld [smem:$0x3FFB];
	_ =	sdelay $0x3  }
0x92: {  	_ =	strace s17  }
0x93: {  	s2 =	sld [smem:$0x3FFC];
	_ =	sdelay $0x3  }
0x94: {  	_ =	strace s2  }
0x95: {  	s2 =	sld [smem:$0x3FFD];
	_ =	sdelay $0x3  }
0x96: {  	_ =	strace s2  }
0x97: {  	_ =	strace $0x8FFFFFFF  }
0x98: {  	s18 =	sld [smem:$0x3FDB];
	_ =	sdelay $0x1  }
0x99: {  	s19 =	simm.s32 $_scs_section_size  }
0x9a: {  	s4 =	simm.s32 $_size__tile_overlayer_lowered;
	s5 =	simm.s32 $_tile_overlayer_lowered  }
0x9b: {  	s22 =	simm.s32 $0x1BFF;
	s21 =	sshll.u32 s5, $0x1;
	s2 =	sadd.s32 s19, s18  }
0x9c: {  	s6 =	simm.s32 $0x0;
	s20 =	sshll.u32 s4, $0x1;
	s4 =	sadd.s32 s21, s2  }
0x9d: {  	[timem:s6], [sflag:s22] =	dma.local [hbm:s4], s20  }
0x9e: {  	_ =	swait.ge [sflag:s22], s20  }
0x9f: {  	s3 =	ssub.s32 $0x0, s20;
	[sflag:s22] =	ssyncset.done $0x0  }
0xa0: {  	[sflag:s22] =	ssyncadd.s32 s3;
	_ =	sdelay $0x1  }
0xa1: {  	s23 =	simm.s32 $0x1B8B  }
0xa2: {  	_ =	swait.ge [sflag:s23], $0x1  }
0xa3: {  	[sflag:s23] =	ssyncset.done $0x0  }
0xa4: {  	s25 =	simm.s32 $0x1B8E;
	s24 =	sld [smem:$0x3FFE];
	[sflag:s23] =	ssyncadd.s32 $0xFFFFFFFF  }
0xa5: {  	s26 =	simm.s32 $execute0_lowered;
	[smem:$0x3FD2] =	sst s25  }
0xa6: {  	s4 =	sshll.u32 s26, $0x1;
	_ =	strace $0x80000049;
	[dreg:$0x1] =	wrdreg $0xFFFFFFFF  }
0xa7: {  	s28 =	simm.s32 $_size_execute0_lowered;
	s2 =	sadd.s32 s2, s4;
	[dreg:$0x0] =	wrdreg $0x0  }
0xa8: {  	s4 =	sshll.u32 s28, $0x1;
	[dreg:$0x2] =	wrdreg s2  }
0xa9: {  	[dreg:$0x3] =	wrdreg s4  }
0xaa: {  	[dreg:$0x4] =	wrdreg $0xC0  }
0xab: {  	_ =	task [dreg:s6], $0x5FFFF  }
0xac: {  	[dreg:$0x1] =	wrdreg $0xFFFFFFFF  }
0xad: {  	[dreg:$0x0] =	wrdreg $0x60  }
0xae: {  	[dreg:$0x2] =	wrdreg s24  }
0xaf: {  	[dreg:$0x3] =	wrdreg $0xA4000  }
0xb0: {  	[dreg:$0x4] =	wrdreg $0x9  }
0xb1: {  	_ =	task.clear_ibuf [dreg:s6], $0x5FFFF;
	_ =	strace $0x90000049  }
0xb2: {  	s29 =	simm.s32 $0x9;
	_ =	strace $0x8000004B  }
0xb3: {  	_ =	swait.ge [sflag:s29], $0x1  }
0xb4: {  	[sflag:s29] =	ssyncadd.s32 $0xFFFFFFFF  }
0xb5: {  	_ =	strace $0x9000004B  }
0xb6: {  	_ =	sfence  }
0xb7: {  	s30 =	sld [smem:$0x0];
	_ =	sdelay $0x2  }
0xb8: {  	s31 =	sshll.u32 s1, $0xD;
	s1 =	sshrl.u32 s1, $0x2  }
0xb9: {  	s3 =	sand.u32 $0x4000, s31;
	s1 =	sadd.s32 s1, s30  }
0xba: {  	s0 =	sor.u32 s3, s0;
	s1 =	sshll.u32 s1, $0x11  }
0xbb: {  	s0 =	sor.u32 s1, s0  }
0xbc: {  	s0 =	sadd.s32 $0x8F2B, s0  }
0xbd: {  	[sflag:s0] =	ssyncadd.remote.s32 $0x1  }
0xbe: {  	_ =	sfence.sel $0xFFFF  }
0xbf: {  	[dreg:$0x0] =	wrdreg $0xFFFFFFFF;
	(pc) =	sbr.abs _section_cstart, $3  }
0xc0: {  	[dreg:$0x1] =	wrdreg $0xFFFFFFFF  }
0xc1: {  	_ =	task.clear_ibuf [dreg:s6], $0x2FFFF;
	_ =	strace $0x9FFFFFFF  }
0xc2: {  	(tm) =	ssettm $0x7FFFFFFF  }
0xc3: {  	_ =	shalt  }
tec
execute0_lowered:
.L_overlay_start_1:
0x0: {  	(tag) =	ssettag $0x1  }
0x1: {  	s0 =	rddreg [dreg:$0x0];
	s1 =	srdreg.scid  }
0x2: {  	s2 =	rddreg [dreg:$0x1];
	s12 =	stileid.u32  }
0x3: {  	s3 =	simm.s32 $0x0;
	s28 =	simm.s32 $0x4;
	s29 =	simm.s32 $0x7C00  }
0x4: {  	s30 =	simm.s32 $0x9;
	s31 =	simm.s32 $0x5;
	s1 =	sand.u32 $0x1, s1  }
0x5: {  	s6 =	smul.u32 $0x14000, s12;
	[smem:$0x7FF] =	sst s3;
	s4 =	sadd.s32 $0x1D200, s0  }
0x6: {  	s7 =	sadd.s32 $0x6E00, s0;
	s8 =	sadd.s32 $0x1AA00, s0;
	s25 =	smul.u32 $0x50000, s12  }
0x7: {  	s9 =	sshll.u32 s12, $0x1;
	s10 =	smul.u32 $0x4E20, s12;
	s12 =	sshll.u32 s12, $0x6  }
0x8: {  	s5 =	smul.u32 $0x140000, s1;
	_ =	strace $0x8000004A;
	[dreg:$0xb] =	wrdreg s8  }
0x9: {  	s26 =	ssub.s32 $0x2, s1;
	s9 =	sor.u32 s1, s9;
	s1 =	smul.u32 $0x2710, s1  }
0xa: {  	s12 =	sor.u32 $0x1C11, s12;
	s11 =	sshrl.u32 s26, $0x1;
	s9 =	smul.u32 $0x2710, s9  }
0xb: {  	[dreg:$0xd] =	wrdreg s12;
	s5 =	sadd.s32 s6, s5;
	s6 =	sadd.s32 $0x10C00, s0  }
0xc: {  	s8 =	ssub.s32 s26, s11;
	s1 =	sadd.s32 s1, s10;
	s10 =	simm.s32 $0x11  }
0xd: {  	s11 =	simm.s32 $0x0;
	s5 =	sshrl.u32 s5, $0x3;
	s13 =	sshrl.u32 s9, $0x3  }
0xe: {  	s14 =	sshrl.u32 s1, $0x3;
	s16 =	sadd.s32 $0xF0, s1;
	s19 =	sadd.s32 $0xA0, s1  }
0xf: {  	s1 =	sadd.s32 $0x50, s1;
	s26 =	smax.u32 s8, $0x1;
	s8 =	simm.s32 $0xC  }
0x10: {  	s0 =	sadd.s32 s5, s0;
	s15 =	sadd.s32 s14, s7;
	[dreg:$0x11] =	wrdreg s26  }
0x11: {  	s5 =	sshrl.u32 s25, $0x2;
	s9 =	sadd.s32 s14, s6;
	[dreg:$0x3] =	wrdreg s15  }
0x12: {  	s17 =	sshrl.u32 s16, $0x3;
	s5 =	sadd.s32 s5, s2;
	[dreg:$0x4] =	wrdreg s9  }
0x13: {  	s21 =	sshrl.u32 s19, $0x3;
	s18 =	sadd.s32 s17, s7;
	[dreg:$0xc] =	wrdreg s5  }
0x14: {  	s1 =	sshrl.u32 s1, $0x3;
	s20 =	sadd.s32 s17, s6;
	[dreg:$0x5] =	wrdreg s18  }
0x15: {  	s26 =	simm.s32 $0x5400;
	s22 =	sadd.s32 s21, s7;
	[dreg:$0x6] =	wrdreg s20  }
0x16: {  	s19 =	simm.s32 $0x300;
	s23 =	sadd.s32 s21, s6;
	[dreg:$0x7] =	wrdreg s22  }
0x17: {  	s25 =	sadd.s32 s1, s7;
	s1 =	sadd.s32 s1, s6;
	[dreg:$0x8] =	wrdreg s23  }
0x18: {  	s0 =	sadd.s32 $0x44400, s0;
	s17 =	simm.s32 $0x380;
	[dreg:$0x9] =	wrdreg s25  }
0x19: {  	s21 =	simm.s32 $0x50;
	s9 =	simm.s32 $0x8;
	[dreg:$0x10] =	wrdreg s0  }
0x1a: {  	s5 =	sadd.s32 $0x4D8, s13;
	[dreg:$0xa] =	wrdreg s1;
	s20 =	simm.s32 $0x1  }
0x1b: {  	s23 =	simm.s32 $0x2;
	s25 =	simm.s32 $0x3;
	s0 =	simm.s32 $0xA  }
0x1c: {  	s1 =	simm.s32 $0x6;
	s22 =	simm.s32 $0x380;
	s24 =	sadd.s32 s6, s5  }
0x1d: {  	s5 =	sadd.s32 s7, s5;
	s6 =	simm.s32 $0x7;
	[dreg:$0xe] =	wrdreg s24  }
0x1e: {  	[dreg:$0xf] =	wrdreg s5;
	s24 =	simm.s32 $0x2C00;
	s5 =	simm.s32 $0xB  }
.LBB2_1:
0x1f: {  	[dreg:$0x12] =	wrdreg s11  }
0x20: {  	s7 =	rddreg [dreg:$0xc]  }
0x21: {  	s18 =	rddreg [dreg:$0xb];
	s16 =	sshrl.u32 s7, $0x3  }
0x22: {  	[dreg:$0x13] =	wrdreg s16  }
0x23: {  	[spmem:s16], [sflag:s12] =	dma.local [hbm:s18], $0x2800  }
0x24: {  	_ =	swait.ge [sflag:s10], $0x2800  }
0x25: {  	[sflag:s10] =	ssyncset.done $0x0  }
0x26: {  	p0 =	por $0x1, $0x1;
	[sflag:s10] =	ssyncadd.s32 $0xFFFFD800  }
0x27: {  	s7 =	simm.s32 @!p0 $0xD;
	[bflag:$0x0] =	sbarrier.arrive $0xFFFF  }
0x28: {  	_ =	swait.ge @!p0 [sflag:s7], $0x2800  }
0x29: {  	s12 =	rddreg [dreg:$0x4];
	[sflag:s7] =	ssyncset.done @!p0 $0x0  }
0x2a: {  	s13 =	rddreg [dreg:$0x3];
	[sflag:s7] =	ssyncadd.s32 @!p0 $0xFFFFD800;
	s14 =	sadd.s32 $0x0, s12  }
0x2b: {  	[tilespmem:s3], [sflag:$0x1] =	stream.linear.gather [hbm4b:s14+s3], $0x50, $0x38;
	[tilespmem:$0x1E400] =	vst v63  }
0x2c: {  	s11 =	simm.s32 @!p0 $0xE;
	s10 =	simm.s32 $0x200;
	s15 =	sadd.s32 $0x0, s13  }
0x2d: {  	[tilespmem:s10], [sflag:$0x5] =	stream.linear.gather [hbm4b:s15+s3], $0x50, $0x38;
	[tilespmem:$0x1E400] =	vst v63  }
0x2e: {  	_ =	swait.ge @!p0 [sflag:s11], $0x2800  }
0x2f: {  	s13 =	simm.s32 $0x80;
	s16 =	rddreg [dreg:$0xa];
	[sflag:s11] =	ssyncset.done @!p0 $0x0  }
0x30: {  	s18 =	rddreg [dreg:$0x9];
	[sflag:s11] =	ssyncadd.s32 @!p0 $0xFFFFD800;
	s7 =	sadd.s32 $0x0, s16  }
0x31: {  	[tilespmem:s13], [sflag:$0x2] =	stream.linear.gather [hbm4b:s7+s3], $0x50, $0x38;
	[tilespmem:$0x1E400] =	vst v63  }
0x32: {  	s14 =	simm.s32 $0x280;
	s12 =	sadd.s32 $0x0, s18;
	s11 =	simm.s32 @!p0 $0xF  }
0x33: {  	[tilespmem:s14], [sflag:$0x6] =	stream.linear.gather [hbm4b:s12+s3], $0x50, $0x38;
	[tilespmem:$0x1E400] =	vst v63  }
0x34: {  	_ =	swait.ge @!p0 [sflag:s11], $0x2800  }
0x35: {  	s15 =	rddreg [dreg:$0x8]  }
0x36: {  	[sflag:s11] =	ssyncset.done @!p0 $0x0;
	s16 =	rddreg [dreg:$0x7]  }
0x37: {  	[sflag:s11] =	ssyncadd.s32 @!p0 $0xFFFFD800;
	s7 =	sadd.s32 $0x0, s15;
	s15 =	simm.s32 $0x100  }
0x38: {  	[tilespmem:s15], [sflag:$0x3] =	stream.linear.gather [hbm4b:s7+s3], $0x50, $0x38;
	[tilespmem:$0x1E400] =	vst v63  }
0x39: {  	s18 =	sadd.s32 $0x0, s16;
	s11 =	simm.s32 @!p0 $0x10;
	s16 =	simm.s32 $0x300  }
0x3a: {  	[tilespmem:s16], [sflag:$0x7] =	stream.linear.gather [hbm4b:s18+s3], $0x50, $0x38;
	[tilespmem:$0x1E400] =	vst v63  }
0x3b: {  	_ =	swait.ge @!p0 [sflag:s11], $0x2800  }
0x3c: {  	s12 =	rddreg [dreg:$0x6]  }
0x3d: {  	[sflag:s11] =	ssyncset.done @!p0 $0x0;
	s18 =	rddreg [dreg:$0x5]  }
0x3e: {  	[sflag:s11] =	ssyncadd.s32 @!p0 $0xFFFFD800;
	s7 =	sadd.s32 $0x0, s12;
	s11 =	simm.s32 $0x180  }
0x3f: {  	[tilespmem:s11], [sflag:$0x4] =	stream.linear.gather [hbm4b:s7+s3], $0x50, $0x38;
	[tilespmem:$0x1E400] =	vst v63  }
0x40: {  	s12 =	sadd.s32 $0x0, s18  }
0x41: {  	[tilespmem:s17], [sflag:$0x8] =	stream.linear.gather [hbm4b:s12+s3], $0x50, $0x38;
	[tilespmem:$0x1E400] =	vst v63  }
0x42: {  	_ =	swait.ge [sflag:s20], $0x50  }
0x43: {  	[sflag:s20] =	ssyncset.done $0x0  }
0x44: {  	s18 =	simm.s32 $0x400;
	[sflag:s20] =	ssyncadd.s32 $0xFFFFFFB0  }
0x45: {  	[tilespmem:s18], [sflag:$0x9] =	stream.indirect.gather [hbm4b:s4+s21], $0x80, s3, s21, $0xb8;
	[tilespmem:$0x1E400] =	vst v63  }
0x46: {  	_ =	swait.ge [sflag:s23], $0x50  }
0x47: {  	[sflag:s23] =	ssyncset.done $0x0  }
0x48: {  	[sflag:s23] =	ssyncadd.s32 $0xFFFFFFB0  }
0x49: {  	[tilespmem:s24], [sflag:$0xA] =	stream.indirect.gather [hbm4b:s4+s21], $0x80, s13, s21, $0xb8;
	[tilespmem:$0x1E400] =	vst v63  }
0x4a: {  	_ =	swait.ge [sflag:s25], $0x50  }
0x4b: {  	[sflag:s25] =	ssyncset.done $0x0  }
0x4c: {  	[sflag:s25] =	ssyncadd.s32 $0xFFFFFFB0  }
0x4d: {  	[tilespmem:s26], [sflag:$0xB] =	stream.indirect.gather [hbm4b:s4+s21], $0x80, s15, s21, $0xb8;
	[tilespmem:$0x1E400] =	vst v63  }
0x4e: {  	_ =	swait.ge [sflag:s28], $0x50  }
0x4f: {  	[sflag:s28] =	ssyncset.done $0x0  }
0x50: {  	[sflag:s28] =	ssyncadd.s32 $0xFFFFFFB0  }
0x51: {  	[tilespmem:s29], [sflag:$0xC] =	stream.indirect.gather [hbm4b:s4+s21], $0x80, s11, s21, $0xb8;
	[tilespmem:$0x1E400] =	vst v63  }
0x52: {  	_ =	swait.ge [sflag:s30], $0x2800  }
0x53: {  	[sflag:s30] =	ssyncset.done $0x0  }
0x54: {  	[sflag:s30] =	ssyncadd.s32 $0xFFFFD800  }
0x55: {  	_ =	swait.ge [sflag:s31], $0x50  }
0x56: {  	[sflag:s31] =	ssyncset.done $0x0  }
0x57: {  	[sflag:s31] =	ssyncadd.s32 $0xFFFFFFB0  }
0x58: {  	[spmem:s2] =	stream.indirect.scatter.add.f32 [tilespmem:s18], [sflag:$0xD], $0x80, s10, s21, $0xb8;
	[tilespmem:$0x1E400] =	vst v63  }
0x59: {  	_ =	swait.ge [sflag:s0], $0x2800  }
0x5a: {  	[sflag:s0] =	ssyncset.done $0x0  }
0x5b: {  	[sflag:s0] =	ssyncadd.s32 $0xFFFFD800  }
0x5c: {  	_ =	swait.ge [sflag:s1], $0x50  }
0x5d: {  	[sflag:s1] =	ssyncset.done $0x0  }
0x5e: {  	[sflag:s1] =	ssyncadd.s32 $0xFFFFFFB0  }
0x5f: {  	[spmem:s2] =	stream.indirect.scatter.add.f32 [tilespmem:s24], [sflag:$0xE], $0x80, s14, s21, $0xb8;
	[tilespmem:$0x1E400] =	vst v63  }
0x60: {  	_ =	swait.ge [sflag:s5], $0x2800  }
0x61: {  	[sflag:s5] =	ssyncset.done $0x0  }
0x62: {  	[sflag:s5] =	ssyncadd.s32 $0xFFFFD800  }
0x63: {  	_ =	swait.ge [sflag:s6], $0x50  }
0x64: {  	[sflag:s6] =	ssyncset.done $0x0  }
0x65: {  	[sflag:s6] =	ssyncadd.s32 $0xFFFFFFB0  }
0x66: {  	[spmem:s2] =	stream.indirect.scatter.add.f32 [tilespmem:s26], [sflag:$0xF], $0x80, s16, s21, $0xb8;
	[tilespmem:$0x1E400] =	vst v63  }
0x67: {  	_ =	swait.ge [sflag:s8], $0x2800  }
0x68: {  	[sflag:s8] =	ssyncset.done $0x0  }
0x69: {  	[sflag:s8] =	ssyncadd.s32 $0xFFFFD800  }
0x6a: {  	p1 =	por $0x0, $0x0;
	_ =	swait.ge [sflag:s9], $0x50  }
0x6b: {  	s7 =	simm.s32 $0x28;
	s11 =	simm.s32 $0x50;
	[sflag:s9] =	ssyncset.done $0x0  }
.LBB2_2:
0x6c: {  	s10 =	simm.s32 @!p1 $0xD;
	[sflag:s9] =	ssyncadd.s32 $0xFFFFFFB0  }
0x6d: {  	[spmem:s2] =	stream.indirect.scatter.add.f32 [tilespmem:s29], [sflag:$0x10], $0x80, s22, s21, $0xb8;
	[tilespmem:$0x1E400] =	vst v63  }
0x6e: {  	_ =	swait.ge @!p1 [sflag:s10], $0x2800  }
0x6f: {  	[sflag:s10] =	ssyncset.done @!p1 $0x0;
	s13 =	rddreg [dreg:$0x4]  }
0x70: {  	s17 =	rddreg [dreg:$0x3];
	[sflag:s10] =	ssyncadd.s32 @!p1 $0xFFFFD800;
	s13 =	sadd.s32 s7, s13  }
0x71: {  	[tilespmem:s3], [sflag:$0x1] =	stream.linear.gather [hbm4b:s13+s3], $0x50, $0x38;
	[tilespmem:$0x1E400] =	vst v63  }
0x72: {  	s15 =	simm.s32 $0x200;
	s10 =	sadd.s32 s7, s17;
	s13 =	simm.s32 @!p1 $0xE  }
0x73: {  	[tilespmem:s15], [sflag:$0x5] =	stream.linear.gather [hbm4b:s10+s3], $0x50, $0x38;
	[tilespmem:$0x1E400] =	vst v63  }
0x74: {  	_ =	swait.ge @!p1 [sflag:s13], $0x2800  }
0x75: {  	s16 =	simm.s32 $0x80;
	s18 =	rddreg [dreg:$0xa];
	[sflag:s13] =	ssyncset.done @!p1 $0x0  }
0x76: {  	s14 =	rddreg [dreg:$0x9];
	[sflag:s13] =	ssyncadd.s32 @!p1 $0xFFFFD800;
	s10 =	sadd.s32 s7, s18  }
0x77: {  	[tilespmem:s16], [sflag:$0x2] =	stream.linear.gather [hbm4b:s10+s3], $0x50, $0x38;
	[tilespmem:$0x1E400] =	vst v63  }
0x78: {  	s17 =	simm.s32 $0x280;
	s14 =	sadd.s32 s7, s14;
	s13 =	simm.s32 @!p1 $0xF  }
0x79: {  	[tilespmem:s17], [sflag:$0x6] =	stream.linear.gather [hbm4b:s14+s3], $0x50, $0x38;
	[tilespmem:$0x1E400] =	vst v63  }
0x7a: {  	_ =	swait.ge @!p1 [sflag:s13], $0x2800  }
0x7b: {  	s18 =	rddreg [dreg:$0x8]  }
0x7c: {  	[sflag:s13] =	ssyncset.done @!p1 $0x0;
	s14 =	rddreg [dreg:$0x7]  }
0x7d: {  	[sflag:s13] =	ssyncadd.s32 @!p1 $0xFFFFD800;
	s10 =	sadd.s32 s7, s18;
	s18 =	simm.s32 $0x100  }
0x7e: {  	[tilespmem:s18], [sflag:$0x3] =	stream.linear.gather [hbm4b:s10+s3], $0x50, $0x38;
	[tilespmem:$0x1E400] =	vst v63  }
0x7f: {  	s14 =	sadd.s32 s7, s14;
	s13 =	simm.s32 @!p1 $0x10  }
0x80: {  	[tilespmem:s19], [sflag:$0x7] =	stream.linear.gather [hbm4b:s14+s3], $0x50, $0x38;
	[tilespmem:$0x1E400] =	vst v63  }
0x81: {  	_ =	swait.ge @!p1 [sflag:s13], $0x2800  }
0x82: {  	s10 =	rddreg [dreg:$0x6]  }
0x83: {  	[sflag:s13] =	ssyncset.done @!p1 $0x0;
	s14 =	rddreg [dreg:$0x5]  }
0x84: {  	[sflag:s13] =	ssyncadd.s32 @!p1 $0xFFFFD800;
	s10 =	sadd.s32 s7, s10;
	s13 =	simm.s32 $0x180  }
0x85: {  	[tilespmem:s13], [sflag:$0x4] =	stream.linear.gather [hbm4b:s10+s3], $0x50, $0x38;
	[tilespmem:$0x1E400] =	vst v63  }
0x86: {  	s14 =	sadd.s32 s7, s14  }
0x87: {  	[tilespmem:s22], [sflag:$0x8] =	stream.linear.gather [hbm4b:s14+s3], $0x50, $0x38;
	[tilespmem:$0x1E400] =	vst v63  }
0x88: {  	_ =	swait.ge [sflag:s20], $0x50  }
0x89: {  	[sflag:s20] =	ssyncset.done $0x0  }
0x8a: {  	s14 =	simm.s32 $0x400;
	[sflag:s20] =	ssyncadd.s32 $0xFFFFFFB0  }
0x8b: {  	[tilespmem:s14], [sflag:$0x9] =	stream.indirect.gather [hbm4b:s4+s21], $0x80, s3, s21, $0xb8;
	[tilespmem:$0x1E400] =	vst v63  }
0x8c: {  	_ =	swait.ge [sflag:s23], $0x50  }
0x8d: {  	[sflag:s23] =	ssyncset.done $0x0  }
0x8e: {  	[sflag:s23] =	ssyncadd.s32 $0xFFFFFFB0  }
0x8f: {  	[tilespmem:s24], [sflag:$0xA] =	stream.indirect.gather [hbm4b:s4+s21], $0x80, s16, s21, $0xb8;
	[tilespmem:$0x1E400] =	vst v63  }
0x90: {  	_ =	swait.ge [sflag:s25], $0x50  }
0x91: {  	[sflag:s25] =	ssyncset.done $0x0  }
0x92: {  	[sflag:s25] =	ssyncadd.s32 $0xFFFFFFB0  }
0x93: {  	[tilespmem:s26], [sflag:$0xB] =	stream.indirect.gather [hbm4b:s4+s21], $0x80, s18, s21, $0xb8;
	[tilespmem:$0x1E400] =	vst v63  }
0x94: {  	_ =	swait.ge [sflag:s28], $0x50  }
0x95: {  	[sflag:s28] =	ssyncset.done $0x0  }
0x96: {  	[sflag:s28] =	ssyncadd.s32 $0xFFFFFFB0  }
0x97: {  	[tilespmem:s29], [sflag:$0xC] =	stream.indirect.gather [hbm4b:s4+s21], $0x80, s13, s21, $0xb8;
	[tilespmem:$0x1E400] =	vst v63  }
0x98: {  	_ =	swait.ge [sflag:s30], $0x2800  }
0x99: {  	[sflag:s30] =	ssyncset.done $0x0  }
0x9a: {  	[sflag:s30] =	ssyncadd.s32 $0xFFFFD800  }
0x9b: {  	_ =	swait.ge [sflag:s31], $0x50  }
0x9c: {  	[sflag:s31] =	ssyncset.done $0x0  }
0x9d: {  	[sflag:s31] =	ssyncadd.s32 $0xFFFFFFB0  }
0x9e: {  	[spmem:s2] =	stream.indirect.scatter.add.f32 [tilespmem:s14], [sflag:$0xD], $0x80, s15, s21, $0xb8;
	[tilespmem:$0x1E400] =	vst v63  }
0x9f: {  	_ =	swait.ge [sflag:s0], $0x2800  }
0xa0: {  	[sflag:s0] =	ssyncset.done $0x0  }
0xa1: {  	[sflag:s0] =	ssyncadd.s32 $0xFFFFD800  }
0xa2: {  	_ =	swait.ge [sflag:s1], $0x50  }
0xa3: {  	[sflag:s1] =	ssyncset.done $0x0  }
0xa4: {  	[sflag:s1] =	ssyncadd.s32 $0xFFFFFFB0  }
0xa5: {  	[spmem:s2] =	stream.indirect.scatter.add.f32 [tilespmem:s24], [sflag:$0xE], $0x80, s17, s21, $0xb8;
	[tilespmem:$0x1E400] =	vst v63  }
0xa6: {  	_ =	swait.ge [sflag:s5], $0x2800  }
0xa7: {  	[sflag:s5] =	ssyncset.done $0x0  }
0xa8: {  	[sflag:s5] =	ssyncadd.s32 $0xFFFFD800  }
0xa9: {  	_ =	swait.ge [sflag:s6], $0x50  }
0xaa: {  	s12 =	smov.u32 s11;
	s11 =	sadd.s32 $0x28, s11;
	[sflag:s6] =	ssyncset.done $0x0  }
0xab: {  	p0 =	sne.s32 s11, $0x4D8;
	[sflag:s6] =	ssyncadd.s32 $0xFFFFFFB0  }
0xac: {  	[spmem:s2] =	stream.indirect.scatter.add.f32 [tilespmem:s26], [sflag:$0xF], $0x80, s19, s21, $0xb8;
	[tilespmem:$0x1E400] =	vst v63  }
.Ltmp0:
0xad: {  	_ =	swait.ge [sflag:s8], $0x2800;
	(pc) =	sbr.rel @p0 .LBB2_2-.Ltmp0, $4  }
0xae: {  	[sflag:s8] =	ssyncset.done $0x0  }
0xaf: {  	[sflag:s8] =	ssyncadd.s32 $0xFFFFD800  }
0xb0: {  	s7 =	smov.u32 s12;
	_ =	swait.ge [sflag:s9], $0x50  }
0xb1: {  	p1 =	seq.s32 s7, $0x0;
	[sflag:s9] =	ssyncset.done $0x0  }
0xb2: {  	s10 =	simm.s32 @!p1 $0xD;
	[sflag:s9] =	ssyncadd.s32 $0xFFFFFFB0;
	s18 =	simm.s32 $0x380  }
0xb3: {  	[spmem:s2] =	stream.indirect.scatter.add.f32 [tilespmem:s29], [sflag:$0x10], $0x80, s18, s21, $0xb8;
	[tilespmem:$0x1E400] =	vst v63  }
0xb4: {  	_ =	swait.ge @!p1 [sflag:s10], $0x2800  }
0xb5: {  	s11 =	rddreg [dreg:$0x4];
	[sflag:s10] =	ssyncset.done @!p1 $0x0  }
0xb6: {  	s12 =	rddreg [dreg:$0x3];
	[sflag:s10] =	ssyncadd.s32 @!p1 $0xFFFFD800;
	s14 =	sadd.s32 s7, s11  }
0xb7: {  	[tilespmem:s3], [sflag:$0x1] =	stream.linear.gather [hbm4b:s14+s3], $0x50, $0x38;
	[tilespmem:$0x1E400] =	vst v63  }
0xb8: {  	s13 =	simm.s32 $0x200;
	s15 =	sadd.s32 s7, s12;
	s11 =	simm.s32 @!p1 $0xE  }
0xb9: {  	[tilespmem:s13], [sflag:$0x5] =	stream.linear.gather [hbm4b:s15+s3], $0x50, $0x38;
	[tilespmem:$0x1E400] =	vst v63  }
0xba: {  	_ =	swait.ge @!p1 [sflag:s11], $0x2800  }
0xbb: {  	s14 =	simm.s32 $0x80;
	s16 =	rddreg [dreg:$0xa];
	[sflag:s11] =	ssyncset.done @!p1 $0x0  }
0xbc: {  	s17 =	rddreg [dreg:$0x9];
	[sflag:s11] =	ssyncadd.s32 @!p1 $0xFFFFD800;
	s10 =	sadd.s32 s7, s16  }
0xbd: {  	[tilespmem:s14], [sflag:$0x2] =	stream.linear.gather [hbm4b:s10+s3], $0x50, $0x38;
	[tilespmem:$0x1E400] =	vst v63  }
0xbe: {  	s15 =	simm.s32 $0x280;
	s12 =	sadd.s32 s7, s17;
	s11 =	simm.s32 @!p1 $0xF  }
0xbf: {  	[tilespmem:s15], [sflag:$0x6] =	stream.linear.gather [hbm4b:s12+s3], $0x50, $0x38;
	[tilespmem:$0x1E400] =	vst v63  }
0xc0: {  	_ =	swait.ge @!p1 [sflag:s11], $0x2800  }
0xc1: {  	s16 =	rddreg [dreg:$0x8]  }
0xc2: {  	[sflag:s11] =	ssyncset.done @!p1 $0x0;
	s17 =	rddreg [dreg:$0x7]  }
0xc3: {  	[sflag:s11] =	ssyncadd.s32 @!p1 $0xFFFFD800;
	s10 =	sadd.s32 s7, s16;
	s16 =	simm.s32 $0x100  }
0xc4: {  	[tilespmem:s16], [sflag:$0x3] =	stream.linear.gather [hbm4b:s10+s3], $0x50, $0x38;
	[tilespmem:$0x1E400] =	vst v63  }
0xc5: {  	s12 =	sadd.s32 s7, s17;
	s11 =	simm.s32 @!p1 $0x10;
	s17 =	simm.s32 $0x300  }
0xc6: {  	[tilespmem:s17], [sflag:$0x7] =	stream.linear.gather [hbm4b:s12+s3], $0x50, $0x38;
	[tilespmem:$0x1E400] =	vst v63  }
0xc7: {  	_ =	swait.ge @!p1 [sflag:s11], $0x2800  }
0xc8: {  	s10 =	rddreg [dreg:$0x6]  }
0xc9: {  	[sflag:s11] =	ssyncset.done @!p1 $0x0;
	s12 =	rddreg [dreg:$0x5]  }
0xca: {  	[sflag:s11] =	ssyncadd.s32 @!p1 $0xFFFFD800;
	s10 =	sadd.s32 s7, s10;
	s11 =	simm.s32 $0x180  }
0xcb: {  	[tilespmem:s11], [sflag:$0x4] =	stream.linear.gather [hbm4b:s10+s3], $0x50, $0x38;
	[tilespmem:$0x1E400] =	vst v63  }
0xcc: {  	s12 =	sadd.s32 s7, s12  }
0xcd: {  	[tilespmem:s18], [sflag:$0x8] =	stream.linear.gather [hbm4b:s12+s3], $0x50, $0x38;
	[tilespmem:$0x1E400] =	vst v63  }
0xce: {  	_ =	swait.ge [sflag:s20], $0x50  }
0xcf: {  	[sflag:s20] =	ssyncset.done $0x0  }
0xd0: {  	s12 =	simm.s32 $0x400;
	[sflag:s20] =	ssyncadd.s32 $0xFFFFFFB0  }
0xd1: {  	[tilespmem:s12], [sflag:$0x9] =	stream.indirect.gather [hbm4b:s4+s21], $0x80, s3, s21, $0xb8;
	[tilespmem:$0x1E400] =	vst v63  }
0xd2: {  	_ =	swait.ge [sflag:s23], $0x50  }
0xd3: {  	[sflag:s23] =	ssyncset.done $0x0  }
0xd4: {  	[sflag:s23] =	ssyncadd.s32 $0xFFFFFFB0  }
0xd5: {  	[tilespmem:s24], [sflag:$0xA] =	stream.indirect.gather [hbm4b:s4+s21], $0x80, s14, s21, $0xb8;
	[tilespmem:$0x1E400] =	vst v63  }
0xd6: {  	_ =	swait.ge [sflag:s25], $0x50  }
0xd7: {  	[sflag:s25] =	ssyncset.done $0x0  }
0xd8: {  	[sflag:s25] =	ssyncadd.s32 $0xFFFFFFB0  }
0xd9: {  	[tilespmem:s26], [sflag:$0xB] =	stream.indirect.gather [hbm4b:s4+s21], $0x80, s16, s21, $0xb8;
	[tilespmem:$0x1E400] =	vst v63  }
0xda: {  	_ =	swait.ge [sflag:s28], $0x50  }
0xdb: {  	[sflag:s28] =	ssyncset.done $0x0  }
0xdc: {  	[sflag:s28] =	ssyncadd.s32 $0xFFFFFFB0  }
0xdd: {  	[tilespmem:s29], [sflag:$0xC] =	stream.indirect.gather [hbm4b:s4+s21], $0x80, s11, s21, $0xb8;
	[tilespmem:$0x1E400] =	vst v63  }
0xde: {  	_ =	swait.ge [sflag:s30], $0x2800  }
0xdf: {  	[sflag:s30] =	ssyncset.done $0x0  }
0xe0: {  	[sflag:s30] =	ssyncadd.s32 $0xFFFFD800  }
0xe1: {  	_ =	swait.ge [sflag:s31], $0x50  }
0xe2: {  	[sflag:s31] =	ssyncset.done $0x0  }
0xe3: {  	[sflag:s31] =	ssyncadd.s32 $0xFFFFFFB0  }
0xe4: {  	[spmem:s2] =	stream.indirect.scatter.add.f32 [tilespmem:s12], [sflag:$0xD], $0x80, s13, s21, $0xb8;
	[tilespmem:$0x1E400] =	vst v63  }
0xe5: {  	_ =	swait.ge [sflag:s0], $0x2800  }
0xe6: {  	[sflag:s0] =	ssyncset.done $0x0  }
0xe7: {  	[sflag:s0] =	ssyncadd.s32 $0xFFFFD800  }
0xe8: {  	_ =	swait.ge [sflag:s1], $0x50  }
0xe9: {  	[sflag:s1] =	ssyncset.done $0x0  }
0xea: {  	[sflag:s1] =	ssyncadd.s32 $0xFFFFFFB0  }
0xeb: {  	[spmem:s2] =	stream.indirect.scatter.add.f32 [tilespmem:s24], [sflag:$0xE], $0x80, s15, s21, $0xb8;
	[tilespmem:$0x1E400] =	vst v63  }
0xec: {  	_ =	swait.ge [sflag:s5], $0x2800  }
0xed: {  	[sflag:s5] =	ssyncset.done $0x0  }
0xee: {  	[sflag:s5] =	ssyncadd.s32 $0xFFFFD800  }
0xef: {  	_ =	swait.ge [sflag:s6], $0x50  }
0xf0: {  	[sflag:s6] =	ssyncset.done $0x0  }
0xf1: {  	[sflag:s6] =	ssyncadd.s32 $0xFFFFFFB0  }
0xf2: {  	[spmem:s2] =	stream.indirect.scatter.add.f32 [tilespmem:s26], [sflag:$0xF], $0x80, s17, s21, $0xb8;
	[tilespmem:$0x1E400] =	vst v63  }
0xf3: {  	_ =	swait.ge [sflag:s8], $0x2800  }
0xf4: {  	[sflag:s8] =	ssyncset.done $0x0  }
0xf5: {  	[sflag:s8] =	ssyncadd.s32 $0xFFFFD800  }
0xf6: {  	_ =	swait.ge [sflag:s9], $0x50  }
0xf7: {  	[sflag:s9] =	ssyncset.done $0x0  }
0xf8: {  	s14 =	simm.s32 $0xD;
	[sflag:s9] =	ssyncadd.s32 $0xFFFFFFB0  }
0xf9: {  	[spmem:s2] =	stream.indirect.scatter.add.f32 [tilespmem:s29], [sflag:$0x10], $0x80, s18, s21, $0xb8;
	[tilespmem:$0x1E400] =	vst v63  }
0xfa: {  	_ =	swait.ge [sflag:s14], $0x2800  }
0xfb: {  	[sflag:s14] =	ssyncset.done $0x0  }
0xfc: {  	s15 =	simm.s32 $0xE;
	[sflag:s14] =	ssyncadd.s32 $0xFFFFD800  }
0xfd: {  	_ =	swait.ge [sflag:s15], $0x2800  }
0xfe: {  	[sflag:s15] =	ssyncset.done $0x0  }
0xff: {  	s16 =	simm.s32 $0xF;
	[sflag:s15] =	ssyncadd.s32 $0xFFFFD800  }
0x100: {  	_ =	swait.ge [sflag:s16], $0x2800  }
0x101: {  	[sflag:s16] =	ssyncset.done $0x0  }
0x102: {  	s18 =	simm.s32 $0x10;
	[sflag:s16] =	ssyncadd.s32 $0xFFFFD800  }
0x103: {  	_ =	swait.ge [sflag:s18], $0x2800  }
0x104: {  	[sflag:s18] =	ssyncset.done $0x0  }
0x105: {  	s10 =	rddreg [dreg:$0xe];
	[sflag:s18] =	ssyncadd.s32 $0xFFFFD800  }
0x106: {  	[tilespmem:s3], [sflag:$0x11] =	stream.linear.gather [hbm4b:s10+s3], $0x50, $0x38;
	[tilespmem:$0x1E400] =	vst v63  }
0x107: {  	s10 =	simm.s32 $0x11  }
0x108: {  	_ =	swait.ge [sflag:s10], $0x50  }
0x109: {  	[sflag:s10] =	ssyncset.done $0x0  }
0x10a: {  	s11 =	rddreg [dreg:$0xf];
	[sflag:s10] =	ssyncadd.s32 $0xFFFFFFB0  }
0x10b: {  	[tilespmem:s13], [sflag:$0x11] =	stream.linear.gather [hbm4b:s11+s3], $0x50, $0x38;
	[tilespmem:$0x1E400] =	vst v63  }
0x10c: {  	_ =	swait.ge [sflag:s10], $0x50  }
0x10d: {  	[sflag:s10] =	ssyncset.done $0x0  }
0x10e: {  	[sflag:s10] =	ssyncadd.s32 $0xFFFFFFB0  }
0x10f: {  	[tilespmem:s12], [sflag:$0x9] =	stream.indirect.gather [hbm4b:s4+s21], $0x80, s3, s21, $0xb8;
	[tilespmem:$0x1E400] =	vst v63  }
0x110: {  	_ =	swait.ge [sflag:s30], $0x2800  }
0x111: {  	[sflag:s30] =	ssyncset.done $0x0  }
0x112: {  	[sflag:s30] =	ssyncadd.s32 $0xFFFFD800  }
0x113: {  	[spmem:s2] =	stream.indirect.scatter.add.f32 [tilespmem:s12], [sflag:$0x11], $0x80, s13, s21, $0xb8;
	[tilespmem:$0x1E400] =	vst v63  }
0x114: {  	_ =	swait.ge [sflag:s10], $0x2800  }
0x115: {  	[sflag:s10] =	ssyncset.done $0x0  }
0x116: {  	[sflag:s10] =	ssyncadd.s32 $0xFFFFD800  }
0x117: {  	[bflag:$0x0] =	sbarrier.arrive $0xFFFF  }
0x118: {  	s12 =	rddreg [dreg:$0xd]  }
0x119: {  	s14 =	rddreg [dreg:$0x10]  }
0x11a: {  	s15 =	rddreg [dreg:$0x13]  }
0x11b: {  	[hbm:s14], [sflag:s12] =	dma.local [spmem:s15], $0x2800  }
0x11c: {  	_ =	swait.ge [sflag:s10], $0x2800  }
0x11d: {  	s16 =	rddreg [dreg:$0x12]  }
0x11e: {  	s18 =	rddreg [dreg:$0x11];
	s11 =	sadd.s32 $0x1, s16  }
0x11f: {  	p0 =	sne.s32 s11, s18  }
.Ltmp1:
0x120: {  	_ = 	snop;
	(pc) =	sbr.rel @p0 .LBB2_1-.Ltmp1, $3  }
0x121: {  	_ =	sdelay $0x1  }
0x122: {  	[sflag:s10] =	ssyncset.done $0x0  }
0x123: {  	s17 =	simm.s32 $0x380;
	[sflag:s10] =	ssyncadd.s32 $0xFFFFD800  }
0x124: {  	_ =	sfence.sel $0x180000  }
0x125: {  	[bflag:$0x0] =	sbarrier.arrive $0xFFFF  }
0x126: {  	_ =	strace $0x9000004A  }
0x127: {  	s0 =	stileid.u32;
	[bflag:$0x2] =	sbarrier.arrive $0xFFFF  }
0x128: {  	p0 =	sne.s32 s0, $0x0;
	s0 =	rddreg [dreg:$0x2]  }
0x129: {  	s0 =	sadd.s32 @!p0 $0x100000, s0  }
0x12a: {  	[sflag:s0] =	ssyncadd.tile.s32 @!p0 $0x1;
	_ =	shalt  }
.Lfunc_end2:
_tile_overlayer_lowered:
.L_overlay_start_2:
0x12b: {  	(tag) =	ssettag $0x2  }
0x12c: {  	s0 =	rddreg [dreg:$0x0];
	s2 =	stileid.u32  }
0x12d: {  	s1 =	rddreg [dreg:$0x1];
	p0 =	sne.s32 s2, $0x0  }
0x12e: {  	s3 =	rddreg [dreg:$0x2];
	[bflag:$0x3] =	sbarrier.arrive $0xFFFF;
	s2 =	simm.s32 @!p0 $0x1C11  }
0x12f: {  	[timem:s3], [sflag:s2] =	dma.local @!p0 [hbm:s0], s1  }
0x130: {  	s0 =	simm.s32 @!p0 $0x11  }
0x131: {  	_ =	swait.ge @!p0 [sflag:s0], s1  }
0x132: {  	s1 =	ssub.s32 @!p0 $0x0, s1;
	[sflag:s0] =	ssyncset.done @!p0 $0x0  }
0x133: {  	[sflag:s0] =	ssyncadd.s32 @!p0 s1  }
0x134: {  	[bflag:$0x3] =	sbarrier.arrive $0xFFFF  }
0x135: {  	_ =	shalt  }

// kernel: kernel.16.cloned.1.call-start
scs
__scs_entry_jumppad:
0x0: {  	(pc) =	sbr.rel $0x88, $3  }
0x1: {  	(tag) =	ssettag $0x0;
	lr =	simm.s32 $0x1  }
0x2: {  	[smem:$0x3F7B] =	sst lr;
	_ =	strace $0xD0000000  }
0x3: {  	_ = 	snop  }
0x4: {  	_ = 	snop  }
0x5: {  	_ = 	snop  }
0x6: {  	_ = 	snop  }
0x7: {  	_ = 	snop  }
__scs_overlays_trampoline_lowered:
0x8: {  	[smem:$0x3F8A] =	sst s0  }
0x9: {  	[smem:$0x3F8B] =	sst s1  }
0xa: {  	[smem:$0x3F8C] =	sst s2  }
0xb: {  	[smem:$0x3F8D] =	sst s3  }
0xc: {  	[smem:$0x3F8E] =	sst s4  }
0xd: {  	[smem:$0x3F8F] =	sst s5  }
0xe: {  	[smem:$0x3F90] =	sst s6  }
0xf: {  	[smem:$0x3F91] =	sst s7  }
0x10: {  	[smem:$0x3F92] =	sst s8  }
0x11: {  	[smem:$0x3F93] =	sst s9;
	s0 =	simm.s32 @!p0 $0x0  }
0x12: {  	s1 =	sld [smem:$0x3F79];
	s0 =	simm.s32 @p0 $0x1  }
0x13: {  	[smem:$0x3F94] =	sst s0;
	s0 =	simm.s32 @!p1 $0x0  }
0x14: {  	s2 =	sld [smem:$0x3F78];
	s0 =	simm.s32 @p1 $0x1  }
0x15: {  	[smem:$0x3F95] =	sst s0;
	s0 =	simm.s32 @!p2 $0x0  }
0x16: {  	s3 =	sld [smem:$0x3FDB];
	s0 =	simm.s32 @p2 $0x1  }
0x17: {  	s4 =	simm.s32 $0x1BF5;
	[smem:$0x3F97] =	sst s0  }
0x18: {  	s0 =	sld [smem:$0x3F7A];
	_ =	swait.ge [sflag:s4], $0x0  }
0x19: {  	s7 =	sld [smem:$0x3F7B]  }
0x1a: {  	s8 =	sadd.s32 $0xFFFFE003, lr  }
0x1b: {  	s9 =	sadd.s32 $0xFFFFFEF7, lr;
	s5 =	simm.s32 $0xFFFFFFFF;
	p2 =	slt.u32 s8, $0xFFFFF086  }
0x1c: {  	p1 =	slt.u32 s9, $0xF7A;
	s5 =	simm.s32 @!p2 $0x0  }
0x1d: {  	s5 =	simm.s32 @p1 $0x1;
	p0 =	seq.s32 s7, s2  }
0x1e: {  	s7 =	smul.u32 @!p0 $0xF7A, s2;
	p2 =	seq.s32 @!p0 s5, $0x0  }
0x1f: {  	s9 =	smul.u32 $0xF7A, s1;
	s8 =	simm.s32 @!p0 $0x1BF5;
	p2 =	por !p2, p0  }
0x20: {  	[sflag:s8] =	ssyncset.s32 @!p0 $0xFFFFF086;
	s6 =	sadd.s32 @!p0 s3, s7;
	s7 =	simm.s32 @!p0 $0x108  }
0x21: {  	s3 =	sadd.s32 s3, s9;
	s6 =	sadd.s32 @!p0 $0x88, s6;
	s7 =	simm.s32 @p2 $0x1082  }
0x22: {  	[simem:s7], [sflag:s8] =	dma.local @!p0 [hbm:s6], $0xF7A  }
0x23: {  	s9 =	sor.u32 $0xD0000000, s2;
	s6 =	simm.s32 $0x108;
	_ =	swait.ge @!p0 [sflag:s8], $0x0  }
0x24: {  	s3 =	sadd.s32 $0x88, s3;
	s6 =	simm.s32 @!p1 $0x1082;
	[sflag:s4] =	ssyncset.s32 $0xFFFFF086  }
0x25: {  	[simem:s6], [sflag:s4] =	dma.local [hbm:s3], $0xF7A  }
0x26: {  	[smem:$0x3F7B] =	sst s1;
	(tag) =	ssettag s2;
	_ =	strace s9  }
0x27: {  	s1 =	sld [smem:$0x3F8B]  }
0x28: {  	s2 =	sld [smem:$0x3F8C]  }
0x29: {  	s4 =	sld [smem:$0x3F8E]  }
0x2a: {  	p0 =	seq.s32 s5, $0x0;
	s5 =	sld [smem:$0x3F8F]  }
0x2b: {  	s6 =	sld [smem:$0x3F90]  }
0x2c: {  	s7 =	sld [smem:$0x3F91]  }
0x2d: {  	s3 =	simm.s32 $0x108;
	s8 =	sld [smem:$0x3F92]  }
0x2e: {  	s3 =	simm.s32 @!p0 $0x1082;
	s9 =	sld [smem:$0x3F93]  }
0x2f: {  	lr =	sadd.s32 s0, s3;
	s0 =	sld [smem:$0x3F8A]  }
0x30: {  	s3 =	sld [smem:$0x3F8D]  }
0x31: {  	[smem:$0x3F96] =	sst s10  }
0x32: {  	s10 =	sld [smem:$0x3F94];
	_ =	sdelay $0x3  }
0x33: {  	p0 =	seq.s32 s10, $0x1;
	s10 =	sld [smem:$0x3F96];
	_ =	sdelay $0x3  }
0x34: {  	[smem:$0x3F96] =	sst s10  }
0x35: {  	s10 =	sld [smem:$0x3F95];
	_ =	sdelay $0x3  }
0x36: {  	p1 =	seq.s32 s10, $0x1;
	s10 =	sld [smem:$0x3F96];
	_ =	sdelay $0x3  }
0x37: {  	[smem:$0x3F96] =	sst s10  }
0x38: {  	s10 =	sld [smem:$0x3F97]  }
0x39: {  	_ = 	snop;
	(pc) =	sbr.ind lr, $3  }
0x3a: {  	_ = 	snop  }
0x3b: {  	_ = 	snop  }
0x3c: {  	p2 =	seq.s32 s10, $0x1;
	s10 =	sld [smem:$0x3F96]  }
0x3d: {  	_ =	shalt  }
0x3e: {  	_ =	shalt  }
0x3f: {  	_ =	shalt  }
0x40: {  	_ =	shalt  }
0x41: {  	_ =	shalt  }
0x42: {  	_ =	shalt  }
0x43: {  	_ =	shalt  }
0x44: {  	_ =	shalt  }
0x45: {  	_ =	shalt  }
0x46: {  	_ =	shalt  }
0x47: {  	_ =	shalt  }
0x48: {  	_ =	shalt  }
0x49: {  	_ =	shalt  }
0x4a: {  	_ =	shalt  }
0x4b: {  	_ =	shalt  }
0x4c: {  	_ =	shalt  }
0x4d: {  	_ =	shalt  }
0x4e: {  	_ =	shalt  }
0x4f: {  	_ =	shalt  }
0x50: {  	_ =	shalt  }
0x51: {  	_ =	shalt  }
0x52: {  	_ =	shalt  }
0x53: {  	_ =	shalt  }
0x54: {  	_ =	shalt  }
0x55: {  	_ =	shalt  }
0x56: {  	_ =	shalt  }
0x57: {  	_ =	shalt  }
0x58: {  	_ =	shalt  }
0x59: {  	_ =	shalt  }
0x5a: {  	_ =	shalt  }
0x5b: {  	_ =	shalt  }
0x5c: {  	_ =	shalt  }
0x5d: {  	_ =	shalt  }
0x5e: {  	_ =	shalt  }
0x5f: {  	_ =	shalt  }
0x60: {  	_ =	shalt  }
0x61: {  	_ =	shalt  }
0x62: {  	_ =	shalt  }
0x63: {  	_ =	shalt  }
0x64: {  	_ =	shalt  }
0x65: {  	_ =	shalt  }
0x66: {  	_ =	shalt  }
0x67: {  	_ =	shalt  }
0x68: {  	_ =	shalt  }
0x69: {  	_ =	shalt  }
0x6a: {  	_ =	shalt  }
0x6b: {  	_ =	shalt  }
0x6c: {  	_ =	shalt  }
0x6d: {  	_ =	shalt  }
0x6e: {  	_ =	shalt  }
0x6f: {  	_ =	shalt  }
0x70: {  	_ =	shalt  }
0x71: {  	_ =	shalt  }
0x72: {  	_ =	shalt  }
0x73: {  	_ =	shalt  }
0x74: {  	_ =	shalt  }
0x75: {  	_ =	shalt  }
0x76: {  	_ =	shalt  }
0x77: {  	_ =	shalt  }
0x78: {  	_ =	shalt  }
0x79: {  	_ =	shalt  }
0x7a: {  	_ =	shalt  }
0x7b: {  	_ =	shalt  }
0x7c: {  	_ =	shalt  }
0x7d: {  	_ =	shalt  }
0x7e: {  	_ =	shalt  }
0x7f: {  	_ =	shalt  }
0x80: {  	_ =	shalt  }
0x81: {  	_ =	shalt  }
0x82: {  	_ =	shalt  }
0x83: {  	_ =	shalt  }
0x84: {  	_ =	shalt  }
0x85: {  	_ =	shalt  }
0x86: {  	_ =	shalt  }
0x87: {  	_ =	shalt  }
.Lfunc_end0:
.L_simem_size_0:
called_computation.2_lowered:
.L_overlay_start_0:
0x88: {  	s2 =	sld [smem:$0x3FD9]  }
0x89: {  	s3 =	sld [smem:$0x3FFE];
	_ =	sdelay $0x1  }
0x8a: {  	s1 =	srdreg.scid  }
0x8b: {  	s0 =	sand.u32 $0x1, s1  }
0x8c: {  	s16 =	sshll.u32 s0, $0xA;
	s2 =	sadd.s32 s3, s2  }
0x8d: {  	s2 =	sadd.s32 s2, s16  }
0x8e: {  	[smem:$0x3FA2] =	sst s2  }
0x8f: {  	_ = 	snop  }
0x90: {  	(tm) =	ssettm $0x1  }
0x91: {  	s17 =	sld [smem:$0x3FFB];
	_ =	sdelay $0x3  }
0x92: {  	_ =	strace s17  }
0x93: {  	s2 =	sld [smem:$0x3FFC];
	_ =	sdelay $0x3  }
0x94: {  	_ =	strace s2  }
0x95: {  	s2 =	sld [smem:$0x3FFD];
	_ =	sdelay $0x3  }
0x96: {  	_ =	strace s2  }
0x97: {  	_ =	strace $0x8FFFFFFF  }
0x98: {  	s18 =	sld [smem:$0x3FDB];
	_ =	sdelay $0x1  }
0x99: {  	s19 =	simm.s32 $_scs_section_size  }
0x9a: {  	s4 =	simm.s32 $_size__tile_overlayer_lowered;
	s5 =	simm.s32 $_tile_overlayer_lowered  }
0x9b: {  	s22 =	simm.s32 $0x1BFF;
	s21 =	sshll.u32 s5, $0x1;
	s2 =	sadd.s32 s19, s18  }
0x9c: {  	s6 =	simm.s32 $0x0;
	s20 =	sshll.u32 s4, $0x1;
	s4 =	sadd.s32 s21, s2  }
0x9d: {  	[timem:s6], [sflag:s22] =	dma.local [hbm:s4], s20  }
0x9e: {  	_ =	swait.ge [sflag:s22], s20  }
0x9f: {  	s3 =	ssub.s32 $0x0, s20;
	[sflag:s22] =	ssyncset.done $0x0  }
0xa0: {  	[sflag:s22] =	ssyncadd.s32 s3;
	_ =	sdelay $0x1  }
0xa1: {  	s23 =	simm.s32 $0x1B8B  }
0xa2: {  	_ =	swait.ge [sflag:s23], $0x1  }
0xa3: {  	[sflag:s23] =	ssyncset.done $0x0  }
0xa4: {  	s25 =	simm.s32 $0x1B8E;
	s24 =	sld [smem:$0x3FFE];
	[sflag:s23] =	ssyncadd.s32 $0xFFFFFFFF  }
0xa5: {  	s26 =	simm.s32 $execute0_lowered;
	[smem:$0x3FD2] =	sst s25  }
0xa6: {  	s4 =	sshll.u32 s26, $0x1;
	_ =	strace $0x8000004C;
	[dreg:$0x1] =	wrdreg $0xFFFFFFFF  }
0xa7: {  	s28 =	simm.s32 $_size_execute0_lowered;
	s2 =	sadd.s32 s2, s4;
	[dreg:$0x0] =	wrdreg $0x0  }
0xa8: {  	s4 =	sshll.u32 s28, $0x1;
	[dreg:$0x2] =	wrdreg s2  }
0xa9: {  	[dreg:$0x3] =	wrdreg s4  }
0xaa: {  	[dreg:$0x4] =	wrdreg $0xC0  }
0xab: {  	_ =	task [dreg:s6], $0x5FFFF  }
0xac: {  	[dreg:$0x1] =	wrdreg $0xFFFFFFFF  }
0xad: {  	[dreg:$0x0] =	wrdreg $0x60  }
0xae: {  	[dreg:$0x2] =	wrdreg s24  }
0xaf: {  	[dreg:$0x3] =	wrdreg $0xA4000  }
0xb0: {  	[dreg:$0x4] =	wrdreg $0x9  }
0xb1: {  	_ =	task.clear_ibuf [dreg:s6], $0x5FFFF;
	_ =	strace $0x9000004C  }
0xb2: {  	s29 =	simm.s32 $0x9;
	_ =	strace $0x8000004E  }
0xb3: {  	_ =	swait.ge [sflag:s29], $0x1  }
0xb4: {  	[sflag:s29] =	ssyncadd.s32 $0xFFFFFFFF  }
0xb5: {  	_ =	strace $0x9000004E  }
0xb6: {  	_ =	sfence  }
0xb7: {  	s30 =	sld [smem:$0x0];
	_ =	sdelay $0x2  }
0xb8: {  	s31 =	sshll.u32 s1, $0xD;
	s1 =	sshrl.u32 s1, $0x2  }
0xb9: {  	s3 =	sand.u32 $0x4000, s31;
	s1 =	sadd.s32 s1, s30  }
0xba: {  	s0 =	sor.u32 s3, s0;
	s1 =	sshll.u32 s1, $0x11  }
0xbb: {  	s0 =	sor.u32 s1, s0  }
0xbc: {  	s0 =	sadd.s32 $0x8F2B, s0  }
0xbd: {  	[sflag:s0] =	ssyncadd.remote.s32 $0x1  }
0xbe: {  	_ =	sfence.sel $0xFFFF  }
0xbf: {  	[dreg:$0x0] =	wrdreg $0xFFFFFFFF;
	(pc) =	sbr.abs _section_cstart, $3  }
0xc0: {  	[dreg:$0x1] =	wrdreg $0xFFFFFFFF  }
0xc1: {  	_ =	task.clear_ibuf [dreg:s6], $0x2FFFF;
	_ =	strace $0x9FFFFFFF  }
0xc2: {  	(tm) =	ssettm $0x7FFFFFFF  }
0xc3: {  	_ =	shalt  }
tec
execute0_lowered:
.L_overlay_start_1:
0x0: {  	(tag) =	ssettag $0x1  }
0x1: {  	s0 =	rddreg [dreg:$0x0];
	s1 =	srdreg.scid  }
0x2: {  	s2 =	rddreg [dreg:$0x1];
	s12 =	stileid.u32  }
0x3: {  	s3 =	simm.s32 $0x0;
	s28 =	simm.s32 $0x4;
	s29 =	simm.s32 $0x7C00  }
0x4: {  	s30 =	simm.s32 $0x9;
	s31 =	simm.s32 $0x5;
	s1 =	sand.u32 $0x1, s1  }
0x5: {  	s6 =	smul.u32 $0x14000, s12;
	[smem:$0x7FF] =	sst s3;
	s4 =	sadd.s32 $0x1D200, s0  }
0x6: {  	s7 =	sadd.s32 $0x6E00, s0;
	s8 =	sadd.s32 $0x1AA00, s0;
	s25 =	smul.u32 $0x50000, s12  }
0x7: {  	s9 =	sshll.u32 s12, $0x1;
	s10 =	smul.u32 $0x4E20, s12;
	s12 =	sshll.u32 s12, $0x6  }
0x8: {  	s5 =	smul.u32 $0x140000, s1;
	_ =	strace $0x8000004D;
	[dreg:$0xb] =	wrdreg s8  }
0x9: {  	s26 =	ssub.s32 $0x2, s1;
	s9 =	sor.u32 s1, s9;
	s1 =	smul.u32 $0x2710, s1  }
0xa: {  	s12 =	sor.u32 $0x1C11, s12;
	s11 =	sshrl.u32 s26, $0x1;
	s9 =	smul.u32 $0x2710, s9  }
0xb: {  	[dreg:$0xd] =	wrdreg s12;
	s5 =	sadd.s32 s6, s5;
	s6 =	sadd.s32 $0x10C00, s0  }
0xc: {  	s8 =	ssub.s32 s26, s11;
	s1 =	sadd.s32 s1, s10;
	s10 =	simm.s32 $0x11  }
0xd: {  	s11 =	simm.s32 $0x0;
	s5 =	sshrl.u32 s5, $0x3;
	s13 =	sshrl.u32 s9, $0x3  }
0xe: {  	s14 =	sshrl.u32 s1, $0x3;
	s16 =	sadd.s32 $0xF0, s1;
	s19 =	sadd.s32 $0xA0, s1  }
0xf: {  	s1 =	sadd.s32 $0x50, s1;
	s26 =	smax.u32 s8, $0x1;
	s8 =	simm.s32 $0xC  }
0x10: {  	s0 =	sadd.s32 s5, s0;
	s15 =	sadd.s32 s14, s7;
	[dreg:$0x11] =	wrdreg s26  }
0x11: {  	s5 =	sshrl.u32 s25, $0x2;
	s9 =	sadd.s32 s14, s6;
	[dreg:$0x3] =	wrdreg s15  }
0x12: {  	s17 =	sshrl.u32 s16, $0x3;
	s5 =	sadd.s32 s5, s2;
	[dreg:$0x4] =	wrdreg s9  }
0x13: {  	s21 =	sshrl.u32 s19, $0x3;
	s18 =	sadd.s32 s17, s7;
	[dreg:$0xc] =	wrdreg s5  }
0x14: {  	s1 =	sshrl.u32 s1, $0x3;
	s20 =	sadd.s32 s17, s6;
	[dreg:$0x5] =	wrdreg s18  }
0x15: {  	s26 =	simm.s32 $0x5400;
	s22 =	sadd.s32 s21, s7;
	[dreg:$0x6] =	wrdreg s20  }
0x16: {  	s19 =	simm.s32 $0x300;
	s23 =	sadd.s32 s21, s6;
	[dreg:$0x7] =	wrdreg s22  }
0x17: {  	s25 =	sadd.s32 s1, s7;
	s1 =	sadd.s32 s1, s6;
	[dreg:$0x8] =	wrdreg s23  }
0x18: {  	s0 =	sadd.s32 $0x44400, s0;
	s17 =	simm.s32 $0x380;
	[dreg:$0x9] =	wrdreg s25  }
0x19: {  	s21 =	simm.s32 $0x50;
	s9 =	simm.s32 $0x8;
	[dreg:$0x10] =	wrdreg s0  }
0x1a: {  	s5 =	sadd.s32 $0x4D8, s13;
	[dreg:$0xa] =	wrdreg s1;
	s20 =	simm.s32 $0x1  }
0x1b: {  	s23 =	simm.s32 $0x2;
	s25 =	simm.s32 $0x3;
	s0 =	simm.s32 $0xA  }
0x1c: {  	s1 =	simm.s32 $0x6;
	s22 =	simm.s32 $0x380;
	s24 =	sadd.s32 s6, s5  }
0x1d: {  	s5 =	sadd.s32 s7, s5;
	s6 =	simm.s32 $0x7;
	[dreg:$0xe] =	wrdreg s24  }
0x1e: {  	[dreg:$0xf] =	wrdreg s5;
	s24 =	simm.s32 $0x2C00;
	s5 =	simm.s32 $0xB  }
.LBB2_1:
0x1f: {  	[dreg:$0x12] =	wrdreg s11  }
0x20: {  	s7 =	rddreg [dreg:$0xc]  }
0x21: {  	s18 =	rddreg [dreg:$0xb];
	s16 =	sshrl.u32 s7, $0x3  }
0x22: {  	[dreg:$0x13] =	wrdreg s16  }
0x23: {  	[spmem:s16], [sflag:s12] =	dma.local [hbm:s18], $0x2800  }
0x24: {  	_ =	swait.ge [sflag:s10], $0x2800  }
0x25: {  	[sflag:s10] =	ssyncset.done $0x0  }
0x26: {  	p0 =	por $0x1, $0x1;
	[sflag:s10] =	ssyncadd.s32 $0xFFFFD800  }
0x27: {  	s7 =	simm.s32 @!p0 $0xD;
	[bflag:$0x0] =	sbarrier.arrive $0xFFFF  }
0x28: {  	_ =	swait.ge @!p0 [sflag:s7], $0x2800  }
0x29: {  	s12 =	rddreg [dreg:$0x4];
	[sflag:s7] =	ssyncset.done @!p0 $0x0  }
0x2a: {  	s13 =	rddreg [dreg:$0x3];
	[sflag:s7] =	ssyncadd.s32 @!p0 $0xFFFFD800;
	s14 =	sadd.s32 $0x0, s12  }
0x2b: {  	[tilespmem:s3], [sflag:$0x1] =	stream.linear.gather [hbm4b:s14+s3], $0x50, $0x38;
	[tilespmem:$0x1E400] =	vst v63  }
0x2c: {  	s11 =	simm.s32 @!p0 $0xE;
	s10 =	simm.s32 $0x200;
	s15 =	sadd.s32 $0x0, s13  }
0x2d: {  	[tilespmem:s10], [sflag:$0x5] =	stream.linear.gather [hbm4b:s15+s3], $0x50, $0x38;
	[tilespmem:$0x1E400] =	vst v63  }
0x2e: {  	_ =	swait.ge @!p0 [sflag:s11], $0x2800  }
0x2f: {  	s13 =	simm.s32 $0x80;
	s16 =	rddreg [dreg:$0xa];
	[sflag:s11] =	ssyncset.done @!p0 $0x0  }
0x30: {  	s18 =	rddreg [dreg:$0x9];
	[sflag:s11] =	ssyncadd.s32 @!p0 $0xFFFFD800;
	s7 =	sadd.s32 $0x0, s16  }
0x31: {  	[tilespmem:s13], [sflag:$0x2] =	stream.linear.gather [hbm4b:s7+s3], $0x50, $0x38;
	[tilespmem:$0x1E400] =	vst v63  }
0x32: {  	s14 =	simm.s32 $0x280;
	s12 =	sadd.s32 $0x0, s18;
	s11 =	simm.s32 @!p0 $0xF  }
0x33: {  	[tilespmem:s14], [sflag:$0x6] =	stream.linear.gather [hbm4b:s12+s3], $0x50, $0x38;
	[tilespmem:$0x1E400] =	vst v63  }
0x34: {  	_ =	swait.ge @!p0 [sflag:s11], $0x2800  }
0x35: {  	s15 =	rddreg [dreg:$0x8]  }
0x36: {  	[sflag:s11] =	ssyncset.done @!p0 $0x0;
	s16 =	rddreg [dreg:$0x7]  }
0x37: {  	[sflag:s11] =	ssyncadd.s32 @!p0 $0xFFFFD800;
	s7 =	sadd.s32 $0x0, s15;
	s15 =	simm.s32 $0x100  }
0x38: {  	[tilespmem:s15], [sflag:$0x3] =	stream.linear.gather [hbm4b:s7+s3], $0x50, $0x38;
	[tilespmem:$0x1E400] =	vst v63  }
0x39: {  	s18 =	sadd.s32 $0x0, s16;
	s11 =	simm.s32 @!p0 $0x10;
	s16 =	simm.s32 $0x300  }
0x3a: {  	[tilespmem:s16], [sflag:$0x7] =	stream.linear.gather [hbm4b:s18+s3], $0x50, $0x38;
	[tilespmem:$0x1E400] =	vst v63  }
0x3b: {  	_ =	swait.ge @!p0 [sflag:s11], $0x2800  }
0x3c: {  	s12 =	rddreg [dreg:$0x6]  }
0x3d: {  	[sflag:s11] =	ssyncset.done @!p0 $0x0;
	s18 =	rddreg [dreg:$0x5]  }
0x3e: {  	[sflag:s11] =	ssyncadd.s32 @!p0 $0xFFFFD800;
	s7 =	sadd.s32 $0x0, s12;
	s11 =	simm.s32 $0x180  }
0x3f: {  	[tilespmem:s11], [sflag:$0x4] =	stream.linear.gather [hbm4b:s7+s3], $0x50, $0x38;
	[tilespmem:$0x1E400] =	vst v63  }
0x40: {  	s12 =	sadd.s32 $0x0, s18  }
0x41: {  	[tilespmem:s17], [sflag:$0x8] =	stream.linear.gather [hbm4b:s12+s3], $0x50, $0x38;
	[tilespmem:$0x1E400] =	vst v63  }
0x42: {  	_ =	swait.ge [sflag:s20], $0x50  }
0x43: {  	[sflag:s20] =	ssyncset.done $0x0  }
0x44: {  	s18 =	simm.s32 $0x400;
	[sflag:s20] =	ssyncadd.s32 $0xFFFFFFB0  }
0x45: {  	[tilespmem:s18], [sflag:$0x9] =	stream.indirect.gather [hbm4b:s4+s21], $0x80, s3, s21, $0xb8;
	[tilespmem:$0x1E400] =	vst v63  }
0x46: {  	_ =	swait.ge [sflag:s23], $0x50  }
0x47: {  	[sflag:s23] =	ssyncset.done $0x0  }
0x48: {  	[sflag:s23] =	ssyncadd.s32 $0xFFFFFFB0  }
0x49: {  	[tilespmem:s24], [sflag:$0xA] =	stream.indirect.gather [hbm4b:s4+s21], $0x80, s13, s21, $0xb8;
	[tilespmem:$0x1E400] =	vst v63  }
0x4a: {  	_ =	swait.ge [sflag:s25], $0x50  }
0x4b: {  	[sflag:s25] =	ssyncset.done $0x0  }
0x4c: {  	[sflag:s25] =	ssyncadd.s32 $0xFFFFFFB0  }
0x4d: {  	[tilespmem:s26], [sflag:$0xB] =	stream.indirect.gather [hbm4b:s4+s21], $0x80, s15, s21, $0xb8;
	[tilespmem:$0x1E400] =	vst v63  }
0x4e: {  	_ =	swait.ge [sflag:s28], $0x50  }
0x4f: {  	[sflag:s28] =	ssyncset.done $0x0  }
0x50: {  	[sflag:s28] =	ssyncadd.s32 $0xFFFFFFB0  }
0x51: {  	[tilespmem:s29], [sflag:$0xC] =	stream.indirect.gather [hbm4b:s4+s21], $0x80, s11, s21, $0xb8;
	[tilespmem:$0x1E400] =	vst v63  }
0x52: {  	_ =	swait.ge [sflag:s30], $0x2800  }
0x53: {  	[sflag:s30] =	ssyncset.done $0x0  }
0x54: {  	[sflag:s30] =	ssyncadd.s32 $0xFFFFD800  }
0x55: {  	_ =	swait.ge [sflag:s31], $0x50  }
0x56: {  	[sflag:s31] =	ssyncset.done $0x0  }
0x57: {  	[sflag:s31] =	ssyncadd.s32 $0xFFFFFFB0  }
0x58: {  	[spmem:s2] =	stream.indirect.scatter.add.f32 [tilespmem:s18], [sflag:$0xD], $0x80, s10, s21, $0xb8;
	[tilespmem:$0x1E400] =	vst v63  }
0x59: {  	_ =	swait.ge [sflag:s0], $0x2800  }
0x5a: {  	[sflag:s0] =	ssyncset.done $0x0  }
0x5b: {  	[sflag:s0] =	ssyncadd.s32 $0xFFFFD800  }
0x5c: {  	_ =	swait.ge [sflag:s1], $0x50  }
0x5d: {  	[sflag:s1] =	ssyncset.done $0x0  }
0x5e: {  	[sflag:s1] =	ssyncadd.s32 $0xFFFFFFB0  }
0x5f: {  	[spmem:s2] =	stream.indirect.scatter.add.f32 [tilespmem:s24], [sflag:$0xE], $0x80, s14, s21, $0xb8;
	[tilespmem:$0x1E400] =	vst v63  }
0x60: {  	_ =	swait.ge [sflag:s5], $0x2800  }
0x61: {  	[sflag:s5] =	ssyncset.done $0x0  }
0x62: {  	[sflag:s5] =	ssyncadd.s32 $0xFFFFD800  }
0x63: {  	_ =	swait.ge [sflag:s6], $0x50  }
0x64: {  	[sflag:s6] =	ssyncset.done $0x0  }
0x65: {  	[sflag:s6] =	ssyncadd.s32 $0xFFFFFFB0  }
0x66: {  	[spmem:s2] =	stream.indirect.scatter.add.f32 [tilespmem:s26], [sflag:$0xF], $0x80, s16, s21, $0xb8;
	[tilespmem:$0x1E400] =	vst v63  }
0x67: {  	_ =	swait.ge [sflag:s8], $0x2800  }
0x68: {  	[sflag:s8] =	ssyncset.done $0x0  }
0x69: {  	[sflag:s8] =	ssyncadd.s32 $0xFFFFD800  }
0x6a: {  	p1 =	por $0x0, $0x0;
	_ =	swait.ge [sflag:s9], $0x50  }
0x6b: {  	s7 =	simm.s32 $0x28;
	s11 =	simm.s32 $0x50;
	[sflag:s9] =	ssyncset.done $0x0  }
.LBB2_2:
0x6c: {  	s10 =	simm.s32 @!p1 $0xD;
	[sflag:s9] =	ssyncadd.s32 $0xFFFFFFB0  }
0x6d: {  	[spmem:s2] =	stream.indirect.scatter.add.f32 [tilespmem:s29], [sflag:$0x10], $0x80, s22, s21, $0xb8;
	[tilespmem:$0x1E400] =	vst v63  }
0x6e: {  	_ =	swait.ge @!p1 [sflag:s10], $0x2800  }
0x6f: {  	[sflag:s10] =	ssyncset.done @!p1 $0x0;
	s13 =	rddreg [dreg:$0x4]  }
0x70: {  	s17 =	rddreg [dreg:$0x3];
	[sflag:s10] =	ssyncadd.s32 @!p1 $0xFFFFD800;
	s13 =	sadd.s32 s7, s13  }
0x71: {  	[tilespmem:s3], [sflag:$0x1] =	stream.linear.gather [hbm4b:s13+s3], $0x50, $0x38;
	[tilespmem:$0x1E400] =	vst v63  }
0x72: {  	s15 =	simm.s32 $0x200;
	s10 =	sadd.s32 s7, s17;
	s13 =	simm.s32 @!p1 $0xE  }
0x73: {  	[tilespmem:s15], [sflag:$0x5] =	stream.linear.gather [hbm4b:s10+s3], $0x50, $0x38;
	[tilespmem:$0x1E400] =	vst v63  }
0x74: {  	_ =	swait.ge @!p1 [sflag:s13], $0x2800  }
0x75: {  	s16 =	simm.s32 $0x80;
	s18 =	rddreg [dreg:$0xa];
	[sflag:s13] =	ssyncset.done @!p1 $0x0  }
0x76: {  	s14 =	rddreg [dreg:$0x9];
	[sflag:s13] =	ssyncadd.s32 @!p1 $0xFFFFD800;
	s10 =	sadd.s32 s7, s18  }
0x77: {  	[tilespmem:s16], [sflag:$0x2] =	stream.linear.gather [hbm4b:s10+s3], $0x50, $0x38;
	[tilespmem:$0x1E400] =	vst v63  }
0x78: {  	s17 =	simm.s32 $0x280;
	s14 =	sadd.s32 s7, s14;
	s13 =	simm.s32 @!p1 $0xF  }
0x79: {  	[tilespmem:s17], [sflag:$0x6] =	stream.linear.gather [hbm4b:s14+s3], $0x50, $0x38;
	[tilespmem:$0x1E400] =	vst v63  }
0x7a: {  	_ =	swait.ge @!p1 [sflag:s13], $0x2800  }
0x7b: {  	s18 =	rddreg [dreg:$0x8]  }
0x7c: {  	[sflag:s13] =	ssyncset.done @!p1 $0x0;
	s14 =	rddreg [dreg:$0x7]  }
0x7d: {  	[sflag:s13] =	ssyncadd.s32 @!p1 $0xFFFFD800;
	s10 =	sadd.s32 s7, s18;
	s18 =	simm.s32 $0x100  }
0x7e: {  	[tilespmem:s18], [sflag:$0x3] =	stream.linear.gather [hbm4b:s10+s3], $0x50, $0x38;
	[tilespmem:$0x1E400] =	vst v63  }
0x7f: {  	s14 =	sadd.s32 s7, s14;
	s13 =	simm.s32 @!p1 $0x10  }
0x80: {  	[tilespmem:s19], [sflag:$0x7] =	stream.linear.gather [hbm4b:s14+s3], $0x50, $0x38;
	[tilespmem:$0x1E400] =	vst v63  }
0x81: {  	_ =	swait.ge @!p1 [sflag:s13], $0x2800  }
0x82: {  	s10 =	rddreg [dreg:$0x6]  }
0x83: {  	[sflag:s13] =	ssyncset.done @!p1 $0x0;
	s14 =	rddreg [dreg:$0x5]  }
0x84: {  	[sflag:s13] =	ssyncadd.s32 @!p1 $0xFFFFD800;
	s10 =	sadd.s32 s7, s10;
	s13 =	simm.s32 $0x180  }
0x85: {  	[tilespmem:s13], [sflag:$0x4] =	stream.linear.gather [hbm4b:s10+s3], $0x50, $0x38;
	[tilespmem:$0x1E400] =	vst v63  }
0x86: {  	s14 =	sadd.s32 s7, s14  }
0x87: {  	[tilespmem:s22], [sflag:$0x8] =	stream.linear.gather [hbm4b:s14+s3], $0x50, $0x38;
	[tilespmem:$0x1E400] =	vst v63  }
0x88: {  	_ =	swait.ge [sflag:s20], $0x50  }
0x89: {  	[sflag:s20] =	ssyncset.done $0x0  }
0x8a: {  	s14 =	simm.s32 $0x400;
	[sflag:s20] =	ssyncadd.s32 $0xFFFFFFB0  }
0x8b: {  	[tilespmem:s14], [sflag:$0x9] =	stream.indirect.gather [hbm4b:s4+s21], $0x80, s3, s21, $0xb8;
	[tilespmem:$0x1E400] =	vst v63  }
0x8c: {  	_ =	swait.ge [sflag:s23], $0x50  }
0x8d: {  	[sflag:s23] =	ssyncset.done $0x0  }
0x8e: {  	[sflag:s23] =	ssyncadd.s32 $0xFFFFFFB0  }
0x8f: {  	[tilespmem:s24], [sflag:$0xA] =	stream.indirect.gather [hbm4b:s4+s21], $0x80, s16, s21, $0xb8;
	[tilespmem:$0x1E400] =	vst v63  }
0x90: {  	_ =	swait.ge [sflag:s25], $0x50  }
0x91: {  	[sflag:s25] =	ssyncset.done $0x0  }
0x92: {  	[sflag:s25] =	ssyncadd.s32 $0xFFFFFFB0  }
0x93: {  	[tilespmem:s26], [sflag:$0xB] =	stream.indirect.gather [hbm4b:s4+s21], $0x80, s18, s21, $0xb8;
	[tilespmem:$0x1E400] =	vst v63  }
0x94: {  	_ =	swait.ge [sflag:s28], $0x50  }
0x95: {  	[sflag:s28] =	ssyncset.done $0x0  }
0x96: {  	[sflag:s28] =	ssyncadd.s32 $0xFFFFFFB0  }
0x97: {  	[tilespmem:s29], [sflag:$0xC] =	stream.indirect.gather [hbm4b:s4+s21], $0x80, s13, s21, $0xb8;
	[tilespmem:$0x1E400] =	vst v63  }
0x98: {  	_ =	swait.ge [sflag:s30], $0x2800  }
0x99: {  	[sflag:s30] =	ssyncset.done $0x0  }
0x9a: {  	[sflag:s30] =	ssyncadd.s32 $0xFFFFD800  }
0x9b: {  	_ =	swait.ge [sflag:s31], $0x50  }
0x9c: {  	[sflag:s31] =	ssyncset.done $0x0  }
0x9d: {  	[sflag:s31] =	ssyncadd.s32 $0xFFFFFFB0  }
0x9e: {  	[spmem:s2] =	stream.indirect.scatter.add.f32 [tilespmem:s14], [sflag:$0xD], $0x80, s15, s21, $0xb8;
	[tilespmem:$0x1E400] =	vst v63  }
0x9f: {  	_ =	swait.ge [sflag:s0], $0x2800  }
0xa0: {  	[sflag:s0] =	ssyncset.done $0x0  }
0xa1: {  	[sflag:s0] =	ssyncadd.s32 $0xFFFFD800  }
0xa2: {  	_ =	swait.ge [sflag:s1], $0x50  }
0xa3: {  	[sflag:s1] =	ssyncset.done $0x0  }
0xa4: {  	[sflag:s1] =	ssyncadd.s32 $0xFFFFFFB0  }
0xa5: {  	[spmem:s2] =	stream.indirect.scatter.add.f32 [tilespmem:s24], [sflag:$0xE], $0x80, s17, s21, $0xb8;
	[tilespmem:$0x1E400] =	vst v63  }
0xa6: {  	_ =	swait.ge [sflag:s5], $0x2800  }
0xa7: {  	[sflag:s5] =	ssyncset.done $0x0  }
0xa8: {  	[sflag:s5] =	ssyncadd.s32 $0xFFFFD800  }
0xa9: {  	_ =	swait.ge [sflag:s6], $0x50  }
0xaa: {  	s12 =	smov.u32 s11;
	s11 =	sadd.s32 $0x28, s11;
	[sflag:s6] =	ssyncset.done $0x0  }
0xab: {  	p0 =	sne.s32 s11, $0x4D8;
	[sflag:s6] =	ssyncadd.s32 $0xFFFFFFB0  }
0xac: {  	[spmem:s2] =	stream.indirect.scatter.add.f32 [tilespmem:s26], [sflag:$0xF], $0x80, s19, s21, $0xb8;
	[tilespmem:$0x1E400] =	vst v63  }
.Ltmp0:
0xad: {  	_ =	swait.ge [sflag:s8], $0x2800;
	(pc) =	sbr.rel @p0 .LBB2_2-.Ltmp0, $4  }
0xae: {  	[sflag:s8] =	ssyncset.done $0x0  }
0xaf: {  	[sflag:s8] =	ssyncadd.s32 $0xFFFFD800  }
0xb0: {  	s7 =	smov.u32 s12;
	_ =	swait.ge [sflag:s9], $0x50  }
0xb1: {  	p1 =	seq.s32 s7, $0x0;
	[sflag:s9] =	ssyncset.done $0x0  }
0xb2: {  	s10 =	simm.s32 @!p1 $0xD;
	[sflag:s9] =	ssyncadd.s32 $0xFFFFFFB0;
	s18 =	simm.s32 $0x380  }
0xb3: {  	[spmem:s2] =	stream.indirect.scatter.add.f32 [tilespmem:s29], [sflag:$0x10], $0x80, s18, s21, $0xb8;
	[tilespmem:$0x1E400] =	vst v63  }
0xb4: {  	_ =	swait.ge @!p1 [sflag:s10], $0x2800  }
0xb5: {  	s11 =	rddreg [dreg:$0x4];
	[sflag:s10] =	ssyncset.done @!p1 $0x0  }
0xb6: {  	s12 =	rddreg [dreg:$0x3];
	[sflag:s10] =	ssyncadd.s32 @!p1 $0xFFFFD800;
	s14 =	sadd.s32 s7, s11  }
0xb7: {  	[tilespmem:s3], [sflag:$0x1] =	stream.linear.gather [hbm4b:s14+s3], $0x50, $0x38;
	[tilespmem:$0x1E400] =	vst v63  }
0xb8: {  	s13 =	simm.s32 $0x200;
	s15 =	sadd.s32 s7, s12;
	s11 =	simm.s32 @!p1 $0xE  }
0xb9: {  	[tilespmem:s13], [sflag:$0x5] =	stream.linear.gather [hbm4b:s15+s3], $0x50, $0x38;
	[tilespmem:$0x1E400] =	vst v63  }
0xba: {  	_ =	swait.ge @!p1 [sflag:s11], $0x2800  }
0xbb: {  	s14 =	simm.s32 $0x80;
	s16 =	rddreg [dreg:$0xa];
	[sflag:s11] =	ssyncset.done @!p1 $0x0  }
0xbc: {  	s17 =	rddreg [dreg:$0x9];
	[sflag:s11] =	ssyncadd.s32 @!p1 $0xFFFFD800;
	s10 =	sadd.s32 s7, s16  }
0xbd: {  	[tilespmem:s14], [sflag:$0x2] =	stream.linear.gather [hbm4b:s10+s3], $0x50, $0x38;
	[tilespmem:$0x1E400] =	vst v63  }
0xbe: {  	s15 =	simm.s32 $0x280;
	s12 =	sadd.s32 s7, s17;
	s11 =	simm.s32 @!p1 $0xF  }
0xbf: {  	[tilespmem:s15], [sflag:$0x6] =	stream.linear.gather [hbm4b:s12+s3], $0x50, $0x38;
	[tilespmem:$0x1E400] =	vst v63  }
0xc0: {  	_ =	swait.ge @!p1 [sflag:s11], $0x2800  }
0xc1: {  	s16 =	rddreg [dreg:$0x8]  }
0xc2: {  	[sflag:s11] =	ssyncset.done @!p1 $0x0;
	s17 =	rddreg [dreg:$0x7]  }
0xc3: {  	[sflag:s11] =	ssyncadd.s32 @!p1 $0xFFFFD800;
	s10 =	sadd.s32 s7, s16;
	s16 =	simm.s32 $0x100  }
0xc4: {  	[tilespmem:s16], [sflag:$0x3] =	stream.linear.gather [hbm4b:s10+s3], $0x50, $0x38;
	[tilespmem:$0x1E400] =	vst v63  }
0xc5: {  	s12 =	sadd.s32 s7, s17;
	s11 =	simm.s32 @!p1 $0x10;
	s17 =	simm.s32 $0x300  }
0xc6: {  	[tilespmem:s17], [sflag:$0x7] =	stream.linear.gather [hbm4b:s12+s3], $0x50, $0x38;
	[tilespmem:$0x1E400] =	vst v63  }
0xc7: {  	_ =	swait.ge @!p1 [sflag:s11], $0x2800  }
0xc8: {  	s10 =	rddreg [dreg:$0x6]  }
0xc9: {  	[sflag:s11] =	ssyncset.done @!p1 $0x0;
	s12 =	rddreg [dreg:$0x5]  }
0xca: {  	[sflag:s11] =	ssyncadd.s32 @!p1 $0xFFFFD800;
	s10 =	sadd.s32 s7, s10;
	s11 =	simm.s32 $0x180  }
0xcb: {  	[tilespmem:s11], [sflag:$0x4] =	stream.linear.gather [hbm4b:s10+s3], $0x50, $0x38;
	[tilespmem:$0x1E400] =	vst v63  }
0xcc: {  	s12 =	sadd.s32 s7, s12  }
0xcd: {  	[tilespmem:s18], [sflag:$0x8] =	stream.linear.gather [hbm4b:s12+s3], $0x50, $0x38;
	[tilespmem:$0x1E400] =	vst v63  }
0xce: {  	_ =	swait.ge [sflag:s20], $0x50  }
0xcf: {  	[sflag:s20] =	ssyncset.done $0x0  }
0xd0: {  	s12 =	simm.s32 $0x400;
	[sflag:s20] =	ssyncadd.s32 $0xFFFFFFB0  }
0xd1: {  	[tilespmem:s12], [sflag:$0x9] =	stream.indirect.gather [hbm4b:s4+s21], $0x80, s3, s21, $0xb8;
	[tilespmem:$0x1E400] =	vst v63  }
0xd2: {  	_ =	swait.ge [sflag:s23], $0x50  }
0xd3: {  	[sflag:s23] =	ssyncset.done $0x0  }
0xd4: {  	[sflag:s23] =	ssyncadd.s32 $0xFFFFFFB0  }
0xd5: {  	[tilespmem:s24], [sflag:$0xA] =	stream.indirect.gather [hbm4b:s4+s21], $0x80, s14, s21, $0xb8;
	[tilespmem:$0x1E400] =	vst v63  }
0xd6: {  	_ =	swait.ge [sflag:s25], $0x50  }
0xd7: {  	[sflag:s25] =	ssyncset.done $0x0  }
0xd8: {  	[sflag:s25] =	ssyncadd.s32 $0xFFFFFFB0  }
0xd9: {  	[tilespmem:s26], [sflag:$0xB] =	stream.indirect.gather [hbm4b:s4+s21], $0x80, s16, s21, $0xb8;
	[tilespmem:$0x1E400] =	vst v63  }
0xda: {  	_ =	swait.ge [sflag:s28], $0x50  }
0xdb: {  	[sflag:s28] =	ssyncset.done $0x0  }
0xdc: {  	[sflag:s28] =	ssyncadd.s32 $0xFFFFFFB0  }
0xdd: {  	[tilespmem:s29], [sflag:$0xC] =	stream.indirect.gather [hbm4b:s4+s21], $0x80, s11, s21, $0xb8;
	[tilespmem:$0x1E400] =	vst v63  }
0xde: {  	_ =	swait.ge [sflag:s30], $0x2800  }
0xdf: {  	[sflag:s30] =	ssyncset.done $0x0  }
0xe0: {  	[sflag:s30] =	ssyncadd.s32 $0xFFFFD800  }
0xe1: {  	_ =	swait.ge [sflag:s31], $0x50  }
0xe2: {  	[sflag:s31] =	ssyncset.done $0x0  }
0xe3: {  	[sflag:s31] =	ssyncadd.s32 $0xFFFFFFB0  }
0xe4: {  	[spmem:s2] =	stream.indirect.scatter.add.f32 [tilespmem:s12], [sflag:$0xD], $0x80, s13, s21, $0xb8;
	[tilespmem:$0x1E400] =	vst v63  }
0xe5: {  	_ =	swait.ge [sflag:s0], $0x2800  }
0xe6: {  	[sflag:s0] =	ssyncset.done $0x0  }
0xe7: {  	[sflag:s0] =	ssyncadd.s32 $0xFFFFD800  }
0xe8: {  	_ =	swait.ge [sflag:s1], $0x50  }
0xe9: {  	[sflag:s1] =	ssyncset.done $0x0  }
0xea: {  	[sflag:s1] =	ssyncadd.s32 $0xFFFFFFB0  }
0xeb: {  	[spmem:s2] =	stream.indirect.scatter.add.f32 [tilespmem:s24], [sflag:$0xE], $0x80, s15, s21, $0xb8;
	[tilespmem:$0x1E400] =	vst v63  }
0xec: {  	_ =	swait.ge [sflag:s5], $0x2800  }
0xed: {  	[sflag:s5] =	ssyncset.done $0x0  }
0xee: {  	[sflag:s5] =	ssyncadd.s32 $0xFFFFD800  }
0xef: {  	_ =	swait.ge [sflag:s6], $0x50  }
0xf0: {  	[sflag:s6] =	ssyncset.done $0x0  }
0xf1: {  	[sflag:s6] =	ssyncadd.s32 $0xFFFFFFB0  }
0xf2: {  	[spmem:s2] =	stream.indirect.scatter.add.f32 [tilespmem:s26], [sflag:$0xF], $0x80, s17, s21, $0xb8;
	[tilespmem:$0x1E400] =	vst v63  }
0xf3: {  	_ =	swait.ge [sflag:s8], $0x2800  }
0xf4: {  	[sflag:s8] =	ssyncset.done $0x0  }
0xf5: {  	[sflag:s8] =	ssyncadd.s32 $0xFFFFD800  }
0xf6: {  	_ =	swait.ge [sflag:s9], $0x50  }
0xf7: {  	[sflag:s9] =	ssyncset.done $0x0  }
0xf8: {  	s14 =	simm.s32 $0xD;
	[sflag:s9] =	ssyncadd.s32 $0xFFFFFFB0  }
0xf9: {  	[spmem:s2] =	stream.indirect.scatter.add.f32 [tilespmem:s29], [sflag:$0x10], $0x80, s18, s21, $0xb8;
	[tilespmem:$0x1E400] =	vst v63  }
0xfa: {  	_ =	swait.ge [sflag:s14], $0x2800  }
0xfb: {  	[sflag:s14] =	ssyncset.done $0x0  }
0xfc: {  	s15 =	simm.s32 $0xE;
	[sflag:s14] =	ssyncadd.s32 $0xFFFFD800  }
0xfd: {  	_ =	swait.ge [sflag:s15], $0x2800  }
0xfe: {  	[sflag:s15] =	ssyncset.done $0x0  }
0xff: {  	s16 =	simm.s32 $0xF;
	[sflag:s15] =	ssyncadd.s32 $0xFFFFD800  }
0x100: {  	_ =	swait.ge [sflag:s16], $0x2800  }
0x101: {  	[sflag:s16] =	ssyncset.done $0x0  }
0x102: {  	s18 =	simm.s32 $0x10;
	[sflag:s16] =	ssyncadd.s32 $0xFFFFD800  }
0x103: {  	_ =	swait.ge [sflag:s18], $0x2800  }
0x104: {  	[sflag:s18] =	ssyncset.done $0x0  }
0x105: {  	s10 =	rddreg [dreg:$0xe];
	[sflag:s18] =	ssyncadd.s32 $0xFFFFD800  }
0x106: {  	[tilespmem:s3], [sflag:$0x11] =	stream.linear.gather [hbm4b:s10+s3], $0x50, $0x38;
	[tilespmem:$0x1E400] =	vst v63  }
0x107: {  	s10 =	simm.s32 $0x11  }
0x108: {  	_ =	swait.ge [sflag:s10], $0x50  }
0x109: {  	[sflag:s10] =	ssyncset.done $0x0  }
0x10a: {  	s11 =	rddreg [dreg:$0xf];
	[sflag:s10] =	ssyncadd.s32 $0xFFFFFFB0  }
0x10b: {  	[tilespmem:s13], [sflag:$0x11] =	stream.linear.gather [hbm4b:s11+s3], $0x50, $0x38;
	[tilespmem:$0x1E400] =	vst v63  }
0x10c: {  	_ =	swait.ge [sflag:s10], $0x50  }
0x10d: {  	[sflag:s10] =	ssyncset.done $0x0  }
0x10e: {  	[sflag:s10] =	ssyncadd.s32 $0xFFFFFFB0  }
0x10f: {  	[tilespmem:s12], [sflag:$0x9] =	stream.indirect.gather [hbm4b:s4+s21], $0x80, s3, s21, $0xb8;
	[tilespmem:$0x1E400] =	vst v63  }
0x110: {  	_ =	swait.ge [sflag:s30], $0x2800  }
0x111: {  	[sflag:s30] =	ssyncset.done $0x0  }
0x112: {  	[sflag:s30] =	ssyncadd.s32 $0xFFFFD800  }
0x113: {  	[spmem:s2] =	stream.indirect.scatter.add.f32 [tilespmem:s12], [sflag:$0x11], $0x80, s13, s21, $0xb8;
	[tilespmem:$0x1E400] =	vst v63  }
0x114: {  	_ =	swait.ge [sflag:s10], $0x2800  }
0x115: {  	[sflag:s10] =	ssyncset.done $0x0  }
0x116: {  	[sflag:s10] =	ssyncadd.s32 $0xFFFFD800  }
0x117: {  	[bflag:$0x0] =	sbarrier.arrive $0xFFFF  }
0x118: {  	s12 =	rddreg [dreg:$0xd]  }
0x119: {  	s14 =	rddreg [dreg:$0x10]  }
0x11a: {  	s15 =	rddreg [dreg:$0x13]  }
0x11b: {  	[hbm:s14], [sflag:s12] =	dma.local [spmem:s15], $0x2800  }
0x11c: {  	_ =	swait.ge [sflag:s10], $0x2800  }
0x11d: {  	s16 =	rddreg [dreg:$0x12]  }
0x11e: {  	s18 =	rddreg [dreg:$0x11];
	s11 =	sadd.s32 $0x1, s16  }
0x11f: {  	p0 =	sne.s32 s11, s18  }
.Ltmp1:
0x120: {  	_ = 	snop;
	(pc) =	sbr.rel @p0 .LBB2_1-.Ltmp1, $3  }
0x121: {  	_ =	sdelay $0x1  }
0x122: {  	[sflag:s10] =	ssyncset.done $0x0  }
0x123: {  	s17 =	simm.s32 $0x380;
	[sflag:s10] =	ssyncadd.s32 $0xFFFFD800  }
0x124: {  	_ =	sfence.sel $0x180000  }
0x125: {  	[bflag:$0x0] =	sbarrier.arrive $0xFFFF  }
0x126: {  	_ =	strace $0x9000004D  }
0x127: {  	s0 =	stileid.u32;
	[bflag:$0x2] =	sbarrier.arrive $0xFFFF  }
0x128: {  	p0 =	sne.s32 s0, $0x0;
	s0 =	rddreg [dreg:$0x2]  }
0x129: {  	s0 =	sadd.s32 @!p0 $0x100000, s0  }
0x12a: {  	[sflag:s0] =	ssyncadd.tile.s32 @!p0 $0x1;
	_ =	shalt  }
.Lfunc_end2:
_tile_overlayer_lowered:
.L_overlay_start_2:
0x12b: {  	(tag) =	ssettag $0x2  }
0x12c: {  	s0 =	rddreg [dreg:$0x0];
	s2 =	stileid.u32  }
0x12d: {  	s1 =	rddreg [dreg:$0x1];
	p0 =	sne.s32 s2, $0x0  }
0x12e: {  	s3 =	rddreg [dreg:$0x2];
	[bflag:$0x3] =	sbarrier.arrive $0xFFFF;
	s2 =	simm.s32 @!p0 $0x1C11  }
0x12f: {  	[timem:s3], [sflag:s2] =	dma.local @!p0 [hbm:s0], s1  }
0x130: {  	s0 =	simm.s32 @!p0 $0x11  }
0x131: {  	_ =	swait.ge @!p0 [sflag:s0], s1  }
0x132: {  	s1 =	ssub.s32 @!p0 $0x0, s1;
	[sflag:s0] =	ssyncset.done @!p0 $0x0  }
0x133: {  	[sflag:s0] =	ssyncadd.s32 @!p0 s1  }
0x134: {  	[bflag:$0x3] =	sbarrier.arrive $0xFFFF  }
0x135: {  	_ =	shalt  }

// kernel: kernel.19.cloned.1.call-start
scs
__scs_entry_jumppad:
0x0: {  	(pc) =	sbr.rel $0x88, $3  }
0x1: {  	(tag) =	ssettag $0x0;
	lr =	simm.s32 $0x1  }
0x2: {  	[smem:$0x3F7B] =	sst lr;
	_ =	strace $0xD0000000  }
0x3: {  	_ = 	snop  }
0x4: {  	_ = 	snop  }
0x5: {  	_ = 	snop  }
0x6: {  	_ = 	snop  }
0x7: {  	_ = 	snop  }
__scs_overlays_trampoline_lowered:
0x8: {  	[smem:$0x3F8A] =	sst s0  }
0x9: {  	[smem:$0x3F8B] =	sst s1  }
0xa: {  	[smem:$0x3F8C] =	sst s2  }
0xb: {  	[smem:$0x3F8D] =	sst s3  }
0xc: {  	[smem:$0x3F8E] =	sst s4  }
0xd: {  	[smem:$0x3F8F] =	sst s5  }
0xe: {  	[smem:$0x3F90] =	sst s6  }
0xf: {  	[smem:$0x3F91] =	sst s7  }
0x10: {  	[smem:$0x3F92] =	sst s8  }
0x11: {  	[smem:$0x3F93] =	sst s9;
	s0 =	simm.s32 @!p0 $0x0  }
0x12: {  	s1 =	sld [smem:$0x3F79];
	s0 =	simm.s32 @p0 $0x1  }
0x13: {  	[smem:$0x3F94] =	sst s0;
	s0 =	simm.s32 @!p1 $0x0  }
0x14: {  	s2 =	sld [smem:$0x3F78];
	s0 =	simm.s32 @p1 $0x1  }
0x15: {  	[smem:$0x3F95] =	sst s0;
	s0 =	simm.s32 @!p2 $0x0  }
0x16: {  	s3 =	sld [smem:$0x3FDB];
	s0 =	simm.s32 @p2 $0x1  }
0x17: {  	s4 =	simm.s32 $0x1BF5;
	[smem:$0x3F97] =	sst s0  }
0x18: {  	s0 =	sld [smem:$0x3F7A];
	_ =	swait.ge [sflag:s4], $0x0  }
0x19: {  	s7 =	sld [smem:$0x3F7B]  }
0x1a: {  	s8 =	sadd.s32 $0xFFFFE003, lr  }
0x1b: {  	s9 =	sadd.s32 $0xFFFFFEF7, lr;
	s5 =	simm.s32 $0xFFFFFFFF;
	p2 =	slt.u32 s8, $0xFFFFF086  }
0x1c: {  	p1 =	slt.u32 s9, $0xF7A;
	s5 =	simm.s32 @!p2 $0x0  }
0x1d: {  	s5 =	simm.s32 @p1 $0x1;
	p0 =	seq.s32 s7, s2  }
0x1e: {  	s7 =	smul.u32 @!p0 $0xF7A, s2;
	p2 =	seq.s32 @!p0 s5, $0x0  }
0x1f: {  	s9 =	smul.u32 $0xF7A, s1;
	s8 =	simm.s32 @!p0 $0x1BF5;
	p2 =	por !p2, p0  }
0x20: {  	[sflag:s8] =	ssyncset.s32 @!p0 $0xFFFFF086;
	s6 =	sadd.s32 @!p0 s3, s7;
	s7 =	simm.s32 @!p0 $0x108  }
0x21: {  	s3 =	sadd.s32 s3, s9;
	s6 =	sadd.s32 @!p0 $0x88, s6;
	s7 =	simm.s32 @p2 $0x1082  }
0x22: {  	[simem:s7], [sflag:s8] =	dma.local @!p0 [hbm:s6], $0xF7A  }
0x23: {  	s9 =	sor.u32 $0xD0000000, s2;
	s6 =	simm.s32 $0x108;
	_ =	swait.ge @!p0 [sflag:s8], $0x0  }
0x24: {  	s3 =	sadd.s32 $0x88, s3;
	s6 =	simm.s32 @!p1 $0x1082;
	[sflag:s4] =	ssyncset.s32 $0xFFFFF086  }
0x25: {  	[simem:s6], [sflag:s4] =	dma.local [hbm:s3], $0xF7A  }
0x26: {  	[smem:$0x3F7B] =	sst s1;
	(tag) =	ssettag s2;
	_ =	strace s9  }
0x27: {  	s1 =	sld [smem:$0x3F8B]  }
0x28: {  	s2 =	sld [smem:$0x3F8C]  }
0x29: {  	s4 =	sld [smem:$0x3F8E]  }
0x2a: {  	p0 =	seq.s32 s5, $0x0;
	s5 =	sld [smem:$0x3F8F]  }
0x2b: {  	s6 =	sld [smem:$0x3F90]  }
0x2c: {  	s7 =	sld [smem:$0x3F91]  }
0x2d: {  	s3 =	simm.s32 $0x108;
	s8 =	sld [smem:$0x3F92]  }
0x2e: {  	s3 =	simm.s32 @!p0 $0x1082;
	s9 =	sld [smem:$0x3F93]  }
0x2f: {  	lr =	sadd.s32 s0, s3;
	s0 =	sld [smem:$0x3F8A]  }
0x30: {  	s3 =	sld [smem:$0x3F8D]  }
0x31: {  	[smem:$0x3F96] =	sst s10  }
0x32: {  	s10 =	sld [smem:$0x3F94];
	_ =	sdelay $0x3  }
0x33: {  	p0 =	seq.s32 s10, $0x1;
	s10 =	sld [smem:$0x3F96];
	_ =	sdelay $0x3  }
0x34: {  	[smem:$0x3F96] =	sst s10  }
0x35: {  	s10 =	sld [smem:$0x3F95];
	_ =	sdelay $0x3  }
0x36: {  	p1 =	seq.s32 s10, $0x1;
	s10 =	sld [smem:$0x3F96];
	_ =	sdelay $0x3  }
0x37: {  	[smem:$0x3F96] =	sst s10  }
0x38: {  	s10 =	sld [smem:$0x3F97]  }
0x39: {  	_ = 	snop;
	(pc) =	sbr.ind lr, $3  }
0x3a: {  	_ = 	snop  }
0x3b: {  	_ = 	snop  }
0x3c: {  	p2 =	seq.s32 s10, $0x1;
	s10 =	sld [smem:$0x3F96]  }
0x3d: {  	_ =	shalt  }
0x3e: {  	_ =	shalt  }
0x3f: {  	_ =	shalt  }
0x40: {  	_ =	shalt  }
0x41: {  	_ =	shalt  }
0x42: {  	_ =	shalt  }
0x43: {  	_ =	shalt  }
0x44: {  	_ =	shalt  }
0x45: {  	_ =	shalt  }
0x46: {  	_ =	shalt  }
0x47: {  	_ =	shalt  }
0x48: {  	_ =	shalt  }
0x49: {  	_ =	shalt  }
0x4a: {  	_ =	shalt  }
0x4b: {  	_ =	shalt  }
0x4c: {  	_ =	shalt  }
0x4d: {  	_ =	shalt  }
0x4e: {  	_ =	shalt  }
0x4f: {  	_ =	shalt  }
0x50: {  	_ =	shalt  }
0x51: {  	_ =	shalt  }
0x52: {  	_ =	shalt  }
0x53: {  	_ =	shalt  }
0x54: {  	_ =	shalt  }
0x55: {  	_ =	shalt  }
0x56: {  	_ =	shalt  }
0x57: {  	_ =	shalt  }
0x58: {  	_ =	shalt  }
0x59: {  	_ =	shalt  }
0x5a: {  	_ =	shalt  }
0x5b: {  	_ =	shalt  }
0x5c: {  	_ =	shalt  }
0x5d: {  	_ =	shalt  }
0x5e: {  	_ =	shalt  }
0x5f: {  	_ =	shalt  }
0x60: {  	_ =	shalt  }
0x61: {  	_ =	shalt  }
0x62: {  	_ =	shalt  }
0x63: {  	_ =	shalt  }
0x64: {  	_ =	shalt  }
0x65: {  	_ =	shalt  }
0x66: {  	_ =	shalt  }
0x67: {  	_ =	shalt  }
0x68: {  	_ =	shalt  }
0x69: {  	_ =	shalt  }
0x6a: {  	_ =	shalt  }
0x6b: {  	_ =	shalt  }
0x6c: {  	_ =	shalt  }
0x6d: {  	_ =	shalt  }
0x6e: {  	_ =	shalt  }
0x6f: {  	_ =	shalt  }
0x70: {  	_ =	shalt  }
0x71: {  	_ =	shalt  }
0x72: {  	_ =	shalt  }
0x73: {  	_ =	shalt  }
0x74: {  	_ =	shalt  }
0x75: {  	_ =	shalt  }
0x76: {  	_ =	shalt  }
0x77: {  	_ =	shalt  }
0x78: {  	_ =	shalt  }
0x79: {  	_ =	shalt  }
0x7a: {  	_ =	shalt  }
0x7b: {  	_ =	shalt  }
0x7c: {  	_ =	shalt  }
0x7d: {  	_ =	shalt  }
0x7e: {  	_ =	shalt  }
0x7f: {  	_ =	shalt  }
0x80: {  	_ =	shalt  }
0x81: {  	_ =	shalt  }
0x82: {  	_ =	shalt  }
0x83: {  	_ =	shalt  }
0x84: {  	_ =	shalt  }
0x85: {  	_ =	shalt  }
0x86: {  	_ =	shalt  }
0x87: {  	_ =	shalt  }
.Lfunc_end0:
.L_simem_size_0:
called_computation.3_lowered:
.L_overlay_start_0:
0x88: {  	s2 =	sld [smem:$0x3FD9]  }
0x89: {  	s3 =	sld [smem:$0x3FFE];
	_ =	sdelay $0x1  }
0x8a: {  	s1 =	srdreg.scid  }
0x8b: {  	s0 =	sand.u32 $0x1, s1  }
0x8c: {  	s17 =	sshll.u32 s0, $0xA;
	s2 =	sadd.s32 s3, s2  }
0x8d: {  	s2 =	sadd.s32 s2, s17  }
0x8e: {  	[smem:$0x3FA2] =	sst s2  }
0x8f: {  	_ = 	snop  }
0x90: {  	s2 =	sld [smem:$0x3FA6]  }
0x91: {  	s18 =	sld [smem:$0x3FA5];
	(tm) =	ssettm $0x1  }
0x92: {  	s4 =	sld [smem:$0x3FFB];
	_ =	sdelay $0x3  }
0x93: {  	_ =	strace s4  }
0x94: {  	s4 =	sld [smem:$0x3FFC];
	_ =	sdelay $0x3  }
0x95: {  	_ =	strace s4  }
0x96: {  	s4 =	sld [smem:$0x3FFD];
	_ =	sdelay $0x3  }
0x97: {  	_ =	strace s4  }
0x98: {  	_ =	strace $0x8FFFFFFF  }
0x99: {  	s19 =	sld [smem:$0x3FDB];
	_ =	sdelay $0x1  }
0x9a: {  	s5 =	simm.s32 $_scs_section_size  }
0x9b: {  	s6 =	simm.s32 $_size__tile_overlayer_lowered;
	s7 =	simm.s32 $_tile_overlayer_lowered  }
0x9c: {  	s22 =	simm.s32 $0x1BFF;
	s21 =	sshll.u32 s7, $0x1;
	s4 =	sadd.s32 s5, s19  }
0x9d: {  	s8 =	simm.s32 $0x0;
	s20 =	sshll.u32 s6, $0x1;
	s6 =	sadd.s32 s21, s4  }
0x9e: {  	[timem:s8], [sflag:s22] =	dma.local [hbm:s6], s20  }
0x9f: {  	_ =	swait.ge [sflag:s22], s20  }
0xa0: {  	s5 =	ssub.s32 $0x0, s20;
	[sflag:s22] =	ssyncset.done $0x0  }
0xa1: {  	[sflag:s22] =	ssyncadd.s32 s5;
	_ =	sdelay $0x1  }
0xa2: {  	s23 =	simm.s32 $0x1B8B  }
0xa3: {  	_ =	swait.ge [sflag:s23], $0x1  }
0xa4: {  	[sflag:s23] =	ssyncset.done $0x0  }
0xa5: {  	s25 =	simm.s32 $0x1B8E;
	s24 =	sld [smem:$0x3FFE];
	[sflag:s23] =	ssyncadd.s32 $0xFFFFFFFF  }
0xa6: {  	s26 =	simm.s32 $execute0_lowered;
	[smem:$0x3FD2] =	sst s25  }
0xa7: {  	s6 =	sshll.u32 s26, $0x1;
	_ =	strace $0x8000004F;
	[dreg:$0x1] =	wrdreg $0xFFFFFFFF  }
0xa8: {  	s28 =	simm.s32 $_size_execute0_lowered;
	s4 =	sadd.s32 s4, s6;
	[dreg:$0x0] =	wrdreg $0x0  }
0xa9: {  	s6 =	sshll.u32 s28, $0x1;
	[dreg:$0x2] =	wrdreg s4  }
0xaa: {  	[dreg:$0x3] =	wrdreg s6  }
0xab: {  	[dreg:$0x4] =	wrdreg $0xC0  }
0xac: {  	_ =	task [dreg:s8], $0x5FFFF  }
0xad: {  	[dreg:$0x1] =	wrdreg $0xFFFFFFFF  }
0xae: {  	[dreg:$0x0] =	wrdreg $0x60  }
0xaf: {  	[dreg:$0x2] =	wrdreg s24  }
0xb0: {  	[dreg:$0x3] =	wrdreg s2  }
0xb1: {  	[dreg:$0x4] =	wrdreg s18  }
0xb2: {  	[dreg:$0x5] =	wrdreg $0x9  }
0xb3: {  	_ =	task.clear_ibuf [dreg:s8], $0x6FFFF;
	_ =	strace $0x9000004F  }
0xb4: {  	s29 =	simm.s32 $0x9;
	_ =	strace $0x80000051  }
0xb5: {  	_ =	swait.ge [sflag:s29], $0x1  }
0xb6: {  	[sflag:s29] =	ssyncadd.s32 $0xFFFFFFFF  }
0xb7: {  	_ =	strace $0x90000051  }
0xb8: {  	_ =	sfence  }
0xb9: {  	s30 =	sld [smem:$0x0];
	_ =	sdelay $0x2  }
0xba: {  	s31 =	sshll.u32 s1, $0xD;
	s1 =	sshrl.u32 s1, $0x2  }
0xbb: {  	s3 =	sand.u32 $0x4000, s31;
	s1 =	sadd.s32 s1, s30  }
0xbc: {  	s0 =	sor.u32 s3, s0;
	s1 =	sshll.u32 s1, $0x11  }
0xbd: {  	s0 =	sor.u32 s1, s0  }
0xbe: {  	s0 =	sadd.s32 $0x8F2B, s0  }
0xbf: {  	[sflag:s0] =	ssyncadd.remote.s32 $0x1  }
0xc0: {  	_ =	sfence.sel $0xFFFF  }
0xc1: {  	[dreg:$0x0] =	wrdreg $0xFFFFFFFF;
	(pc) =	sbr.abs _section_cstart, $3  }
0xc2: {  	[dreg:$0x1] =	wrdreg $0xFFFFFFFF  }
0xc3: {  	_ =	task.clear_ibuf [dreg:s8], $0x2FFFF;
	_ =	strace $0x9FFFFFFF  }
0xc4: {  	(tm) =	ssettm $0x7FFFFFFF  }
0xc5: {  	_ =	shalt  }
tec
execute0_lowered:
.L_overlay_start_1:
0x0: {  	(tag) =	ssettag $0x1  }
0x1: {  	s8 =	rddreg [dreg:$0x0];
	s1 =	srdreg.scid  }
0x2: {  	s3 =	rddreg [dreg:$0x1];
	s0 =	stileid.u32;
	s10 =	sand.u32 $0x1, s1  }
0x3: {  	s9 =	rddreg [dreg:$0x2];
	s4 =	sshll.u32 s0, $0x8;
	s5 =	sshll.u32 s10, $0x7  }
0x4: {  	s2 =	simm.s32 $0x0;
	s1 =	rddreg [dreg:$0x3];
	s11 =	sor.u32 s5, s4  }
0x5: {  	[smem:$0x7FF] =	sst s2;
	s12 =	sshrl.u32 s11, $0x3  }
0x6: {  	_ =	strace $0x80000050;
	s4 =	sadd.s32 s3, s12;
	s3 =	simm.s32 $0x2  }
0x7: {  	[tilespmem:s2], [sflag:$0x2] =	stream.linear.gather [hbm4b:s4+s2], $0x80, $0x38;
	[tilespmem:$0x4080] =	vst v63  }
0x8: {  	_ =	swait.ge [sflag:s3], $0x80  }
0x9: {  	s6 =	simm.s32 $0x80;
	[sflag:s3] =	ssyncset.done $0x0  }
0xa: {  	s7 =	simm.s32 $0x1;
	s5 =	sadd.s32 $0x6E00, s8;
	[sflag:s3] =	ssyncadd.s32 $0xFFFFFF80  }
0xb: {  	[tilespmem:s6], [sflag:$0x1] =	stream.indirect.gather [hbm4b:s5+s6], $0x80, s2, s6, $0xb8;
	[tilespmem:$0x4080] =	vst v63  }
0xc: {  	s11 =	sshll.u32 s11, $0x4;
	_ =	swait.ge [sflag:s7], $0x4000  }
0xd: {  	s11 =	sadd.s32 s11, s8;
	[sflag:s7] =	ssyncset.done $0x0  }
0xe: {  	s8 =	sadd.s32 $0x2E000, s11;
	[sflag:s7] =	ssyncadd.s32 $0xFFFFC000  }
0xf: {  	[hbm4b:s8+s2] =	stream.linear.scatter [tilespmem:s6], [sflag:$0x2], $0x4000, $0x38;
	[tilespmem:$0x4080] =	vst v63  }
0x10: {  	_ =	swait.ge [sflag:s3], $0x4000  }
0x11: {  	[sflag:s3] =	ssyncset.done $0x0  }
0x12: {  	s10 =	ssub.s32 $0x2, s10;
	s9 =	sadd.s32 s9, s12;
	[sflag:s3] =	ssyncadd.s32 $0xFFFFC000  }
0x13: {  	[tilespmem:s2], [sflag:$0x2] =	stream.linear.gather [hbm4b:s9+s2], $0x80, $0x38;
	[tilespmem:$0x4080] =	vst v63  }
0x14: {  	s30 =	sshrl.u32 s10, $0x1;
	_ =	swait.ge [sflag:s3], $0x80  }
0x15: {  	s12 =	ssub.s32 s10, s30;
	[sflag:s3] =	ssyncset.done $0x0  }
0x16: {  	s31 =	smax.u32 s12, $0x1;
	[sflag:s3] =	ssyncadd.s32 $0xFFFFFF80  }
0x17: {  	[tilespmem:s6], [sflag:$0x1] =	stream.indirect.gather [hbm4b:s5+s6], $0x80, s2, s6, $0xb8;
	[tilespmem:$0x4080] =	vst v63  }
0x18: {  	p0 =	sne.s32 s31, $0x1;
	_ =	swait.ge [sflag:s7], $0x4000  }
.Ltmp0:
0x19: {  	[sflag:s7] =	ssyncset.done $0x0;
	(pc) =	sbr.rel @!p0 .LBB2_2-.Ltmp0, $4  }
0x1a: {  	s10 =	sadd.s32 $0x3E000, s11;
	[sflag:s7] =	ssyncadd.s32 $0xFFFFC000  }
0x1b: {  	[hbm4b:s10+s2] =	stream.linear.scatter [tilespmem:s6], [sflag:$0x2], $0x4000, $0x38;
	[tilespmem:$0x4080] =	vst v63  }
0x1c: {  	_ =	swait.ge [sflag:s3], $0x4000  }
0x1d: {  	s11 =	sadd.s32 $0xFFFFFFFF, s31;
	[sflag:s3] =	ssyncset.done $0x0  }
.LBB2_1:
0x1e: {  	p0 =	sne.s32 s11, $0x1;
	s11 =	sadd.s32 $0xFFFFFFFF, s11;
	[sflag:s3] =	ssyncadd.s32 $0xFFFFC000  }
0x1f: {  	[tilespmem:s2], [sflag:$0x2] =	stream.linear.gather [hbm4b:s4+s2], $0x80, $0x38;
	[tilespmem:$0x4080] =	vst v63  }
0x20: {  	_ =	swait.ge [sflag:s3], $0x80  }
0x21: {  	[sflag:s3] =	ssyncset.done $0x0  }
0x22: {  	[sflag:s3] =	ssyncadd.s32 $0xFFFFFF80  }
0x23: {  	[tilespmem:s6], [sflag:$0x1] =	stream.indirect.gather [hbm4b:s5+s6], $0x80, s2, s6, $0xb8;
	[tilespmem:$0x4080] =	vst v63  }
0x24: {  	_ =	swait.ge [sflag:s7], $0x4000  }
0x25: {  	[sflag:s7] =	ssyncset.done $0x0  }
0x26: {  	[sflag:s7] =	ssyncadd.s32 $0xFFFFC000  }
0x27: {  	[hbm4b:s8+s2] =	stream.linear.scatter [tilespmem:s6], [sflag:$0x2], $0x4000, $0x38;
	[tilespmem:$0x4080] =	vst v63  }
0x28: {  	_ =	swait.ge [sflag:s3], $0x4000  }
0x29: {  	[sflag:s3] =	ssyncset.done $0x0  }
0x2a: {  	[sflag:s3] =	ssyncadd.s32 $0xFFFFC000  }
0x2b: {  	[tilespmem:s2], [sflag:$0x2] =	stream.linear.gather [hbm4b:s9+s2], $0x80, $0x38;
	[tilespmem:$0x4080] =	vst v63  }
0x2c: {  	_ =	swait.ge [sflag:s3], $0x80  }
0x2d: {  	[sflag:s3] =	ssyncset.done $0x0  }
0x2e: {  	[sflag:s3] =	ssyncadd.s32 $0xFFFFFF80  }
0x2f: {  	[tilespmem:s6], [sflag:$0x1] =	stream.indirect.gather [hbm4b:s5+s6], $0x80, s2, s6, $0xb8;
	[tilespmem:$0x4080] =	vst v63  }
0x30: {  	_ =	swait.ge [sflag:s7], $0x4000  }
.Ltmp1:
0x31: {  	[sflag:s7] =	ssyncset.done $0x0;
	(pc) =	sbr.rel @p0 .LBB2_1-.Ltmp1, $4  }
0x32: {  	[sflag:s7] =	ssyncadd.s32 $0xFFFFC000  }
0x33: {  	[hbm4b:s10+s2] =	stream.linear.scatter [tilespmem:s6], [sflag:$0x2], $0x4000, $0x38;
	[tilespmem:$0x4080] =	vst v63  }
0x34: {  	_ =	swait.ge [sflag:s3], $0x4000  }
0x35: {  	[sflag:s3] =	ssyncset.done $0x0  }
.LBB2_2:
0x36: {  	[sflag:s3] =	ssyncadd.s32 $0xFFFFC000  }
0x37: {  	_ =	sfence.sel $0x180000  }
0x38: {  	[bflag:$0x0] =	sbarrier.arrive $0xFFFF  }
0x39: {  	p0 =	sne.s32 s0, $0x0;
	_ =	strace $0x90000050  }
0x3a: {  	s0 =	sadd.s32 @!p0 $0x100000, s1;
	[bflag:$0x2] =	sbarrier.arrive $0xFFFF  }
0x3b: {  	[sflag:s0] =	ssyncadd.tile.s32 @!p0 $0x1;
	_ =	shalt  }
.Lfunc_end2:
_tile_overlayer_lowered:
.L_overlay_start_2:
0x3c: {  	(tag) =	ssettag $0x2  }
0x3d: {  	s0 =	rddreg [dreg:$0x0];
	s2 =	stileid.u32  }
0x3e: {  	s1 =	rddreg [dreg:$0x1];
	p0 =	sne.s32 s2, $0x0  }
0x3f: {  	s3 =	rddreg [dreg:$0x2];
	[bflag:$0x3] =	sbarrier.arrive $0xFFFF;
	s2 =	simm.s32 @!p0 $0x1C02  }
0x40: {  	[timem:s3], [sflag:s2] =	dma.local @!p0 [hbm:s0], s1  }
0x41: {  	s0 =	simm.s32 @!p0 $0x2  }
0x42: {  	_ =	swait.ge @!p0 [sflag:s0], s1  }
0x43: {  	s1 =	ssub.s32 @!p0 $0x0, s1;
	[sflag:s0] =	ssyncset.done @!p0 $0x0  }
0x44: {  	[sflag:s0] =	ssyncadd.s32 @!p0 s1  }
0x45: {  	[bflag:$0x3] =	sbarrier.arrive $0xFFFF  }
0x46: {  	_ =	shalt  }

</sc_bundles>
